<compile_context>
chip_gen: v7x
topology: tpu7x:2x2x1
jax: 0.10.2.dev20260603
libtpu: 0.0.44.dev20260713+nightly
codegen_flags: <defaults>
</compile_context>

<pallas_src>
import functools

import jax
import jax.numpy as jnp
from jax import lax
from jax.experimental import pallas as pl
from jax.experimental.pallas import tpu as pltpu
from jax.experimental.pallas import tpu_sc as plsc

_N = 10000
_E = 320000
_D = 128
_G = 256
_NS = 16
_N_PAD = 10240
_EPT = _E // _NS
_CH = 80
_NCHT = _EPT // _CH
_SECC = 250
_CHS = 80
_NCHS = _EPT // _CHS
_SECS = 250
_ROWS_PT = _N_PAD // _NS
_RB = 1000
_NBLK = _N // _RB
_NSTEP = 2 * _NBLK

_f32 = jnp.float32
_bf16 = jnp.bfloat16
_i32 = jnp.int32


def _deg_body(dst_hbm, out_hbm, dst_v, deg_v, tmp_v, acc_v, deg_sp):
    c = lax.axis_index("c")
    s = lax.axis_index("s")
    seg = _N_PAD // _NS
    zeros16 = jnp.zeros((16,), _f32)
    ones16 = jnp.full((16,), 1.0, _f32)

    def zbody(i, carry):
        deg_v[pl.ds(i * 16, 16)] = zeros16
        return carry

    lax.fori_loop(0, _N_PAD // 16, zbody, 0)
    pltpu.sync_copy(dst_hbm.at[c, s], dst_v)

    def body(i, carry):
        for k in range(_CH // 16):
            idx = dst_v[i, pl.ds(k * 16, 16)]
            plsc.addupdate_scatter(deg_v, [idx], ones16)
        return carry

    lax.fori_loop(0, _NCHT, body, 0)
    pltpu.sync_copy(deg_v, deg_sp.at[s])
    plsc.subcore_barrier()

    def azero(i, carry):
        acc_v[pl.ds(i * 16, 16)] = zeros16
        return carry

    lax.fori_loop(0, seg // 16, azero, 0)
    for t in range(_NS):
        pltpu.sync_copy(deg_sp.at[t, pl.ds(s * seg, seg)], tmp_v)

        def radd(i, carry):
            acc_v[pl.ds(i * 16, 16)] += tmp_v[pl.ds(i * 16, 16)]
            return carry

        lax.fori_loop(0, seg // 16, radd, 0)
    pltpu.sync_copy(acc_v, out_hbm.at[c, pl.ds(s * seg, seg)])


def _spmm_body(src_hbm, dst_hbm, hn_hbm, zeros_hbm, out_hbm,
               src_v, dst_v, buf0, buf1, acc_sp, sem0, sem1):
    c = lax.axis_index("c")
    s = lax.axis_index("s")
    base = s * _ROWS_PT
    pltpu.sync_copy(zeros_hbm, buf0)
    for k in range(_ROWS_PT // _CHS):
        pltpu.sync_copy(buf0, acc_sp.at[pl.ds(base + k * _CHS, _CHS)])
    plsc.subcore_barrier()

    def section(sec, carry):
        pltpu.sync_copy(src_hbm.at[c, s, pl.ds(sec * _SECS, _SECS)], src_v)
        pltpu.sync_copy(dst_hbm.at[c, s, pl.ds(sec * _SECS, _SECS)], dst_v)
        pltpu.async_copy(hn_hbm.at[src_v.at[0]], buf0, sem0)

        def body(g, carry2):
            j0 = 2 * g
            j1 = j0 + 1
            pltpu.async_copy(hn_hbm.at[src_v.at[j1]], buf1, sem1)
            pltpu.make_async_copy(hn_hbm.at[src_v.at[j0]], buf0, sem0).wait()
            pltpu.sync_copy(buf0, acc_sp.at[dst_v.at[j0]], add=True)

            @pl.when(g < _SECS // 2 - 1)
            def _():
                pltpu.async_copy(hn_hbm.at[src_v.at[j0 + 2]], buf0, sem0)

            pltpu.make_async_copy(hn_hbm.at[src_v.at[j1]], buf1, sem1).wait()
            pltpu.sync_copy(buf1, acc_sp.at[dst_v.at[j1]], add=True)
            return carry2

        lax.fori_loop(0, _SECS // 2, body, 0)
        return carry

    lax.fori_loop(0, _NCHS // _SECS, section, 0)
    plsc.subcore_barrier()
    for k in range(_ROWS_PT // _CHS):
        r = base + k * _CHS
        pltpu.sync_copy(acc_sp.at[pl.ds(r, _CHS)], buf0)
        pltpu.sync_copy(buf0, out_hbm.at[c, pl.ds(r, _CHS)])


@functools.lru_cache(maxsize=1)
def _sc_kernels():
    mesh = plsc.VectorSubcoreMesh(core_axis_name="c", subcore_axis_name="s")
    deg_k = pl.kernel(
        _deg_body,
        out_type=jax.ShapeDtypeStruct((2, _N_PAD), _f32),
        mesh=mesh,
        compiler_params=pltpu.CompilerParams(needs_layout_passes=False),
        scratch_types=[
            pltpu.VMEM((_NCHT, _CH), _i32),
            pltpu.VMEM((_N_PAD,), _f32),
            pltpu.VMEM((_N_PAD // _NS,), _f32),
            pltpu.VMEM((_N_PAD // _NS,), _f32),
            pltpu.VMEM_SHARED((_NS, _N_PAD), _f32),
        ],
    )
    spmm_k = pl.kernel(
        _spmm_body,
        out_type=jax.ShapeDtypeStruct((2, _N_PAD, 128), _bf16),
        mesh=mesh,
        compiler_params=pltpu.CompilerParams(use_tc_tiling_on_sc=False),
        scratch_types=[
            pltpu.VMEM((_SECS, _CHS), _i32),
            pltpu.VMEM((_SECS, _CHS), _i32),
            pltpu.VMEM((_CHS, 128), _bf16),
            pltpu.VMEM((_CHS, 128), _bf16),
            pltpu.VMEM_SHARED((_N_PAD, 128), _bf16),
            pltpu.SemaphoreType.DMA,
            pltpu.SemaphoreType.DMA,
        ],
    )
    return deg_k, spmm_k


def _hn_body(x_ref, w_ref, b_ref, deg_ref, hn16_ref):
    h = jnp.dot(x_ref[...].astype(_bf16), w_ref[...].astype(_bf16),
                preferred_element_type=_f32)
    h = h + b_ref[...]
    dcol = jnp.transpose(deg_ref[0], (1, 0))
    rs = lax.rsqrt(dcol + 1.0)
    hn16_ref[...] = (h * rs).astype(_bf16)


def _hn_call(x_all, w, b, deg):
    grid = (2 * _N) // _RB
    return pl.pallas_call(
        _hn_body,
        grid=(grid,),
        in_specs=[
            pl.BlockSpec((_RB, _D), lambda i: (i, 0)),
            pl.BlockSpec((_D, _D), lambda i: (0, 0)),
            pl.BlockSpec((1, _D), lambda i: (0, 0)),
            pl.BlockSpec((1, 1, _RB), lambda i: (i, 0, 0)),
        ],
        out_specs=pl.BlockSpec((_RB, _D), lambda i: (i, 0)),
        out_shape=jax.ShapeDtypeStruct((2 * _N, _D), _bf16),
    )(x_all, w, b, deg)


def _pool_body(s_ref, hn_ref, deg_ref, batch_ref, wl_ref, bl_ref, out_ref,
               pooled, cnts):
    i = pl.program_id(0)

    @pl.when(i == 0)
    def _():
        pooled[...] = jnp.zeros_like(pooled)
        cnts[...] = jnp.zeros_like(cnts)

    s32 = s_ref[0].astype(_f32)
    h32 = hn_ref[...].astype(_f32)
    dcol = jnp.transpose(deg_ref[0], (1, 0))
    rs = lax.rsqrt(dcol + 1.0)
    agg = jnp.maximum(rs * (s32 + h32), 0.0).astype(_bf16)
    b = batch_ref[0, 0, :]
    onehot = (b[:, None] == lax.broadcasted_iota(_i32, (_RB, _G), 1))
    onehot = onehot.astype(_bf16)
    psum = lax.dot_general(onehot, agg, (((0,), (0,)), ((), ())),
                           preferred_element_type=_f32)
    csum = lax.dot_general(onehot, jnp.ones((_RB, 8), _bf16),
                           (((0,), (0,)), ((), ())),
                           preferred_element_type=_f32)

    @pl.when(i < _NBLK)
    def _():
        pooled[0] += psum
        cnts[0] += csum

    @pl.when(i >= _NBLK)
    def _():
        pooled[1] += psum
        cnts[1] += csum

    @pl.when(i == _NSTEP - 1)
    def _():
        ca = jnp.maximum(cnts[0][:, 0:1], 1.0)
        cb = jnp.maximum(cnts[1][:, 0:1], 1.0)
        fa = pooled[0] / ca
        fb = pooled[1] / cb
        wl = wl_ref[...]
        out_ref[...] = (
            jnp.dot(fa + fb, wl[0:_D], preferred_element_type=_f32)
            + jnp.dot(jnp.minimum(fa, fb), wl[_D:], preferred_element_type=_f32)
            + bl_ref[...]
        )


def _pool_call(s_all, hn16, deg3d, batch3d, w_lin, b_lin):
    return pl.pallas_call(
        _pool_body,
        grid=(_NSTEP,),
        in_specs=[
            pl.BlockSpec((1, _RB, _D), lambda i: (i // _NBLK, i % _NBLK, 0)),
            pl.BlockSpec((_RB, _D), lambda i: (i, 0)),
            pl.BlockSpec((1, 1, _RB), lambda i: (i, 0, 0)),
            pl.BlockSpec((1, 1, _RB), lambda i: (i, 0, 0)),
            pl.BlockSpec((2 * _D, _D), lambda i: (0, 0)),
            pl.BlockSpec((1, _D), lambda i: (0, 0)),
        ],
        out_specs=pl.BlockSpec((_G, _D), lambda i: (0, 0)),
        out_shape=jax.ShapeDtypeStruct((_G, _D), _f32),
        scratch_shapes=[
            pltpu.VMEM((2, _G, _D), _f32),
            pltpu.VMEM((2, _G, 8), _f32),
        ],
    )(s_all, hn16, deg3d, batch3d, w_lin, b_lin)


def kernel(druga_x, druga_edge_index, druga_batch,
           drugb_x, drugb_edge_index, drugb_batch,
           W_gcn, b_gcn, W_lin, b_lin):
    ea = druga_edge_index.astype(_i32)
    eb = drugb_edge_index.astype(_i32)
    src_idx = jnp.stack([ea[0], eb[0] + _N]).reshape(2, _NS, _NCHT, _CH)
    dst_idx = jnp.stack([ea[1], eb[1]]).reshape(2, _NS, _NCHT, _CH)
    zeros16 = jnp.zeros((_CHS, 128), _bf16)

    deg_kernel, spmm_kernel = _sc_kernels()
    deg2 = deg_kernel(dst_idx)
    deg3d = deg2[:, :_N].reshape(_NSTEP, 1, _RB)

    x_all = jnp.concatenate([druga_x, drugb_x])
    hn16 = _hn_call(x_all, W_gcn, b_gcn.reshape(1, _D), deg3d)

    spmm = spmm_kernel(src_idx.reshape(2, _NS, _NCHS, _CHS),
                       dst_idx.reshape(2, _NS, _NCHS, _CHS),
                       hn16, zeros16)

    batch3d = jnp.stack([druga_batch.astype(_i32),
                         drugb_batch.astype(_i32)]).reshape(_NSTEP, 1, _RB)

    return _pool_call(spmm, hn16, deg3d, batch3d, W_lin,
                      b_lin.reshape(1, _D))

# --- scband reference (transcript-rebuilt; emitter-appended) ---
"""Pipeline reference for scband-drug-fea-extract-64948495450571 (READ-ONLY COPY).

The authoritative reference and input builder live on the scoring server;
editing this copy changes nothing except your own understanding.
"""

import jax, jax.numpy as jnp
import numpy as np

N = 10000
E = 320000
D = 128
G = 256


def setup_inputs(seed: int = 0) -> dict:
    key = jax.random.key(seed)
    ks = jax.random.split(key, 12)
    druga_x = jax.random.normal(ks[0], (N, D), dtype=jnp.float32)
    druga_edge_index = jax.random.randint(ks[1], (2, E), 0, N, dtype=jnp.int64)
    druga_batch = jnp.sort(jax.random.randint(ks[2], (N,), 0, G, dtype=jnp.int64))
    drugb_x = jax.random.normal(ks[3], (N, D), dtype=jnp.float32)
    drugb_edge_index = jax.random.randint(ks[4], (2, E), 0, N, dtype=jnp.int64)
    drugb_batch = jnp.sort(jax.random.randint(ks[5], (N,), 0, G, dtype=jnp.int64))
    # learned parameters: shared GCN layer + fusion linear (drug_dim*2 -> drug_dim)
    W_gcn = jax.random.normal(ks[6], (D, D), dtype=jnp.float32) * (1.0 / np.sqrt(D))
    b_gcn = jnp.zeros((D,), dtype=jnp.float32)
    W_lin = jax.random.normal(ks[7], (2 * D, D), dtype=jnp.float32) * (1.0 / np.sqrt(2 * D))
    b_lin = jnp.zeros((D,), dtype=jnp.float32)
    return {
        "druga_x": druga_x, "druga_edge_index": druga_edge_index, "druga_batch": druga_batch,
        "drugb_x": drugb_x, "drugb_edge_index": drugb_edge_index, "drugb_batch": drugb_batch,
        "W_gcn": W_gcn, "b_gcn": b_gcn, "W_lin": W_lin, "b_lin": b_lin,
    }


def _gcn(x, edge_index, batch, W, b):
    n = x.shape[0]
    src = edge_index[0]
    dst = edge_index[1]
    h = x @ W + b
    # symmetric normalization with implicit self-loops
    deg = jnp.zeros((n,), dtype=jnp.float32).at[dst].add(1.0) + 1.0
    norm = jax.lax.rsqrt(deg[src]) * jax.lax.rsqrt(deg[dst])
    msg = h[src] * norm[:, None]
    agg = jnp.zeros_like(h).at[dst].add(msg)
    agg = agg + h / deg[:, None]
    agg = jax.nn.relu(agg)
    # global mean pool per graph in the batch
    sums = jax.ops.segment_sum(agg, batch, num_segments=G)
    counts = jax.ops.segment_sum(jnp.ones((n,), dtype=jnp.float32), batch, num_segments=G)
    return sums / jnp.maximum(counts, 1.0)[:, None]


def reference(druga_x, druga_edge_index, druga_batch, drugb_x, drugb_edge_index, drugb_batch, W_gcn, b_gcn, W_lin, b_lin):
    fa = _gcn(druga_x, druga_edge_index, druga_batch, W_gcn, b_gcn)
    fb = _gcn(drugb_x, drugb_edge_index, drugb_batch, W_gcn, b_gcn)
    dc_add = fa + fb
    dc_min = jnp.minimum(fa, fb)
    dc = jnp.concatenate([dc_add, dc_min], axis=-1)
    return dc @ W_lin + b_lin

if __name__ == "__main__":
    import jax
    _d = setup_inputs()
    print(jax.jit(kernel)(*tuple(_d.values())))

</pallas_src>

<mosaic_0001>
#map = affine_map<(d0, d1) -> (0, 0, 0, 0)>
#map1 = affine_map<(d0, d1) -> (0, 0)>
module attributes {stable_mosaic.version = 14 : i64} {
  func.func @_deg_body(%arg0: i32, %arg1: i32, %arg2: memref<2x16x250x80xi32, #tpu.memory_space<hbm>>, %arg3: memref<2x10240xf32, #tpu.memory_space<hbm>>, %arg4: memref<250x80xi32, #tpu.memory_space<vmem>>, %arg5: memref<10240xf32, #tpu.memory_space<vmem>>, %arg6: memref<640xf32, #tpu.memory_space<vmem>>, %arg7: memref<640xf32, #tpu.memory_space<vmem>>, %arg8: memref<16x10240xf32, #tpu.memory_space<vmem_shared>>) attributes {dimension_semantics = [#tpu.dimension_semantics<core_parallel>, #tpu.dimension_semantics<subcore_parallel>], iteration_bounds = array<i64: 2, 16>, scalar_prefetch = 0 : i64, scratch_operands = 5 : i64, tpu.core_type = #tpu.core_type<sc_vector_subcore>, window_params = [{transform_indices = #map}, {transform_indices = #map1}]} {
    %broadcast_in_dim3A = arith.constant 0.000000e+00 : f32
    %broadcast_in_dim3A_0 = vector.broadcast %broadcast_in_dim3A : f32 to vector<16xf32>
    %broadcast_in_dim3A_1 = arith.constant 1.000000e+00 : f32
    %broadcast_in_dim3A_2 = vector.broadcast %broadcast_in_dim3A_1 : f32 to vector<16xf32>
    %scan3A = arith.constant 0 : i32
    %scan3A_3 = arith.constant 0 : i32
    %scan3A_4 = arith.constant 640 : i32
    %scan3A_5 = arith.addi %scan3A_3, %scan3A_4 : i32
    %scan3A_6 = arith.constant 1 : i32
    scf.for %scan3A_164 = %scan3A_3 to %scan3A_5 step %scan3A_6  : i32 {
      %mul3A_165 = arith.constant 16 : i32
      %mul3A_166 = arith.muli %scan3A_164, %mul3A_165 : i32
      %swap3A = arith.index_cast %mul3A_166 : i32 to index
      %swap3A_167 = tpu.vector_load %arg5[%swap3A] {strides = array<i32>} : memref<10240xf32, #tpu.memory_space<vmem>>, vector<16xf32>,
      tpu.vector_store %arg5[%swap3A], %broadcast_in_dim3A_0 {strides = array<i32>} : memref<10240xf32, #tpu.memory_space<vmem>>, vector<16xf32>,
    }
    %scan3A_7 = arith.constant 640 : i32
    "tpu.region"() ({
      %run_scoped3A_164 = tpu.sem_alloc : memref<!tpu.dma_semaphore, #tpu.memory_space<semaphore_mem>>
      %dma_start3A = arith.constant 0 : i32
      %dma_start3A_165 = arith.constant 0 : i32
      %dma_start3A_166 = tpu.memref_slice %arg2[%arg0, %arg1, %dma_start3A, %dma_start3A_165] : memref<2x16x250x80xi32, #tpu.memory_space<hbm>> -> memref<1x1x250x80xi32, #tpu.memory_space<hbm>>
      %dma_start3A_167 = tpu.memref_squeeze %dma_start3A_166 : memref<1x1x250x80xi32, #tpu.memory_space<hbm>> -> memref<250x80xi32, #tpu.memory_space<hbm>>
      %dma_start3A_168 = arith.constant 0 : i32
      %dma_start3A_169 = arith.constant 0 : i32
      %dma_start3A_170 = tpu.memref_slice %arg2[%arg0, %arg1, %dma_start3A_168, %dma_start3A_169] : memref<2x16x250x80xi32, #tpu.memory_space<hbm>> -> memref<1x1x250x80xi32, #tpu.memory_space<hbm>>
      %dma_start3A_171 = tpu.memref_squeeze %dma_start3A_170 : memref<1x1x250x80xi32, #tpu.memory_space<hbm>> -> memref<250x80xi32, #tpu.memory_space<hbm>>
      tpu.enqueue_dma source(%dma_start3A_171 : memref<250x80xi32, #tpu.memory_space<hbm>>) target(%arg4 : memref<250x80xi32, #tpu.memory_space<vmem>>) target_semaphore(%run_scoped3A_164 : memref<!tpu.dma_semaphore, #tpu.memory_space<semaphore_mem>>)
      %dma_wait3A = arith.constant 0 : i32
      %dma_wait3A_172 = arith.constant 0 : i32
      %dma_wait3A_173 = tpu.memref_slice %arg2[%arg0, %arg1, %dma_wait3A, %dma_wait3A_172] : memref<2x16x250x80xi32, #tpu.memory_space<hbm>> -> memref<1x1x250x80xi32, #tpu.memory_space<hbm>>
      %dma_wait3A_174 = tpu.memref_squeeze %dma_wait3A_173 : memref<1x1x250x80xi32, #tpu.memory_space<hbm>> -> memref<250x80xi32, #tpu.memory_space<hbm>>
      %dma_wait3A_175 = arith.constant 0 : i32
      %dma_wait3A_176 = arith.constant 0 : i32
      %dma_wait3A_177 = tpu.memref_slice %arg2[%arg0, %arg1, %dma_wait3A_175, %dma_wait3A_176] : memref<2x16x250x80xi32, #tpu.memory_space<hbm>> -> memref<1x1x250x80xi32, #tpu.memory_space<hbm>>
      %dma_wait3A_178 = tpu.memref_squeeze %dma_wait3A_177 : memref<1x1x250x80xi32, #tpu.memory_space<hbm>> -> memref<250x80xi32, #tpu.memory_space<hbm>>
      tpu.wait_dma2 semaphore(%run_scoped3A_164 : memref<!tpu.dma_semaphore, #tpu.memory_space<semaphore_mem>>) src(%dma_wait3A_178 : memref<250x80xi32, #tpu.memory_space<hbm>>) dst(%arg4 : memref<250x80xi32, #tpu.memory_space<vmem>>)
      tpu.yield
    }) : () -> ()
    %scan3A_8 = arith.constant 0 : i32
    %scan3A_9 = arith.constant 0 : i32
    %scan3A_10 = arith.constant 250 : i32
    %scan3A_11 = arith.addi %scan3A_9, %scan3A_10 : i32
    %scan3A_12 = arith.constant 1 : i32
    scf.for %scan3A_164 = %scan3A_9 to %scan3A_11 step %scan3A_12  : i32 {
      %get3A = arith.index_cast %scan3A_164 : i32 to index
      %get3A_165 = arith.constant 0 : index
      %get3A_166 = tpu.vector_load %arg4[%get3A, %get3A_165] {strides = array<i32>} : memref<250x80xi32, #tpu.memory_space<vmem>>, vector<16xi32>,
      tpu.vector_store_idx %arg5[%get3A_166], %broadcast_in_dim3A_2 {add = true} : memref<10240xf32, #tpu.memory_space<vmem>>[vector<16xi32>], vector<16xf32>,
      %get3A_167 = arith.index_cast %scan3A_164 : i32 to index
      %get3A_168 = arith.constant 16 : index
      %get3A_169 = tpu.vector_load %arg4[%get3A_167, %get3A_168] {strides = array<i32>} : memref<250x80xi32, #tpu.memory_space<vmem>>, vector<16xi32>,
      tpu.vector_store_idx %arg5[%get3A_169], %broadcast_in_dim3A_2 {add = true} : memref<10240xf32, #tpu.memory_space<vmem>>[vector<16xi32>], vector<16xf32>,
      %get3A_170 = arith.index_cast %scan3A_164 : i32 to index
      %get3A_171 = arith.constant 32 : index
      %get3A_172 = tpu.vector_load %arg4[%get3A_170, %get3A_171] {strides = array<i32>} : memref<250x80xi32, #tpu.memory_space<vmem>>, vector<16xi32>,
      tpu.vector_store_idx %arg5[%get3A_172], %broadcast_in_dim3A_2 {add = true} : memref<10240xf32, #tpu.memory_space<vmem>>[vector<16xi32>], vector<16xf32>,
      %get3A_173 = arith.index_cast %scan3A_164 : i32 to index
      %get3A_174 = arith.constant 48 : index
      %get3A_175 = tpu.vector_load %arg4[%get3A_173, %get3A_174] {strides = array<i32>} : memref<250x80xi32, #tpu.memory_space<vmem>>, vector<16xi32>,
      tpu.vector_store_idx %arg5[%get3A_175], %broadcast_in_dim3A_2 {add = true} : memref<10240xf32, #tpu.memory_space<vmem>>[vector<16xi32>], vector<16xf32>,
      %get3A_176 = arith.index_cast %scan3A_164 : i32 to index
      %get3A_177 = arith.constant 64 : index
      %get3A_178 = tpu.vector_load %arg4[%get3A_176, %get3A_177] {strides = array<i32>} : memref<250x80xi32, #tpu.memory_space<vmem>>, vector<16xi32>,
      tpu.vector_store_idx %arg5[%get3A_178], %broadcast_in_dim3A_2 {add = true} : memref<10240xf32, #tpu.memory_space<vmem>>[vector<16xi32>], vector<16xf32>,
    }
    %scan3A_13 = arith.constant 250 : i32
    "tpu.region"() ({
      %run_scoped3A_164 = tpu.sem_alloc : memref<!tpu.dma_semaphore, #tpu.memory_space<semaphore_mem>>
      %dma_start3A = arith.constant 0 : i32
      %dma_start3A_165 = tpu.memref_slice %arg8[%arg1, %dma_start3A] : memref<16x10240xf32, #tpu.memory_space<vmem_shared>> -> memref<1x10240xf32, #tpu.memory_space<vmem_shared>>
      %dma_start3A_166 = tpu.memref_squeeze %dma_start3A_165 : memref<1x10240xf32, #tpu.memory_space<vmem_shared>> -> memref<10240xf32, #tpu.memory_space<vmem_shared>>
      %dma_start3A_167 = arith.constant 0 : i32
      %dma_start3A_168 = tpu.memref_slice %arg8[%arg1, %dma_start3A_167] : memref<16x10240xf32, #tpu.memory_space<vmem_shared>> -> memref<1x10240xf32, #tpu.memory_space<vmem_shared>>
      %dma_start3A_169 = tpu.memref_squeeze %dma_start3A_168 : memref<1x10240xf32, #tpu.memory_space<vmem_shared>> -> memref<10240xf32, #tpu.memory_space<vmem_shared>>
      tpu.enqueue_dma source(%arg5 : memref<10240xf32, #tpu.memory_space<vmem>>) target(%dma_start3A_169 : memref<10240xf32, #tpu.memory_space<vmem_shared>>) target_semaphore(%run_scoped3A_164 : memref<!tpu.dma_semaphore, #tpu.memory_space<semaphore_mem>>)
      %dma_wait3A = arith.constant 0 : i32
      %dma_wait3A_170 = tpu.memref_slice %arg8[%arg1, %dma_wait3A] : memref<16x10240xf32, #tpu.memory_space<vmem_shared>> -> memref<1x10240xf32, #tpu.memory_space<vmem_shared>>
      %dma_wait3A_171 = tpu.memref_squeeze %dma_wait3A_170 : memref<1x10240xf32, #tpu.memory_space<vmem_shared>> -> memref<10240xf32, #tpu.memory_space<vmem_shared>>
      %dma_wait3A_172 = arith.constant 0 : i32
      %dma_wait3A_173 = tpu.memref_slice %arg8[%arg1, %dma_wait3A_172] : memref<16x10240xf32, #tpu.memory_space<vmem_shared>> -> memref<1x10240xf32, #tpu.memory_space<vmem_shared>>
      %dma_wait3A_174 = tpu.memref_squeeze %dma_wait3A_173 : memref<1x10240xf32, #tpu.memory_space<vmem_shared>> -> memref<10240xf32, #tpu.memory_space<vmem_shared>>
      tpu.wait_dma2 semaphore(%run_scoped3A_164 : memref<!tpu.dma_semaphore, #tpu.memory_space<semaphore_mem>>) src(%arg5 : memref<10240xf32, #tpu.memory_space<vmem>>) dst(%dma_wait3A_174 : memref<10240xf32, #tpu.memory_space<vmem_shared>>)
      tpu.yield
    }) : () -> ()
    %barrier3A = arith.constant 0 : index
    tpu.barrier barrier_id(%barrier3A)
    %scan3A_14 = arith.constant 0 : i32
    %scan3A_15 = arith.constant 0 : i32
    %scan3A_16 = arith.constant 40 : i32
    %scan3A_17 = arith.addi %scan3A_15, %scan3A_16 : i32
    %scan3A_18 = arith.constant 1 : i32
    scf.for %scan3A_164 = %scan3A_15 to %scan3A_17 step %scan3A_18  : i32 {
      %mul3A_165 = arith.constant 16 : i32
      %mul3A_166 = arith.muli %scan3A_164, %mul3A_165 : i32
      %swap3A = arith.index_cast %mul3A_166 : i32 to index
      %swap3A_167 = tpu.vector_load %arg7[%swap3A] {strides = array<i32>} : memref<640xf32, #tpu.memory_space<vmem>>, vector<16xf32>,
      tpu.vector_store %arg7[%swap3A], %broadcast_in_dim3A_0 {strides = array<i32>} : memref<640xf32, #tpu.memory_space<vmem>>, vector<16xf32>,
    }
    %scan3A_19 = arith.constant 40 : i32
    %mul3A = arith.constant 640 : i32
    %mul3A_20 = arith.muli %arg1, %mul3A : i32
    %run_scoped3A = arith.constant 0 : i32
    "tpu.region"() ({
      %run_scoped3A_164 = tpu.sem_alloc : memref<!tpu.dma_semaphore, #tpu.memory_space<semaphore_mem>>
      %dma_start3A = tpu.memref_slice %arg8[%run_scoped3A, %mul3A_20] : memref<16x10240xf32, #tpu.memory_space<vmem_shared>> -> memref<1x640xf32, #tpu.memory_space<vmem_shared>>
      %dma_start3A_165 = tpu.memref_squeeze %dma_start3A : memref<1x640xf32, #tpu.memory_space<vmem_shared>> -> memref<640xf32, #tpu.memory_space<vmem_shared>>
      %dma_start3A_166 = tpu.memref_slice %arg8[%run_scoped3A, %mul3A_20] : memref<16x10240xf32, #tpu.memory_space<vmem_shared>> -> memref<1x640xf32, #tpu.memory_space<vmem_shared>>
      %dma_start3A_167 = tpu.memref_squeeze %dma_start3A_166 : memref<1x640xf32, #tpu.memory_space<vmem_shared>> -> memref<640xf32, #tpu.memory_space<vmem_shared>>
      tpu.enqueue_dma source(%dma_start3A_167 : memref<640xf32, #tpu.memory_space<vmem_shared>>) target(%arg6 : memref<640xf32, #tpu.memory_space<vmem>>) target_semaphore(%run_scoped3A_164 : memref<!tpu.dma_semaphore, #tpu.memory_space<semaphore_mem>>)
      %dma_wait3A = tpu.memref_slice %arg8[%run_scoped3A, %mul3A_20] : memref<16x10240xf32, #tpu.memory_space<vmem_shared>> -> memref<1x640xf32, #tpu.memory_space<vmem_shared>>
      %dma_wait3A_168 = tpu.memref_squeeze %dma_wait3A : memref<1x640xf32, #tpu.memory_space<vmem_shared>> -> memref<640xf32, #tpu.memory_space<vmem_shared>>
      %dma_wait3A_169 = tpu.memref_slice %arg8[%run_scoped3A, %mul3A_20] : memref<16x10240xf32, #tpu.memory_space<vmem_shared>> -> memref<1x640xf32, #tpu.memory_space<vmem_shared>>
      %dma_wait3A_170 = tpu.memref_squeeze %dma_wait3A_169 : memref<1x640xf32, #tpu.memory_space<vmem_shared>> -> memref<640xf32, #tpu.memory_space<vmem_shared>>
      tpu.wait_dma2 semaphore(%run_scoped3A_164 : memref<!tpu.dma_semaphore, #tpu.memory_space<semaphore_mem>>) src(%dma_wait3A_170 : memref<640xf32, #tpu.memory_space<vmem_shared>>) dst(%arg6 : memref<640xf32, #tpu.memory_space<vmem>>)
      tpu.yield
    }) : () -> ()
    %scan3A_21 = arith.constant 0 : i32
    %scan3A_22 = arith.constant 0 : i32
    %scan3A_23 = arith.constant 40 : i32
    %scan3A_24 = arith.addi %scan3A_22, %scan3A_23 : i32
    %scan3A_25 = arith.constant 1 : i32
    scf.for %scan3A_164 = %scan3A_22 to %scan3A_24 step %scan3A_25  : i32 {
      %mul3A_165 = arith.constant 16 : i32
      %mul3A_166 = arith.muli %scan3A_164, %mul3A_165 : i32
      %get3A = arith.index_cast %mul3A_166 : i32 to index
      %get3A_167 = tpu.vector_load %arg7[%get3A] {strides = array<i32>} : memref<640xf32, #tpu.memory_space<vmem>>, vector<16xf32>,
      %mul3A_168 = arith.constant 16 : i32
      %mul3A_169 = arith.muli %scan3A_164, %mul3A_168 : i32
      %get3A_170 = arith.index_cast %mul3A_169 : i32 to index
      %get3A_171 = tpu.vector_load %arg6[%get3A_170] {strides = array<i32>} : memref<640xf32, #tpu.memory_space<vmem>>, vector<16xf32>,
      %add3A = arith.addf %get3A_167, %get3A_171 : vector<16xf32>
      %swap3A = arith.index_cast %mul3A_166 : i32 to index
      %swap3A_172 = tpu.vector_load %arg7[%swap3A] {strides = array<i32>} : memref<640xf32, #tpu.memory_space<vmem>>, vector<16xf32>,
      tpu.vector_store %arg7[%swap3A], %add3A {strides = array<i32>} : memref<640xf32, #tpu.memory_space<vmem>>, vector<16xf32>,
    }
    %scan3A_26 = arith.constant 40 : i32
    %mul3A_27 = arith.constant 640 : i32
    %mul3A_28 = arith.muli %arg1, %mul3A_27 : i32
    %run_scoped3A_29 = arith.constant 1 : i32
    "tpu.region"() ({
      %run_scoped3A_164 = tpu.sem_alloc : memref<!tpu.dma_semaphore, #tpu.memory_space<semaphore_mem>>
      %dma_start3A = tpu.memref_slice %arg8[%run_scoped3A_29, %mul3A_28] : memref<16x10240xf32, #tpu.memory_space<vmem_shared>> -> memref<1x640xf32, #tpu.memory_space<vmem_shared>>
      %dma_start3A_165 = tpu.memref_squeeze %dma_start3A : memref<1x640xf32, #tpu.memory_space<vmem_shared>> -> memref<640xf32, #tpu.memory_space<vmem_shared>>
      %dma_start3A_166 = tpu.memref_slice %arg8[%run_scoped3A_29, %mul3A_28] : memref<16x10240xf32, #tpu.memory_space<vmem_shared>> -> memref<1x640xf32, #tpu.memory_space<vmem_shared>>
      %dma_start3A_167 = tpu.memref_squeeze %dma_start3A_166 : memref<1x640xf32, #tpu.memory_space<vmem_shared>> -> memref<640xf32, #tpu.memory_space<vmem_shared>>
      tpu.enqueue_dma source(%dma_start3A_167 : memref<640xf32, #tpu.memory_space<vmem_shared>>) target(%arg6 : memref<640xf32, #tpu.memory_space<vmem>>) target_semaphore(%run_scoped3A_164 : memref<!tpu.dma_semaphore, #tpu.memory_space<semaphore_mem>>)
      %dma_wait3A = tpu.memref_slice %arg8[%run_scoped3A_29, %mul3A_28] : memref<16x10240xf32, #tpu.memory_space<vmem_shared>> -> memref<1x640xf32, #tpu.memory_space<vmem_shared>>
      %dma_wait3A_168 = tpu.memref_squeeze %dma_wait3A : memref<1x640xf32, #tpu.memory_space<vmem_shared>> -> memref<640xf32, #tpu.memory_space<vmem_shared>>
      %dma_wait3A_169 = tpu.memref_slice %arg8[%run_scoped3A_29, %mul3A_28] : memref<16x10240xf32, #tpu.memory_space<vmem_shared>> -> memref<1x640xf32, #tpu.memory_space<vmem_shared>>
      %dma_wait3A_170 = tpu.memref_squeeze %dma_wait3A_169 : memref<1x640xf32, #tpu.memory_space<vmem_shared>> -> memref<640xf32, #tpu.memory_space<vmem_shared>>
      tpu.wait_dma2 semaphore(%run_scoped3A_164 : memref<!tpu.dma_semaphore, #tpu.memory_space<semaphore_mem>>) src(%dma_wait3A_170 : memref<640xf32, #tpu.memory_space<vmem_shared>>) dst(%arg6 : memref<640xf32, #tpu.memory_space<vmem>>)
      tpu.yield
    }) : () -> ()
    %scan3A_30 = arith.constant 0 : i32
    %scan3A_31 = arith.constant 0 : i32
    %scan3A_32 = arith.constant 40 : i32
    %scan3A_33 = arith.addi %scan3A_31, %scan3A_32 : i32
    %scan3A_34 = arith.constant 1 : i32
    scf.for %scan3A_164 = %scan3A_31 to %scan3A_33 step %scan3A_34  : i32 {
      %mul3A_165 = arith.constant 16 : i32
      %mul3A_166 = arith.muli %scan3A_164, %mul3A_165 : i32
      %get3A = arith.index_cast %mul3A_166 : i32 to index
      %get3A_167 = tpu.vector_load %arg7[%get3A] {strides = array<i32>} : memref<640xf32, #tpu.memory_space<vmem>>, vector<16xf32>,
      %mul3A_168 = arith.constant 16 : i32
      %mul3A_169 = arith.muli %scan3A_164, %mul3A_168 : i32
      %get3A_170 = arith.index_cast %mul3A_169 : i32 to index
      %get3A_171 = tpu.vector_load %arg6[%get3A_170] {strides = array<i32>} : memref<640xf32, #tpu.memory_space<vmem>>, vector<16xf32>,
      %add3A = arith.addf %get3A_167, %get3A_171 : vector<16xf32>
      %swap3A = arith.index_cast %mul3A_166 : i32 to index
      %swap3A_172 = tpu.vector_load %arg7[%swap3A] {strides = array<i32>} : memref<640xf32, #tpu.memory_space<vmem>>, vector<16xf32>,
      tpu.vector_store %arg7[%swap3A], %add3A {strides = array<i32>} : memref<640xf32, #tpu.memory_space<vmem>>, vector<16xf32>,
    }
    %scan3A_35 = arith.constant 40 : i32
    %mul3A_36 = arith.constant 640 : i32
    %mul3A_37 = arith.muli %arg1, %mul3A_36 : i32
    %run_scoped3A_38 = arith.constant 2 : i32
    "tpu.region"() ({
      %run_scoped3A_164 = tpu.sem_alloc : memref<!tpu.dma_semaphore, #tpu.memory_space<semaphore_mem>>
      %dma_start3A = tpu.memref_slice %arg8[%run_scoped3A_38, %mul3A_37] : memref<16x10240xf32, #tpu.memory_space<vmem_shared>> -> memref<1x640xf32, #tpu.memory_space<vmem_shared>>
      %dma_start3A_165 = tpu.memref_squeeze %dma_start3A : memref<1x640xf32, #tpu.memory_space<vmem_shared>> -> memref<640xf32, #tpu.memory_space<vmem_shared>>
      %dma_start3A_166 = tpu.memref_slice %arg8[%run_scoped3A_38, %mul3A_37] : memref<16x10240xf32, #tpu.memory_space<vmem_shared>> -> memref<1x640xf32, #tpu.memory_space<vmem_shared>>
      %dma_start3A_167 = tpu.memref_squeeze %dma_start3A_166 : memref<1x640xf32, #tpu.memory_space<vmem_shared>> -> memref<640xf32, #tpu.memory_space<vmem_shared>>
      tpu.enqueue_dma source(%dma_start3A_167 : memref<640xf32, #tpu.memory_space<vmem_shared>>) target(%arg6 : memref<640xf32, #tpu.memory_space<vmem>>) target_semaphore(%run_scoped3A_164 : memref<!tpu.dma_semaphore, #tpu.memory_space<semaphore_mem>>)
      %dma_wait3A = tpu.memref_slice %arg8[%run_scoped3A_38, %mul3A_37] : memref<16x10240xf32, #tpu.memory_space<vmem_shared>> -> memref<1x640xf32, #tpu.memory_space<vmem_shared>>
      %dma_wait3A_168 = tpu.memref_squeeze %dma_wait3A : memref<1x640xf32, #tpu.memory_space<vmem_shared>> -> memref<640xf32, #tpu.memory_space<vmem_shared>>
      %dma_wait3A_169 = tpu.memref_slice %arg8[%run_scoped3A_38, %mul3A_37] : memref<16x10240xf32, #tpu.memory_space<vmem_shared>> -> memref<1x640xf32, #tpu.memory_space<vmem_shared>>
      %dma_wait3A_170 = tpu.memref_squeeze %dma_wait3A_169 : memref<1x640xf32, #tpu.memory_space<vmem_shared>> -> memref<640xf32, #tpu.memory_space<vmem_shared>>
      tpu.wait_dma2 semaphore(%run_scoped3A_164 : memref<!tpu.dma_semaphore, #tpu.memory_space<semaphore_mem>>) src(%dma_wait3A_170 : memref<640xf32, #tpu.memory_space<vmem_shared>>) dst(%arg6 : memref<640xf32, #tpu.memory_space<vmem>>)
      tpu.yield
    }) : () -> ()
    %scan3A_39 = arith.constant 0 : i32
    %scan3A_40 = arith.constant 0 : i32
    %scan3A_41 = arith.constant 40 : i32
    %scan3A_42 = arith.addi %scan3A_40, %scan3A_41 : i32
    %scan3A_43 = arith.constant 1 : i32
    scf.for %scan3A_164 = %scan3A_40 to %scan3A_42 step %scan3A_43  : i32 {
      %mul3A_165 = arith.constant 16 : i32
      %mul3A_166 = arith.muli %scan3A_164, %mul3A_165 : i32
      %get3A = arith.index_cast %mul3A_166 : i32 to index
      %get3A_167 = tpu.vector_load %arg7[%get3A] {strides = array<i32>} : memref<640xf32, #tpu.memory_space<vmem>>, vector<16xf32>,
      %mul3A_168 = arith.constant 16 : i32
      %mul3A_169 = arith.muli %scan3A_164, %mul3A_168 : i32
      %get3A_170 = arith.index_cast %mul3A_169 : i32 to index
      %get3A_171 = tpu.vector_load %arg6[%get3A_170] {strides = array<i32>} : memref<640xf32, #tpu.memory_space<vmem>>, vector<16xf32>,
      %add3A = arith.addf %get3A_167, %get3A_171 : vector<16xf32>
      %swap3A = arith.index_cast %mul3A_166 : i32 to index
      %swap3A_172 = tpu.vector_load %arg7[%swap3A] {strides = array<i32>} : memref<640xf32, #tpu.memory_space<vmem>>, vector<16xf32>,
      tpu.vector_store %arg7[%swap3A], %add3A {strides = array<i32>} : memref<640xf32, #tpu.memory_space<vmem>>, vector<16xf32>,
    }
    %scan3A_44 = arith.constant 40 : i32
    %mul3A_45 = arith.constant 640 : i32
    %mul3A_46 = arith.muli %arg1, %mul3A_45 : i32
    %run_scoped3A_47 = arith.constant 3 : i32
    "tpu.region"() ({
      %run_scoped3A_164 = tpu.sem_alloc : memref<!tpu.dma_semaphore, #tpu.memory_space<semaphore_mem>>
      %dma_start3A = tpu.memref_slice %arg8[%run_scoped3A_47, %mul3A_46] : memref<16x10240xf32, #tpu.memory_space<vmem_shared>> -> memref<1x640xf32, #tpu.memory_space<vmem_shared>>
      %dma_start3A_165 = tpu.memref_squeeze %dma_start3A : memref<1x640xf32, #tpu.memory_space<vmem_shared>> -> memref<640xf32, #tpu.memory_space<vmem_shared>>
      %dma_start3A_166 = tpu.memref_slice %arg8[%run_scoped3A_47, %mul3A_46] : memref<16x10240xf32, #tpu.memory_space<vmem_shared>> -> memref<1x640xf32, #tpu.memory_space<vmem_shared>>
      %dma_start3A_167 = tpu.memref_squeeze %dma_start3A_166 : memref<1x640xf32, #tpu.memory_space<vmem_shared>> -> memref<640xf32, #tpu.memory_space<vmem_shared>>
      tpu.enqueue_dma source(%dma_start3A_167 : memref<640xf32, #tpu.memory_space<vmem_shared>>) target(%arg6 : memref<640xf32, #tpu.memory_space<vmem>>) target_semaphore(%run_scoped3A_164 : memref<!tpu.dma_semaphore, #tpu.memory_space<semaphore_mem>>)
      %dma_wait3A = tpu.memref_slice %arg8[%run_scoped3A_47, %mul3A_46] : memref<16x10240xf32, #tpu.memory_space<vmem_shared>> -> memref<1x640xf32, #tpu.memory_space<vmem_shared>>
      %dma_wait3A_168 = tpu.memref_squeeze %dma_wait3A : memref<1x640xf32, #tpu.memory_space<vmem_shared>> -> memref<640xf32, #tpu.memory_space<vmem_shared>>
      %dma_wait3A_169 = tpu.memref_slice %arg8[%run_scoped3A_47, %mul3A_46] : memref<16x10240xf32, #tpu.memory_space<vmem_shared>> -> memref<1x640xf32, #tpu.memory_space<vmem_shared>>
      %dma_wait3A_170 = tpu.memref_squeeze %dma_wait3A_169 : memref<1x640xf32, #tpu.memory_space<vmem_shared>> -> memref<640xf32, #tpu.memory_space<vmem_shared>>
      tpu.wait_dma2 semaphore(%run_scoped3A_164 : memref<!tpu.dma_semaphore, #tpu.memory_space<semaphore_mem>>) src(%dma_wait3A_170 : memref<640xf32, #tpu.memory_space<vmem_shared>>) dst(%arg6 : memref<640xf32, #tpu.memory_space<vmem>>)
      tpu.yield
    }) : () -> ()
    %scan3A_48 = arith.constant 0 : i32
    %scan3A_49 = arith.constant 0 : i32
    %scan3A_50 = arith.constant 40 : i32
    %scan3A_51 = arith.addi %scan3A_49, %scan3A_50 : i32
    %scan3A_52 = arith.constant 1 : i32
    scf.for %scan3A_164 = %scan3A_49 to %scan3A_51 step %scan3A_52  : i32 {
      %mul3A_165 = arith.constant 16 : i32
      %mul3A_166 = arith.muli %scan3A_164, %mul3A_165 : i32
      %get3A = arith.index_cast %mul3A_166 : i32 to index
      %get3A_167 = tpu.vector_load %arg7[%get3A] {strides = array<i32>} : memref<640xf32, #tpu.memory_space<vmem>>, vector<16xf32>,
      %mul3A_168 = arith.constant 16 : i32
      %mul3A_169 = arith.muli %scan3A_164, %mul3A_168 : i32
      %get3A_170 = arith.index_cast %mul3A_169 : i32 to index
      %get3A_171 = tpu.vector_load %arg6[%get3A_170] {strides = array<i32>} : memref<640xf32, #tpu.memory_space<vmem>>, vector<16xf32>,
      %add3A = arith.addf %get3A_167, %get3A_171 : vector<16xf32>
      %swap3A = arith.index_cast %mul3A_166 : i32 to index
      %swap3A_172 = tpu.vector_load %arg7[%swap3A] {strides = array<i32>} : memref<640xf32, #tpu.memory_space<vmem>>, vector<16xf32>,
      tpu.vector_store %arg7[%swap3A], %add3A {strides = array<i32>} : memref<640xf32, #tpu.memory_space<vmem>>, vector<16xf32>,
    }
    %scan3A_53 = arith.constant 40 : i32
    %mul3A_54 = arith.constant 640 : i32
    %mul3A_55 = arith.muli %arg1, %mul3A_54 : i32
    %run_scoped3A_56 = arith.constant 4 : i32
    "tpu.region"() ({
      %run_scoped3A_164 = tpu.sem_alloc : memref<!tpu.dma_semaphore, #tpu.memory_space<semaphore_mem>>
      %dma_start3A = tpu.memref_slice %arg8[%run_scoped3A_56, %mul3A_55] : memref<16x10240xf32, #tpu.memory_space<vmem_shared>> -> memref<1x640xf32, #tpu.memory_space<vmem_shared>>
      %dma_start3A_165 = tpu.memref_squeeze %dma_start3A : memref<1x640xf32, #tpu.memory_space<vmem_shared>> -> memref<640xf32, #tpu.memory_space<vmem_shared>>
      %dma_start3A_166 = tpu.memref_slice %arg8[%run_scoped3A_56, %mul3A_55] : memref<16x10240xf32, #tpu.memory_space<vmem_shared>> -> memref<1x640xf32, #tpu.memory_space<vmem_shared>>
      %dma_start3A_167 = tpu.memref_squeeze %dma_start3A_166 : memref<1x640xf32, #tpu.memory_space<vmem_shared>> -> memref<640xf32, #tpu.memory_space<vmem_shared>>
      tpu.enqueue_dma source(%dma_start3A_167 : memref<640xf32, #tpu.memory_space<vmem_shared>>) target(%arg6 : memref<640xf32, #tpu.memory_space<vmem>>) target_semaphore(%run_scoped3A_164 : memref<!tpu.dma_semaphore, #tpu.memory_space<semaphore_mem>>)
      %dma_wait3A = tpu.memref_slice %arg8[%run_scoped3A_56, %mul3A_55] : memref<16x10240xf32, #tpu.memory_space<vmem_shared>> -> memref<1x640xf32, #tpu.memory_space<vmem_shared>>
      %dma_wait3A_168 = tpu.memref_squeeze %dma_wait3A : memref<1x640xf32, #tpu.memory_space<vmem_shared>> -> memref<640xf32, #tpu.memory_space<vmem_shared>>
      %dma_wait3A_169 = tpu.memref_slice %arg8[%run_scoped3A_56, %mul3A_55] : memref<16x10240xf32, #tpu.memory_space<vmem_shared>> -> memref<1x640xf32, #tpu.memory_space<vmem_shared>>
      %dma_wait3A_170 = tpu.memref_squeeze %dma_wait3A_169 : memref<1x640xf32, #tpu.memory_space<vmem_shared>> -> memref<640xf32, #tpu.memory_space<vmem_shared>>
      tpu.wait_dma2 semaphore(%run_scoped3A_164 : memref<!tpu.dma_semaphore, #tpu.memory_space<semaphore_mem>>) src(%dma_wait3A_170 : memref<640xf32, #tpu.memory_space<vmem_shared>>) dst(%arg6 : memref<640xf32, #tpu.memory_space<vmem>>)
      tpu.yield
    }) : () -> ()
    %scan3A_57 = arith.constant 0 : i32
    %scan3A_58 = arith.constant 0 : i32
    %scan3A_59 = arith.constant 40 : i32
    %scan3A_60 = arith.addi %scan3A_58, %scan3A_59 : i32
    %scan3A_61 = arith.constant 1 : i32
    scf.for %scan3A_164 = %scan3A_58 to %scan3A_60 step %scan3A_61  : i32 {
      %mul3A_165 = arith.constant 16 : i32
      %mul3A_166 = arith.muli %scan3A_164, %mul3A_165 : i32
      %get3A = arith.index_cast %mul3A_166 : i32 to index
      %get3A_167 = tpu.vector_load %arg7[%get3A] {strides = array<i32>} : memref<640xf32, #tpu.memory_space<vmem>>, vector<16xf32>,
      %mul3A_168 = arith.constant 16 : i32
      %mul3A_169 = arith.muli %scan3A_164, %mul3A_168 : i32
      %get3A_170 = arith.index_cast %mul3A_169 : i32 to index
      %get3A_171 = tpu.vector_load %arg6[%get3A_170] {strides = array<i32>} : memref<640xf32, #tpu.memory_space<vmem>>, vector<16xf32>,
      %add3A = arith.addf %get3A_167, %get3A_171 : vector<16xf32>
      %swap3A = arith.index_cast %mul3A_166 : i32 to index
      %swap3A_172 = tpu.vector_load %arg7[%swap3A] {strides = array<i32>} : memref<640xf32, #tpu.memory_space<vmem>>, vector<16xf32>,
      tpu.vector_store %arg7[%swap3A], %add3A {strides = array<i32>} : memref<640xf32, #tpu.memory_space<vmem>>, vector<16xf32>,
    }
    %scan3A_62 = arith.constant 40 : i32
    %mul3A_63 = arith.constant 640 : i32
    %mul3A_64 = arith.muli %arg1, %mul3A_63 : i32
    %run_scoped3A_65 = arith.constant 5 : i32
    "tpu.region"() ({
      %run_scoped3A_164 = tpu.sem_alloc : memref<!tpu.dma_semaphore, #tpu.memory_space<semaphore_mem>>
      %dma_start3A = tpu.memref_slice %arg8[%run_scoped3A_65, %mul3A_64] : memref<16x10240xf32, #tpu.memory_space<vmem_shared>> -> memref<1x640xf32, #tpu.memory_space<vmem_shared>>
      %dma_start3A_165 = tpu.memref_squeeze %dma_start3A : memref<1x640xf32, #tpu.memory_space<vmem_shared>> -> memref<640xf32, #tpu.memory_space<vmem_shared>>
      %dma_start3A_166 = tpu.memref_slice %arg8[%run_scoped3A_65, %mul3A_64] : memref<16x10240xf32, #tpu.memory_space<vmem_shared>> -> memref<1x640xf32, #tpu.memory_space<vmem_shared>>
      %dma_start3A_167 = tpu.memref_squeeze %dma_start3A_166 : memref<1x640xf32, #tpu.memory_space<vmem_shared>> -> memref<640xf32, #tpu.memory_space<vmem_shared>>
      tpu.enqueue_dma source(%dma_start3A_167 : memref<640xf32, #tpu.memory_space<vmem_shared>>) target(%arg6 : memref<640xf32, #tpu.memory_space<vmem>>) target_semaphore(%run_scoped3A_164 : memref<!tpu.dma_semaphore, #tpu.memory_space<semaphore_mem>>)
      %dma_wait3A = tpu.memref_slice %arg8[%run_scoped3A_65, %mul3A_64] : memref<16x10240xf32, #tpu.memory_space<vmem_shared>> -> memref<1x640xf32, #tpu.memory_space<vmem_shared>>
      %dma_wait3A_168 = tpu.memref_squeeze %dma_wait3A : memref<1x640xf32, #tpu.memory_space<vmem_shared>> -> memref<640xf32, #tpu.memory_space<vmem_shared>>
      %dma_wait3A_169 = tpu.memref_slice %arg8[%run_scoped3A_65, %mul3A_64] : memref<16x10240xf32, #tpu.memory_space<vmem_shared>> -> memref<1x640xf32, #tpu.memory_space<vmem_shared>>
      %dma_wait3A_170 = tpu.memref_squeeze %dma_wait3A_169 : memref<1x640xf32, #tpu.memory_space<vmem_shared>> -> memref<640xf32, #tpu.memory_space<vmem_shared>>
      tpu.wait_dma2 semaphore(%run_scoped3A_164 : memref<!tpu.dma_semaphore, #tpu.memory_space<semaphore_mem>>) src(%dma_wait3A_170 : memref<640xf32, #tpu.memory_space<vmem_shared>>) dst(%arg6 : memref<640xf32, #tpu.memory_space<vmem>>)
      tpu.yield
    }) : () -> ()
    %scan3A_66 = arith.constant 0 : i32
    %scan3A_67 = arith.constant 0 : i32
    %scan3A_68 = arith.constant 40 : i32
    %scan3A_69 = arith.addi %scan3A_67, %scan3A_68 : i32
    %scan3A_70 = arith.constant 1 : i32
    scf.for %scan3A_164 = %scan3A_67 to %scan3A_69 step %scan3A_70  : i32 {
      %mul3A_165 = arith.constant 16 : i32
      %mul3A_166 = arith.muli %scan3A_164, %mul3A_165 : i32
      %get3A = arith.index_cast %mul3A_166 : i32 to index
      %get3A_167 = tpu.vector_load %arg7[%get3A] {strides = array<i32>} : memref<640xf32, #tpu.memory_space<vmem>>, vector<16xf32>,
      %mul3A_168 = arith.constant 16 : i32
      %mul3A_169 = arith.muli %scan3A_164, %mul3A_168 : i32
      %get3A_170 = arith.index_cast %mul3A_169 : i32 to index
      %get3A_171 = tpu.vector_load %arg6[%get3A_170] {strides = array<i32>} : memref<640xf32, #tpu.memory_space<vmem>>, vector<16xf32>,
      %add3A = arith.addf %get3A_167, %get3A_171 : vector<16xf32>
      %swap3A = arith.index_cast %mul3A_166 : i32 to index
      %swap3A_172 = tpu.vector_load %arg7[%swap3A] {strides = array<i32>} : memref<640xf32, #tpu.memory_space<vmem>>, vector<16xf32>,
      tpu.vector_store %arg7[%swap3A], %add3A {strides = array<i32>} : memref<640xf32, #tpu.memory_space<vmem>>, vector<16xf32>,
    }
    %scan3A_71 = arith.constant 40 : i32
    %mul3A_72 = arith.constant 640 : i32
    %mul3A_73 = arith.muli %arg1, %mul3A_72 : i32
    %run_scoped3A_74 = arith.constant 6 : i32
    "tpu.region"() ({
      %run_scoped3A_164 = tpu.sem_alloc : memref<!tpu.dma_semaphore, #tpu.memory_space<semaphore_mem>>
      %dma_start3A = tpu.memref_slice %arg8[%run_scoped3A_74, %mul3A_73] : memref<16x10240xf32, #tpu.memory_space<vmem_shared>> -> memref<1x640xf32, #tpu.memory_space<vmem_shared>>
      %dma_start3A_165 = tpu.memref_squeeze %dma_start3A : memref<1x640xf32, #tpu.memory_space<vmem_shared>> -> memref<640xf32, #tpu.memory_space<vmem_shared>>
      %dma_start3A_166 = tpu.memref_slice %arg8[%run_scoped3A_74, %mul3A_73] : memref<16x10240xf32, #tpu.memory_space<vmem_shared>> -> memref<1x640xf32, #tpu.memory_space<vmem_shared>>
      %dma_start3A_167 = tpu.memref_squeeze %dma_start3A_166 : memref<1x640xf32, #tpu.memory_space<vmem_shared>> -> memref<640xf32, #tpu.memory_space<vmem_shared>>
      tpu.enqueue_dma source(%dma_start3A_167 : memref<640xf32, #tpu.memory_space<vmem_shared>>) target(%arg6 : memref<640xf32, #tpu.memory_space<vmem>>) target_semaphore(%run_scoped3A_164 : memref<!tpu.dma_semaphore, #tpu.memory_space<semaphore_mem>>)
      %dma_wait3A = tpu.memref_slice %arg8[%run_scoped3A_74, %mul3A_73] : memref<16x10240xf32, #tpu.memory_space<vmem_shared>> -> memref<1x640xf32, #tpu.memory_space<vmem_shared>>
      %dma_wait3A_168 = tpu.memref_squeeze %dma_wait3A : memref<1x640xf32, #tpu.memory_space<vmem_shared>> -> memref<640xf32, #tpu.memory_space<vmem_shared>>
      %dma_wait3A_169 = tpu.memref_slice %arg8[%run_scoped3A_74, %mul3A_73] : memref<16x10240xf32, #tpu.memory_space<vmem_shared>> -> memref<1x640xf32, #tpu.memory_space<vmem_shared>>
      %dma_wait3A_170 = tpu.memref_squeeze %dma_wait3A_169 : memref<1x640xf32, #tpu.memory_space<vmem_shared>> -> memref<640xf32, #tpu.memory_space<vmem_shared>>
      tpu.wait_dma2 semaphore(%run_scoped3A_164 : memref<!tpu.dma_semaphore, #tpu.memory_space<semaphore_mem>>) src(%dma_wait3A_170 : memref<640xf32, #tpu.memory_space<vmem_shared>>) dst(%arg6 : memref<640xf32, #tpu.memory_space<vmem>>)
      tpu.yield
    }) : () -> ()
    %scan3A_75 = arith.constant 0 : i32
    %scan3A_76 = arith.constant 0 : i32
    %scan3A_77 = arith.constant 40 : i32
    %scan3A_78 = arith.addi %scan3A_76, %scan3A_77 : i32
    %scan3A_79 = arith.constant 1 : i32
    scf.for %scan3A_164 = %scan3A_76 to %scan3A_78 step %scan3A_79  : i32 {
      %mul3A_165 = arith.constant 16 : i32
      %mul3A_166 = arith.muli %scan3A_164, %mul3A_165 : i32
      %get3A = arith.index_cast %mul3A_166 : i32 to index
      %get3A_167 = tpu.vector_load %arg7[%get3A] {strides = array<i32>} : memref<640xf32, #tpu.memory_space<vmem>>, vector<16xf32>,
      %mul3A_168 = arith.constant 16 : i32
      %mul3A_169 = arith.muli %scan3A_164, %mul3A_168 : i32
      %get3A_170 = arith.index_cast %mul3A_169 : i32 to index
      %get3A_171 = tpu.vector_load %arg6[%get3A_170] {strides = array<i32>} : memref<640xf32, #tpu.memory_space<vmem>>, vector<16xf32>,
      %add3A = arith.addf %get3A_167, %get3A_171 : vector<16xf32>
      %swap3A = arith.index_cast %mul3A_166 : i32 to index
      %swap3A_172 = tpu.vector_load %arg7[%swap3A] {strides = array<i32>} : memref<640xf32, #tpu.memory_space<vmem>>, vector<16xf32>,
      tpu.vector_store %arg7[%swap3A], %add3A {strides = array<i32>} : memref<640xf32, #tpu.memory_space<vmem>>, vector<16xf32>,
    }
    %scan3A_80 = arith.constant 40 : i32
    %mul3A_81 = arith.constant 640 : i32
    %mul3A_82 = arith.muli %arg1, %mul3A_81 : i32
    %run_scoped3A_83 = arith.constant 7 : i32
    "tpu.region"() ({
      %run_scoped3A_164 = tpu.sem_alloc : memref<!tpu.dma_semaphore, #tpu.memory_space<semaphore_mem>>
      %dma_start3A = tpu.memref_slice %arg8[%run_scoped3A_83, %mul3A_82] : memref<16x10240xf32, #tpu.memory_space<vmem_shared>> -> memref<1x640xf32, #tpu.memory_space<vmem_shared>>
      %dma_start3A_165 = tpu.memref_squeeze %dma_start3A : memref<1x640xf32, #tpu.memory_space<vmem_shared>> -> memref<640xf32, #tpu.memory_space<vmem_shared>>
      %dma_start3A_166 = tpu.memref_slice %arg8[%run_scoped3A_83, %mul3A_82] : memref<16x10240xf32, #tpu.memory_space<vmem_shared>> -> memref<1x640xf32, #tpu.memory_space<vmem_shared>>
      %dma_start3A_167 = tpu.memref_squeeze %dma_start3A_166 : memref<1x640xf32, #tpu.memory_space<vmem_shared>> -> memref<640xf32, #tpu.memory_space<vmem_shared>>
      tpu.enqueue_dma source(%dma_start3A_167 : memref<640xf32, #tpu.memory_space<vmem_shared>>) target(%arg6 : memref<640xf32, #tpu.memory_space<vmem>>) target_semaphore(%run_scoped3A_164 : memref<!tpu.dma_semaphore, #tpu.memory_space<semaphore_mem>>)
      %dma_wait3A = tpu.memref_slice %arg8[%run_scoped3A_83, %mul3A_82] : memref<16x10240xf32, #tpu.memory_space<vmem_shared>> -> memref<1x640xf32, #tpu.memory_space<vmem_shared>>
      %dma_wait3A_168 = tpu.memref_squeeze %dma_wait3A : memref<1x640xf32, #tpu.memory_space<vmem_shared>> -> memref<640xf32, #tpu.memory_space<vmem_shared>>
      %dma_wait3A_169 = tpu.memref_slice %arg8[%run_scoped3A_83, %mul3A_82] : memref<16x10240xf32, #tpu.memory_space<vmem_shared>> -> memref<1x640xf32, #tpu.memory_space<vmem_shared>>
      %dma_wait3A_170 = tpu.memref_squeeze %dma_wait3A_169 : memref<1x640xf32, #tpu.memory_space<vmem_shared>> -> memref<640xf32, #tpu.memory_space<vmem_shared>>
      tpu.wait_dma2 semaphore(%run_scoped3A_164 : memref<!tpu.dma_semaphore, #tpu.memory_space<semaphore_mem>>) src(%dma_wait3A_170 : memref<640xf32, #tpu.memory_space<vmem_shared>>) dst(%arg6 : memref<640xf32, #tpu.memory_space<vmem>>)
      tpu.yield
    }) : () -> ()
    %scan3A_84 = arith.constant 0 : i32
    %scan3A_85 = arith.constant 0 : i32
    %scan3A_86 = arith.constant 40 : i32
    %scan3A_87 = arith.addi %scan3A_85, %scan3A_86 : i32
    %scan3A_88 = arith.constant 1 : i32
    scf.for %scan3A_164 = %scan3A_85 to %scan3A_87 step %scan3A_88  : i32 {
      %mul3A_165 = arith.constant 16 : i32
      %mul3A_166 = arith.muli %scan3A_164, %mul3A_165 : i32
      %get3A = arith.index_cast %mul3A_166 : i32 to index
      %get3A_167 = tpu.vector_load %arg7[%get3A] {strides = array<i32>} : memref<640xf32, #tpu.memory_space<vmem>>, vector<16xf32>,
      %mul3A_168 = arith.constant 16 : i32
      %mul3A_169 = arith.muli %scan3A_164, %mul3A_168 : i32
      %get3A_170 = arith.index_cast %mul3A_169 : i32 to index
      %get3A_171 = tpu.vector_load %arg6[%get3A_170] {strides = array<i32>} : memref<640xf32, #tpu.memory_space<vmem>>, vector<16xf32>,
      %add3A = arith.addf %get3A_167, %get3A_171 : vector<16xf32>
      %swap3A = arith.index_cast %mul3A_166 : i32 to index
      %swap3A_172 = tpu.vector_load %arg7[%swap3A] {strides = array<i32>} : memref<640xf32, #tpu.memory_space<vmem>>, vector<16xf32>,
      tpu.vector_store %arg7[%swap3A], %add3A {strides = array<i32>} : memref<640xf32, #tpu.memory_space<vmem>>, vector<16xf32>,
    }
    %scan3A_89 = arith.constant 40 : i32
    %mul3A_90 = arith.constant 640 : i32
    %mul3A_91 = arith.muli %arg1, %mul3A_90 : i32
    %run_scoped3A_92 = arith.constant 8 : i32
    "tpu.region"() ({
      %run_scoped3A_164 = tpu.sem_alloc : memref<!tpu.dma_semaphore, #tpu.memory_space<semaphore_mem>>
      %dma_start3A = tpu.memref_slice %arg8[%run_scoped3A_92, %mul3A_91] : memref<16x10240xf32, #tpu.memory_space<vmem_shared>> -> memref<1x640xf32, #tpu.memory_space<vmem_shared>>
      %dma_start3A_165 = tpu.memref_squeeze %dma_start3A : memref<1x640xf32, #tpu.memory_space<vmem_shared>> -> memref<640xf32, #tpu.memory_space<vmem_shared>>
      %dma_start3A_166 = tpu.memref_slice %arg8[%run_scoped3A_92, %mul3A_91] : memref<16x10240xf32, #tpu.memory_space<vmem_shared>> -> memref<1x640xf32, #tpu.memory_space<vmem_shared>>
      %dma_start3A_167 = tpu.memref_squeeze %dma_start3A_166 : memref<1x640xf32, #tpu.memory_space<vmem_shared>> -> memref<640xf32, #tpu.memory_space<vmem_shared>>
      tpu.enqueue_dma source(%dma_start3A_167 : memref<640xf32, #tpu.memory_space<vmem_shared>>) target(%arg6 : memref<640xf32, #tpu.memory_space<vmem>>) target_semaphore(%run_scoped3A_164 : memref<!tpu.dma_semaphore, #tpu.memory_space<semaphore_mem>>)
      %dma_wait3A = tpu.memref_slice %arg8[%run_scoped3A_92, %mul3A_91] : memref<16x10240xf32, #tpu.memory_space<vmem_shared>> -> memref<1x640xf32, #tpu.memory_space<vmem_shared>>
      %dma_wait3A_168 = tpu.memref_squeeze %dma_wait3A : memref<1x640xf32, #tpu.memory_space<vmem_shared>> -> memref<640xf32, #tpu.memory_space<vmem_shared>>
      %dma_wait3A_169 = tpu.memref_slice %arg8[%run_scoped3A_92, %mul3A_91] : memref<16x10240xf32, #tpu.memory_space<vmem_shared>> -> memref<1x640xf32, #tpu.memory_space<vmem_shared>>
      %dma_wait3A_170 = tpu.memref_squeeze %dma_wait3A_169 : memref<1x640xf32, #tpu.memory_space<vmem_shared>> -> memref<640xf32, #tpu.memory_space<vmem_shared>>
      tpu.wait_dma2 semaphore(%run_scoped3A_164 : memref<!tpu.dma_semaphore, #tpu.memory_space<semaphore_mem>>) src(%dma_wait3A_170 : memref<640xf32, #tpu.memory_space<vmem_shared>>) dst(%arg6 : memref<640xf32, #tpu.memory_space<vmem>>)
      tpu.yield
    }) : () -> ()
    %scan3A_93 = arith.constant 0 : i32
    %scan3A_94 = arith.constant 0 : i32
    %scan3A_95 = arith.constant 40 : i32
    %scan3A_96 = arith.addi %scan3A_94, %scan3A_95 : i32
    %scan3A_97 = arith.constant 1 : i32
    scf.for %scan3A_164 = %scan3A_94 to %scan3A_96 step %scan3A_97  : i32 {
      %mul3A_165 = arith.constant 16 : i32
      %mul3A_166 = arith.muli %scan3A_164, %mul3A_165 : i32
      %get3A = arith.index_cast %mul3A_166 : i32 to index
      %get3A_167 = tpu.vector_load %arg7[%get3A] {strides = array<i32>} : memref<640xf32, #tpu.memory_space<vmem>>, vector<16xf32>,
      %mul3A_168 = arith.constant 16 : i32
      %mul3A_169 = arith.muli %scan3A_164, %mul3A_168 : i32
      %get3A_170 = arith.index_cast %mul3A_169 : i32 to index
      %get3A_171 = tpu.vector_load %arg6[%get3A_170] {strides = array<i32>} : memref<640xf32, #tpu.memory_space<vmem>>, vector<16xf32>,
      %add3A = arith.addf %get3A_167, %get3A_171 : vector<16xf32>
      %swap3A = arith.index_cast %mul3A_166 : i32 to index
      %swap3A_172 = tpu.vector_load %arg7[%swap3A] {strides = array<i32>} : memref<640xf32, #tpu.memory_space<vmem>>, vector<16xf32>,
      tpu.vector_store %arg7[%swap3A], %add3A {strides = array<i32>} : memref<640xf32, #tpu.memory_space<vmem>>, vector<16xf32>,
    }
    %scan3A_98 = arith.constant 40 : i32
    %mul3A_99 = arith.constant 640 : i32
    %mul3A_100 = arith.muli %arg1, %mul3A_99 : i32
    %run_scoped3A_101 = arith.constant 9 : i32
    "tpu.region"() ({
      %run_scoped3A_164 = tpu.sem_alloc : memref<!tpu.dma_semaphore, #tpu.memory_space<semaphore_mem>>
      %dma_start3A = tpu.memref_slice %arg8[%run_scoped3A_101, %mul3A_100] : memref<16x10240xf32, #tpu.memory_space<vmem_shared>> -> memref<1x640xf32, #tpu.memory_space<vmem_shared>>
      %dma_start3A_165 = tpu.memref_squeeze %dma_start3A : memref<1x640xf32, #tpu.memory_space<vmem_shared>> -> memref<640xf32, #tpu.memory_space<vmem_shared>>
      %dma_start3A_166 = tpu.memref_slice %arg8[%run_scoped3A_101, %mul3A_100] : memref<16x10240xf32, #tpu.memory_space<vmem_shared>> -> memref<1x640xf32, #tpu.memory_space<vmem_shared>>
      %dma_start3A_167 = tpu.memref_squeeze %dma_start3A_166 : memref<1x640xf32, #tpu.memory_space<vmem_shared>> -> memref<640xf32, #tpu.memory_space<vmem_shared>>
      tpu.enqueue_dma source(%dma_start3A_167 : memref<640xf32, #tpu.memory_space<vmem_shared>>) target(%arg6 : memref<640xf32, #tpu.memory_space<vmem>>) target_semaphore(%run_scoped3A_164 : memref<!tpu.dma_semaphore, #tpu.memory_space<semaphore_mem>>)
      %dma_wait3A = tpu.memref_slice %arg8[%run_scoped3A_101, %mul3A_100] : memref<16x10240xf32, #tpu.memory_space<vmem_shared>> -> memref<1x640xf32, #tpu.memory_space<vmem_shared>>
      %dma_wait3A_168 = tpu.memref_squeeze %dma_wait3A : memref<1x640xf32, #tpu.memory_space<vmem_shared>> -> memref<640xf32, #tpu.memory_space<vmem_shared>>
      %dma_wait3A_169 = tpu.memref_slice %arg8[%run_scoped3A_101, %mul3A_100] : memref<16x10240xf32, #tpu.memory_space<vmem_shared>> -> memref<1x640xf32, #tpu.memory_space<vmem_shared>>
      %dma_wait3A_170 = tpu.memref_squeeze %dma_wait3A_169 : memref<1x640xf32, #tpu.memory_space<vmem_shared>> -> memref<640xf32, #tpu.memory_space<vmem_shared>>
      tpu.wait_dma2 semaphore(%run_scoped3A_164 : memref<!tpu.dma_semaphore, #tpu.memory_space<semaphore_mem>>) src(%dma_wait3A_170 : memref<640xf32, #tpu.memory_space<vmem_shared>>) dst(%arg6 : memref<640xf32, #tpu.memory_space<vmem>>)
      tpu.yield
    }) : () -> ()
    %scan3A_102 = arith.constant 0 : i32
    %scan3A_103 = arith.constant 0 : i32
    %scan3A_104 = arith.constant 40 : i32
    %scan3A_105 = arith.addi %scan3A_103, %scan3A_104 : i32
    %scan3A_106 = arith.constant 1 : i32
    scf.for %scan3A_164 = %scan3A_103 to %scan3A_105 step %scan3A_106  : i32 {
      %mul3A_165 = arith.constant 16 : i32
      %mul3A_166 = arith.muli %scan3A_164, %mul3A_165 : i32
      %get3A = arith.index_cast %mul3A_166 : i32 to index
      %get3A_167 = tpu.vector_load %arg7[%get3A] {strides = array<i32>} : memref<640xf32, #tpu.memory_space<vmem>>, vector<16xf32>,
      %mul3A_168 = arith.constant 16 : i32
      %mul3A_169 = arith.muli %scan3A_164, %mul3A_168 : i32
      %get3A_170 = arith.index_cast %mul3A_169 : i32 to index
      %get3A_171 = tpu.vector_load %arg6[%get3A_170] {strides = array<i32>} : memref<640xf32, #tpu.memory_space<vmem>>, vector<16xf32>,
      %add3A = arith.addf %get3A_167, %get3A_171 : vector<16xf32>
      %swap3A = arith.index_cast %mul3A_166 : i32 to index
      %swap3A_172 = tpu.vector_load %arg7[%swap3A] {strides = array<i32>} : memref<640xf32, #tpu.memory_space<vmem>>, vector<16xf32>,
      tpu.vector_store %arg7[%swap3A], %add3A {strides = array<i32>} : memref<640xf32, #tpu.memory_space<vmem>>, vector<16xf32>,
    }
    %scan3A_107 = arith.constant 40 : i32
    %mul3A_108 = arith.constant 640 : i32
    %mul3A_109 = arith.muli %arg1, %mul3A_108 : i32
    %run_scoped3A_110 = arith.constant 10 : i32
    "tpu.region"() ({
      %run_scoped3A_164 = tpu.sem_alloc : memref<!tpu.dma_semaphore, #tpu.memory_space<semaphore_mem>>
      %dma_start3A = tpu.memref_slice %arg8[%run_scoped3A_110, %mul3A_109] : memref<16x10240xf32, #tpu.memory_space<vmem_shared>> -> memref<1x640xf32, #tpu.memory_space<vmem_shared>>
      %dma_start3A_165 = tpu.memref_squeeze %dma_start3A : memref<1x640xf32, #tpu.memory_space<vmem_shared>> -> memref<640xf32, #tpu.memory_space<vmem_shared>>
      %dma_start3A_166 = tpu.memref_slice %arg8[%run_scoped3A_110, %mul3A_109] : memref<16x10240xf32, #tpu.memory_space<vmem_shared>> -> memref<1x640xf32, #tpu.memory_space<vmem_shared>>
      %dma_start3A_167 = tpu.memref_squeeze %dma_start3A_166 : memref<1x640xf32, #tpu.memory_space<vmem_shared>> -> memref<640xf32, #tpu.memory_space<vmem_shared>>
      tpu.enqueue_dma source(%dma_start3A_167 : memref<640xf32, #tpu.memory_space<vmem_shared>>) target(%arg6 : memref<640xf32, #tpu.memory_space<vmem>>) target_semaphore(%run_scoped3A_164 : memref<!tpu.dma_semaphore, #tpu.memory_space<semaphore_mem>>)
      %dma_wait3A = tpu.memref_slice %arg8[%run_scoped3A_110, %mul3A_109] : memref<16x10240xf32, #tpu.memory_space<vmem_shared>> -> memref<1x640xf32, #tpu.memory_space<vmem_shared>>
      %dma_wait3A_168 = tpu.memref_squeeze %dma_wait3A : memref<1x640xf32, #tpu.memory_space<vmem_shared>> -> memref<640xf32, #tpu.memory_space<vmem_shared>>
      %dma_wait3A_169 = tpu.memref_slice %arg8[%run_scoped3A_110, %mul3A_109] : memref<16x10240xf32, #tpu.memory_space<vmem_shared>> -> memref<1x640xf32, #tpu.memory_space<vmem_shared>>
      %dma_wait3A_170 = tpu.memref_squeeze %dma_wait3A_169 : memref<1x640xf32, #tpu.memory_space<vmem_shared>> -> memref<640xf32, #tpu.memory_space<vmem_shared>>
      tpu.wait_dma2 semaphore(%run_scoped3A_164 : memref<!tpu.dma_semaphore, #tpu.memory_space<semaphore_mem>>) src(%dma_wait3A_170 : memref<640xf32, #tpu.memory_space<vmem_shared>>) dst(%arg6 : memref<640xf32, #tpu.memory_space<vmem>>)
      tpu.yield
    }) : () -> ()
    %scan3A_111 = arith.constant 0 : i32
    %scan3A_112 = arith.constant 0 : i32
    %scan3A_113 = arith.constant 40 : i32
    %scan3A_114 = arith.addi %scan3A_112, %scan3A_113 : i32
    %scan3A_115 = arith.constant 1 : i32
    scf.for %scan3A_164 = %scan3A_112 to %scan3A_114 step %scan3A_115  : i32 {
      %mul3A_165 = arith.constant 16 : i32
      %mul3A_166 = arith.muli %scan3A_164, %mul3A_165 : i32
      %get3A = arith.index_cast %mul3A_166 : i32 to index
      %get3A_167 = tpu.vector_load %arg7[%get3A] {strides = array<i32>} : memref<640xf32, #tpu.memory_space<vmem>>, vector<16xf32>,
      %mul3A_168 = arith.constant 16 : i32
      %mul3A_169 = arith.muli %scan3A_164, %mul3A_168 : i32
      %get3A_170 = arith.index_cast %mul3A_169 : i32 to index
      %get3A_171 = tpu.vector_load %arg6[%get3A_170] {strides = array<i32>} : memref<640xf32, #tpu.memory_space<vmem>>, vector<16xf32>,
      %add3A = arith.addf %get3A_167, %get3A_171 : vector<16xf32>
      %swap3A = arith.index_cast %mul3A_166 : i32 to index
      %swap3A_172 = tpu.vector_load %arg7[%swap3A] {strides = array<i32>} : memref<640xf32, #tpu.memory_space<vmem>>, vector<16xf32>,
      tpu.vector_store %arg7[%swap3A], %add3A {strides = array<i32>} : memref<640xf32, #tpu.memory_space<vmem>>, vector<16xf32>,
    }
    %scan3A_116 = arith.constant 40 : i32
    %mul3A_117 = arith.constant 640 : i32
    %mul3A_118 = arith.muli %arg1, %mul3A_117 : i32
    %run_scoped3A_119 = arith.constant 11 : i32
    "tpu.region"() ({
      %run_scoped3A_164 = tpu.sem_alloc : memref<!tpu.dma_semaphore, #tpu.memory_space<semaphore_mem>>
      %dma_start3A = tpu.memref_slice %arg8[%run_scoped3A_119, %mul3A_118] : memref<16x10240xf32, #tpu.memory_space<vmem_shared>> -> memref<1x640xf32, #tpu.memory_space<vmem_shared>>
      %dma_start3A_165 = tpu.memref_squeeze %dma_start3A : memref<1x640xf32, #tpu.memory_space<vmem_shared>> -> memref<640xf32, #tpu.memory_space<vmem_shared>>
      %dma_start3A_166 = tpu.memref_slice %arg8[%run_scoped3A_119, %mul3A_118] : memref<16x10240xf32, #tpu.memory_space<vmem_shared>> -> memref<1x640xf32, #tpu.memory_space<vmem_shared>>
      %dma_start3A_167 = tpu.memref_squeeze %dma_start3A_166 : memref<1x640xf32, #tpu.memory_space<vmem_shared>> -> memref<640xf32, #tpu.memory_space<vmem_shared>>
      tpu.enqueue_dma source(%dma_start3A_167 : memref<640xf32, #tpu.memory_space<vmem_shared>>) target(%arg6 : memref<640xf32, #tpu.memory_space<vmem>>) target_semaphore(%run_scoped3A_164 : memref<!tpu.dma_semaphore, #tpu.memory_space<semaphore_mem>>)
      %dma_wait3A = tpu.memref_slice %arg8[%run_scoped3A_119, %mul3A_118] : memref<16x10240xf32, #tpu.memory_space<vmem_shared>> -> memref<1x640xf32, #tpu.memory_space<vmem_shared>>
      %dma_wait3A_168 = tpu.memref_squeeze %dma_wait3A : memref<1x640xf32, #tpu.memory_space<vmem_shared>> -> memref<640xf32, #tpu.memory_space<vmem_shared>>
      %dma_wait3A_169 = tpu.memref_slice %arg8[%run_scoped3A_119, %mul3A_118] : memref<16x10240xf32, #tpu.memory_space<vmem_shared>> -> memref<1x640xf32, #tpu.memory_space<vmem_shared>>
      %dma_wait3A_170 = tpu.memref_squeeze %dma_wait3A_169 : memref<1x640xf32, #tpu.memory_space<vmem_shared>> -> memref<640xf32, #tpu.memory_space<vmem_shared>>
      tpu.wait_dma2 semaphore(%run_scoped3A_164 : memref<!tpu.dma_semaphore, #tpu.memory_space<semaphore_mem>>) src(%dma_wait3A_170 : memref<640xf32, #tpu.memory_space<vmem_shared>>) dst(%arg6 : memref<640xf32, #tpu.memory_space<vmem>>)
      tpu.yield
    }) : () -> ()
    %scan3A_120 = arith.constant 0 : i32
    %scan3A_121 = arith.constant 0 : i32
    %scan3A_122 = arith.constant 40 : i32
    %scan3A_123 = arith.addi %scan3A_121, %scan3A_122 : i32
    %scan3A_124 = arith.constant 1 : i32
    scf.for %scan3A_164 = %scan3A_121 to %scan3A_123 step %scan3A_124  : i32 {
      %mul3A_165 = arith.constant 16 : i32
      %mul3A_166 = arith.muli %scan3A_164, %mul3A_165 : i32
      %get3A = arith.index_cast %mul3A_166 : i32 to index
      %get3A_167 = tpu.vector_load %arg7[%get3A] {strides = array<i32>} : memref<640xf32, #tpu.memory_space<vmem>>, vector<16xf32>,
      %mul3A_168 = arith.constant 16 : i32
      %mul3A_169 = arith.muli %scan3A_164, %mul3A_168 : i32
      %get3A_170 = arith.index_cast %mul3A_169 : i32 to index
      %get3A_171 = tpu.vector_load %arg6[%get3A_170] {strides = array<i32>} : memref<640xf32, #tpu.memory_space<vmem>>, vector<16xf32>,
      %add3A = arith.addf %get3A_167, %get3A_171 : vector<16xf32>
      %swap3A = arith.index_cast %mul3A_166 : i32 to index
      %swap3A_172 = tpu.vector_load %arg7[%swap3A] {strides = array<i32>} : memref<640xf32, #tpu.memory_space<vmem>>, vector<16xf32>,
      tpu.vector_store %arg7[%swap3A], %add3A {strides = array<i32>} : memref<640xf32, #tpu.memory_space<vmem>>, vector<16xf32>,
    }
    %scan3A_125 = arith.constant 40 : i32
    %mul3A_126 = arith.constant 640 : i32
    %mul3A_127 = arith.muli %arg1, %mul3A_126 : i32
    %run_scoped3A_128 = arith.constant 12 : i32
    "tpu.region"() ({
      %run_scoped3A_164 = tpu.sem_alloc : memref<!tpu.dma_semaphore, #tpu.memory_space<semaphore_mem>>
      %dma_start3A = tpu.memref_slice %arg8[%run_scoped3A_128, %mul3A_127] : memref<16x10240xf32, #tpu.memory_space<vmem_shared>> -> memref<1x640xf32, #tpu.memory_space<vmem_shared>>
      %dma_start3A_165 = tpu.memref_squeeze %dma_start3A : memref<1x640xf32, #tpu.memory_space<vmem_shared>> -> memref<640xf32, #tpu.memory_space<vmem_shared>>
      %dma_start3A_166 = tpu.memref_slice %arg8[%run_scoped3A_128, %mul3A_127] : memref<16x10240xf32, #tpu.memory_space<vmem_shared>> -> memref<1x640xf32, #tpu.memory_space<vmem_shared>>
      %dma_start3A_167 = tpu.memref_squeeze %dma_start3A_166 : memref<1x640xf32, #tpu.memory_space<vmem_shared>> -> memref<640xf32, #tpu.memory_space<vmem_shared>>
      tpu.enqueue_dma source(%dma_start3A_167 : memref<640xf32, #tpu.memory_space<vmem_shared>>) target(%arg6 : memref<640xf32, #tpu.memory_space<vmem>>) target_semaphore(%run_scoped3A_164 : memref<!tpu.dma_semaphore, #tpu.memory_space<semaphore_mem>>)
      %dma_wait3A = tpu.memref_slice %arg8[%run_scoped3A_128, %mul3A_127] : memref<16x10240xf32, #tpu.memory_space<vmem_shared>> -> memref<1x640xf32, #tpu.memory_space<vmem_shared>>
      %dma_wait3A_168 = tpu.memref_squeeze %dma_wait3A : memref<1x640xf32, #tpu.memory_space<vmem_shared>> -> memref<640xf32, #tpu.memory_space<vmem_shared>>
      %dma_wait3A_169 = tpu.memref_slice %arg8[%run_scoped3A_128, %mul3A_127] : memref<16x10240xf32, #tpu.memory_space<vmem_shared>> -> memref<1x640xf32, #tpu.memory_space<vmem_shared>>
      %dma_wait3A_170 = tpu.memref_squeeze %dma_wait3A_169 : memref<1x640xf32, #tpu.memory_space<vmem_shared>> -> memref<640xf32, #tpu.memory_space<vmem_shared>>
      tpu.wait_dma2 semaphore(%run_scoped3A_164 : memref<!tpu.dma_semaphore, #tpu.memory_space<semaphore_mem>>) src(%dma_wait3A_170 : memref<640xf32, #tpu.memory_space<vmem_shared>>) dst(%arg6 : memref<640xf32, #tpu.memory_space<vmem>>)
      tpu.yield
    }) : () -> ()
    %scan3A_129 = arith.constant 0 : i32
    %scan3A_130 = arith.constant 0 : i32
    %scan3A_131 = arith.constant 40 : i32
    %scan3A_132 = arith.addi %scan3A_130, %scan3A_131 : i32
    %scan3A_133 = arith.constant 1 : i32
    scf.for %scan3A_164 = %scan3A_130 to %scan3A_132 step %scan3A_133  : i32 {
      %mul3A_165 = arith.constant 16 : i32
      %mul3A_166 = arith.muli %scan3A_164, %mul3A_165 : i32
      %get3A = arith.index_cast %mul3A_166 : i32 to index
      %get3A_167 = tpu.vector_load %arg7[%get3A] {strides = array<i32>} : memref<640xf32, #tpu.memory_space<vmem>>, vector<16xf32>,
      %mul3A_168 = arith.constant 16 : i32
      %mul3A_169 = arith.muli %scan3A_164, %mul3A_168 : i32
      %get3A_170 = arith.index_cast %mul3A_169 : i32 to index
      %get3A_171 = tpu.vector_load %arg6[%get3A_170] {strides = array<i32>} : memref<640xf32, #tpu.memory_space<vmem>>, vector<16xf32>,
      %add3A = arith.addf %get3A_167, %get3A_171 : vector<16xf32>
      %swap3A = arith.index_cast %mul3A_166 : i32 to index
      %swap3A_172 = tpu.vector_load %arg7[%swap3A] {strides = array<i32>} : memref<640xf32, #tpu.memory_space<vmem>>, vector<16xf32>,
      tpu.vector_store %arg7[%swap3A], %add3A {strides = array<i32>} : memref<640xf32, #tpu.memory_space<vmem>>, vector<16xf32>,
    }
    %scan3A_134 = arith.constant 40 : i32
    %mul3A_135 = arith.constant 640 : i32
    %mul3A_136 = arith.muli %arg1, %mul3A_135 : i32
    %run_scoped3A_137 = arith.constant 13 : i32
    "tpu.region"() ({
      %run_scoped3A_164 = tpu.sem_alloc : memref<!tpu.dma_semaphore, #tpu.memory_space<semaphore_mem>>
      %dma_start3A = tpu.memref_slice %arg8[%run_scoped3A_137, %mul3A_136] : memref<16x10240xf32, #tpu.memory_space<vmem_shared>> -> memref<1x640xf32, #tpu.memory_space<vmem_shared>>
      %dma_start3A_165 = tpu.memref_squeeze %dma_start3A : memref<1x640xf32, #tpu.memory_space<vmem_shared>> -> memref<640xf32, #tpu.memory_space<vmem_shared>>
      %dma_start3A_166 = tpu.memref_slice %arg8[%run_scoped3A_137, %mul3A_136] : memref<16x10240xf32, #tpu.memory_space<vmem_shared>> -> memref<1x640xf32, #tpu.memory_space<vmem_shared>>
      %dma_start3A_167 = tpu.memref_squeeze %dma_start3A_166 : memref<1x640xf32, #tpu.memory_space<vmem_shared>> -> memref<640xf32, #tpu.memory_space<vmem_shared>>
      tpu.enqueue_dma source(%dma_start3A_167 : memref<640xf32, #tpu.memory_space<vmem_shared>>) target(%arg6 : memref<640xf32, #tpu.memory_space<vmem>>) target_semaphore(%run_scoped3A_164 : memref<!tpu.dma_semaphore, #tpu.memory_space<semaphore_mem>>)
      %dma_wait3A = tpu.memref_slice %arg8[%run_scoped3A_137, %mul3A_136] : memref<16x10240xf32, #tpu.memory_space<vmem_shared>> -> memref<1x640xf32, #tpu.memory_space<vmem_shared>>
      %dma_wait3A_168 = tpu.memref_squeeze %dma_wait3A : memref<1x640xf32, #tpu.memory_space<vmem_shared>> -> memref<640xf32, #tpu.memory_space<vmem_shared>>
      %dma_wait3A_169 = tpu.memref_slice %arg8[%run_scoped3A_137, %mul3A_136] : memref<16x10240xf32, #tpu.memory_space<vmem_shared>> -> memref<1x640xf32, #tpu.memory_space<vmem_shared>>
      %dma_wait3A_170 = tpu.memref_squeeze %dma_wait3A_169 : memref<1x640xf32, #tpu.memory_space<vmem_shared>> -> memref<640xf32, #tpu.memory_space<vmem_shared>>
      tpu.wait_dma2 semaphore(%run_scoped3A_164 : memref<!tpu.dma_semaphore, #tpu.memory_space<semaphore_mem>>) src(%dma_wait3A_170 : memref<640xf32, #tpu.memory_space<vmem_shared>>) dst(%arg6 : memref<640xf32, #tpu.memory_space<vmem>>)
      tpu.yield
    }) : () -> ()
    %scan3A_138 = arith.constant 0 : i32
    %scan3A_139 = arith.constant 0 : i32
    %scan3A_140 = arith.constant 40 : i32
    %scan3A_141 = arith.addi %scan3A_139, %scan3A_140 : i32
    %scan3A_142 = arith.constant 1 : i32
    scf.for %scan3A_164 = %scan3A_139 to %scan3A_141 step %scan3A_142  : i32 {
      %mul3A_165 = arith.constant 16 : i32
      %mul3A_166 = arith.muli %scan3A_164, %mul3A_165 : i32
      %get3A = arith.index_cast %mul3A_166 : i32 to index
      %get3A_167 = tpu.vector_load %arg7[%get3A] {strides = array<i32>} : memref<640xf32, #tpu.memory_space<vmem>>, vector<16xf32>,
      %mul3A_168 = arith.constant 16 : i32
      %mul3A_169 = arith.muli %scan3A_164, %mul3A_168 : i32
      %get3A_170 = arith.index_cast %mul3A_169 : i32 to index
      %get3A_171 = tpu.vector_load %arg6[%get3A_170] {strides = array<i32>} : memref<640xf32, #tpu.memory_space<vmem>>, vector<16xf32>,
      %add3A = arith.addf %get3A_167, %get3A_171 : vector<16xf32>
      %swap3A = arith.index_cast %mul3A_166 : i32 to index
      %swap3A_172 = tpu.vector_load %arg7[%swap3A] {strides = array<i32>} : memref<640xf32, #tpu.memory_space<vmem>>, vector<16xf32>,
      tpu.vector_store %arg7[%swap3A], %add3A {strides = array<i32>} : memref<640xf32, #tpu.memory_space<vmem>>, vector<16xf32>,
    }
    %scan3A_143 = arith.constant 40 : i32
    %mul3A_144 = arith.constant 640 : i32
    %mul3A_145 = arith.muli %arg1, %mul3A_144 : i32
    %run_scoped3A_146 = arith.constant 14 : i32
    "tpu.region"() ({
      %run_scoped3A_164 = tpu.sem_alloc : memref<!tpu.dma_semaphore, #tpu.memory_space<semaphore_mem>>
      %dma_start3A = tpu.memref_slice %arg8[%run_scoped3A_146, %mul3A_145] : memref<16x10240xf32, #tpu.memory_space<vmem_shared>> -> memref<1x640xf32, #tpu.memory_space<vmem_shared>>
      %dma_start3A_165 = tpu.memref_squeeze %dma_start3A : memref<1x640xf32, #tpu.memory_space<vmem_shared>> -> memref<640xf32, #tpu.memory_space<vmem_shared>>
      %dma_start3A_166 = tpu.memref_slice %arg8[%run_scoped3A_146, %mul3A_145] : memref<16x10240xf32, #tpu.memory_space<vmem_shared>> -> memref<1x640xf32, #tpu.memory_space<vmem_shared>>
      %dma_start3A_167 = tpu.memref_squeeze %dma_start3A_166 : memref<1x640xf32, #tpu.memory_space<vmem_shared>> -> memref<640xf32, #tpu.memory_space<vmem_shared>>
      tpu.enqueue_dma source(%dma_start3A_167 : memref<640xf32, #tpu.memory_space<vmem_shared>>) target(%arg6 : memref<640xf32, #tpu.memory_space<vmem>>) target_semaphore(%run_scoped3A_164 : memref<!tpu.dma_semaphore, #tpu.memory_space<semaphore_mem>>)
      %dma_wait3A = tpu.memref_slice %arg8[%run_scoped3A_146, %mul3A_145] : memref<16x10240xf32, #tpu.memory_space<vmem_shared>> -> memref<1x640xf32, #tpu.memory_space<vmem_shared>>
      %dma_wait3A_168 = tpu.memref_squeeze %dma_wait3A : memref<1x640xf32, #tpu.memory_space<vmem_shared>> -> memref<640xf32, #tpu.memory_space<vmem_shared>>
      %dma_wait3A_169 = tpu.memref_slice %arg8[%run_scoped3A_146, %mul3A_145] : memref<16x10240xf32, #tpu.memory_space<vmem_shared>> -> memref<1x640xf32, #tpu.memory_space<vmem_shared>>
      %dma_wait3A_170 = tpu.memref_squeeze %dma_wait3A_169 : memref<1x640xf32, #tpu.memory_space<vmem_shared>> -> memref<640xf32, #tpu.memory_space<vmem_shared>>
      tpu.wait_dma2 semaphore(%run_scoped3A_164 : memref<!tpu.dma_semaphore, #tpu.memory_space<semaphore_mem>>) src(%dma_wait3A_170 : memref<640xf32, #tpu.memory_space<vmem_shared>>) dst(%arg6 : memref<640xf32, #tpu.memory_space<vmem>>)
      tpu.yield
    }) : () -> ()
    %scan3A_147 = arith.constant 0 : i32
    %scan3A_148 = arith.constant 0 : i32
    %scan3A_149 = arith.constant 40 : i32
    %scan3A_150 = arith.addi %scan3A_148, %scan3A_149 : i32
    %scan3A_151 = arith.constant 1 : i32
    scf.for %scan3A_164 = %scan3A_148 to %scan3A_150 step %scan3A_151  : i32 {
      %mul3A_165 = arith.constant 16 : i32
      %mul3A_166 = arith.muli %scan3A_164, %mul3A_165 : i32
      %get3A = arith.index_cast %mul3A_166 : i32 to index
      %get3A_167 = tpu.vector_load %arg7[%get3A] {strides = array<i32>} : memref<640xf32, #tpu.memory_space<vmem>>, vector<16xf32>,
      %mul3A_168 = arith.constant 16 : i32
      %mul3A_169 = arith.muli %scan3A_164, %mul3A_168 : i32
      %get3A_170 = arith.index_cast %mul3A_169 : i32 to index
      %get3A_171 = tpu.vector_load %arg6[%get3A_170] {strides = array<i32>} : memref<640xf32, #tpu.memory_space<vmem>>, vector<16xf32>,
      %add3A = arith.addf %get3A_167, %get3A_171 : vector<16xf32>
      %swap3A = arith.index_cast %mul3A_166 : i32 to index
      %swap3A_172 = tpu.vector_load %arg7[%swap3A] {strides = array<i32>} : memref<640xf32, #tpu.memory_space<vmem>>, vector<16xf32>,
      tpu.vector_store %arg7[%swap3A], %add3A {strides = array<i32>} : memref<640xf32, #tpu.memory_space<vmem>>, vector<16xf32>,
    }
    %scan3A_152 = arith.constant 40 : i32
    %mul3A_153 = arith.constant 640 : i32
    %mul3A_154 = arith.muli %arg1, %mul3A_153 : i32
    %run_scoped3A_155 = arith.constant 15 : i32
    "tpu.region"() ({
      %run_scoped3A_164 = tpu.sem_alloc : memref<!tpu.dma_semaphore, #tpu.memory_space<semaphore_mem>>
      %dma_start3A = tpu.memref_slice %arg8[%run_scoped3A_155, %mul3A_154] : memref<16x10240xf32, #tpu.memory_space<vmem_shared>> -> memref<1x640xf32, #tpu.memory_space<vmem_shared>>
      %dma_start3A_165 = tpu.memref_squeeze %dma_start3A : memref<1x640xf32, #tpu.memory_space<vmem_shared>> -> memref<640xf32, #tpu.memory_space<vmem_shared>>
      %dma_start3A_166 = tpu.memref_slice %arg8[%run_scoped3A_155, %mul3A_154] : memref<16x10240xf32, #tpu.memory_space<vmem_shared>> -> memref<1x640xf32, #tpu.memory_space<vmem_shared>>
      %dma_start3A_167 = tpu.memref_squeeze %dma_start3A_166 : memref<1x640xf32, #tpu.memory_space<vmem_shared>> -> memref<640xf32, #tpu.memory_space<vmem_shared>>
      tpu.enqueue_dma source(%dma_start3A_167 : memref<640xf32, #tpu.memory_space<vmem_shared>>) target(%arg6 : memref<640xf32, #tpu.memory_space<vmem>>) target_semaphore(%run_scoped3A_164 : memref<!tpu.dma_semaphore, #tpu.memory_space<semaphore_mem>>)
      %dma_wait3A = tpu.memref_slice %arg8[%run_scoped3A_155, %mul3A_154] : memref<16x10240xf32, #tpu.memory_space<vmem_shared>> -> memref<1x640xf32, #tpu.memory_space<vmem_shared>>
      %dma_wait3A_168 = tpu.memref_squeeze %dma_wait3A : memref<1x640xf32, #tpu.memory_space<vmem_shared>> -> memref<640xf32, #tpu.memory_space<vmem_shared>>
      %dma_wait3A_169 = tpu.memref_slice %arg8[%run_scoped3A_155, %mul3A_154] : memref<16x10240xf32, #tpu.memory_space<vmem_shared>> -> memref<1x640xf32, #tpu.memory_space<vmem_shared>>
      %dma_wait3A_170 = tpu.memref_squeeze %dma_wait3A_169 : memref<1x640xf32, #tpu.memory_space<vmem_shared>> -> memref<640xf32, #tpu.memory_space<vmem_shared>>
      tpu.wait_dma2 semaphore(%run_scoped3A_164 : memref<!tpu.dma_semaphore, #tpu.memory_space<semaphore_mem>>) src(%dma_wait3A_170 : memref<640xf32, #tpu.memory_space<vmem_shared>>) dst(%arg6 : memref<640xf32, #tpu.memory_space<vmem>>)
      tpu.yield
    }) : () -> ()
    %scan3A_156 = arith.constant 0 : i32
    %scan3A_157 = arith.constant 0 : i32
    %scan3A_158 = arith.constant 40 : i32
    %scan3A_159 = arith.addi %scan3A_157, %scan3A_158 : i32
    %scan3A_160 = arith.constant 1 : i32
    scf.for %scan3A_164 = %scan3A_157 to %scan3A_159 step %scan3A_160  : i32 {
      %mul3A_165 = arith.constant 16 : i32
      %mul3A_166 = arith.muli %scan3A_164, %mul3A_165 : i32
      %get3A = arith.index_cast %mul3A_166 : i32 to index
      %get3A_167 = tpu.vector_load %arg7[%get3A] {strides = array<i32>} : memref<640xf32, #tpu.memory_space<vmem>>, vector<16xf32>,
      %mul3A_168 = arith.constant 16 : i32
      %mul3A_169 = arith.muli %scan3A_164, %mul3A_168 : i32
      %get3A_170 = arith.index_cast %mul3A_169 : i32 to index
      %get3A_171 = tpu.vector_load %arg6[%get3A_170] {strides = array<i32>} : memref<640xf32, #tpu.memory_space<vmem>>, vector<16xf32>,
      %add3A = arith.addf %get3A_167, %get3A_171 : vector<16xf32>
      %swap3A = arith.index_cast %mul3A_166 : i32 to index
      %swap3A_172 = tpu.vector_load %arg7[%swap3A] {strides = array<i32>} : memref<640xf32, #tpu.memory_space<vmem>>, vector<16xf32>,
      tpu.vector_store %arg7[%swap3A], %add3A {strides = array<i32>} : memref<640xf32, #tpu.memory_space<vmem>>, vector<16xf32>,
    }
    %scan3A_161 = arith.constant 40 : i32
    %mul3A_162 = arith.constant 640 : i32
    %mul3A_163 = arith.muli %arg1, %mul3A_162 : i32
    "tpu.region"() ({
      %run_scoped3A_164 = tpu.sem_alloc : memref<!tpu.dma_semaphore, #tpu.memory_space<semaphore_mem>>
      %dma_start3A = tpu.memref_slice %arg3[%arg0, %mul3A_163] : memref<2x10240xf32, #tpu.memory_space<hbm>> -> memref<1x640xf32, #tpu.memory_space<hbm>>
      %dma_start3A_165 = tpu.memref_squeeze %dma_start3A : memref<1x640xf32, #tpu.memory_space<hbm>> -> memref<640xf32, #tpu.memory_space<hbm>>
      %dma_start3A_166 = tpu.memref_slice %arg3[%arg0, %mul3A_163] : memref<2x10240xf32, #tpu.memory_space<hbm>> -> memref<1x640xf32, #tpu.memory_space<hbm>>
      %dma_start3A_167 = tpu.memref_squeeze %dma_start3A_166 : memref<1x640xf32, #tpu.memory_space<hbm>> -> memref<640xf32, #tpu.memory_space<hbm>>
      tpu.enqueue_dma source(%arg7 : memref<640xf32, #tpu.memory_space<vmem>>) target(%dma_start3A_167 : memref<640xf32, #tpu.memory_space<hbm>>) target_semaphore(%run_scoped3A_164 : memref<!tpu.dma_semaphore, #tpu.memory_space<semaphore_mem>>)
      %dma_wait3A = tpu.memref_slice %arg3[%arg0, %mul3A_163] : memref<2x10240xf32, #tpu.memory_space<hbm>> -> memref<1x640xf32, #tpu.memory_space<hbm>>
      %dma_wait3A_168 = tpu.memref_squeeze %dma_wait3A : memref<1x640xf32, #tpu.memory_space<hbm>> -> memref<640xf32, #tpu.memory_space<hbm>>
      %dma_wait3A_169 = tpu.memref_slice %arg3[%arg0, %mul3A_163] : memref<2x10240xf32, #tpu.memory_space<hbm>> -> memref<1x640xf32, #tpu.memory_space<hbm>>
      %dma_wait3A_170 = tpu.memref_squeeze %dma_wait3A_169 : memref<1x640xf32, #tpu.memory_space<hbm>> -> memref<640xf32, #tpu.memory_space<hbm>>
      tpu.wait_dma2 semaphore(%run_scoped3A_164 : memref<!tpu.dma_semaphore, #tpu.memory_space<semaphore_mem>>) src(%arg7 : memref<640xf32, #tpu.memory_space<vmem>>) dst(%dma_wait3A_170 : memref<640xf32, #tpu.memory_space<hbm>>)
      tpu.yield
    }) : () -> ()
    return
  }
}

#map = affine_map<(d0, d1) -> (0, 0, 0, 0)>
#map1 = affine_map<(d0, d1) -> (0, 0)>
#map2 = affine_map<(d0, d1) -> (0, 0, 0)>
module attributes {stable_mosaic.version = 14 : i64} {
  func.func @_spmm_body(%arg0: i32, %arg1: i32, %arg2: memref<2x16x250x80xi32, #tpu.memory_space<hbm>>, %arg3: memref<2x16x250x80xi32, #tpu.memory_space<hbm>>, %arg4: memref<20000x128xbf16, #tpu.memory_space<hbm>>, %arg5: memref<80x128xbf16, #tpu.memory_space<hbm>>, %arg6: memref<2x10240x128xbf16, #tpu.memory_space<hbm>>, %arg7: memref<250x80xi32, #tpu.memory_space<vmem>>, %arg8: memref<250x80xi32, #tpu.memory_space<vmem>>, %arg9: memref<80x128xbf16, #tpu.memory_space<vmem>>, %arg10: memref<80x128xbf16, #tpu.memory_space<vmem>>, %arg11: memref<10240x128xbf16, #tpu.memory_space<vmem_shared>>, %arg12: memref<!tpu.dma_semaphore, #tpu.memory_space<semaphore_mem>>, %arg13: memref<!tpu.dma_semaphore, #tpu.memory_space<semaphore_mem>>) attributes {dimension_semantics = [#tpu.dimension_semantics<core_parallel>, #tpu.dimension_semantics<subcore_parallel>], iteration_bounds = array<i64: 2, 16>, scalar_prefetch = 0 : i64, scratch_operands = 7 : i64, tpu.core_type = #tpu.core_type<sc_vector_subcore>, window_params = [{transform_indices = #map}, {transform_indices = #map}, {transform_indices = #map1}, {transform_indices = #map1}, {transform_indices = #map2}]} {
    %mul3A = arith.constant 640 : i32
    %mul3A_0 = arith.muli %arg1, %mul3A : i32
    "tpu.region"() ({
      %run_scoped3A = tpu.sem_alloc : memref<!tpu.dma_semaphore, #tpu.memory_space<semaphore_mem>>
      tpu.enqueue_dma source(%arg5 : memref<80x128xbf16, #tpu.memory_space<hbm>>) target(%arg9 : memref<80x128xbf16, #tpu.memory_space<vmem>>) target_semaphore(%run_scoped3A : memref<!tpu.dma_semaphore, #tpu.memory_space<semaphore_mem>>)
      tpu.wait_dma2 semaphore(%run_scoped3A : memref<!tpu.dma_semaphore, #tpu.memory_space<semaphore_mem>>) src(%arg5 : memref<80x128xbf16, #tpu.memory_space<hbm>>) dst(%arg9 : memref<80x128xbf16, #tpu.memory_space<vmem>>)
      tpu.yield
    }) : () -> ()
    %add3A = arith.constant 0 : i32
    %add3A_1 = arith.addi %mul3A_0, %add3A : i32
    "tpu.region"() ({
      %run_scoped3A = tpu.sem_alloc : memref<!tpu.dma_semaphore, #tpu.memory_space<semaphore_mem>>
      %dma_start3A_51 = arith.constant 0 : i32
      %dma_start3A_52 = tpu.memref_slice %arg11[%add3A_1, %dma_start3A_51] : memref<10240x128xbf16, #tpu.memory_space<vmem_shared>> -> memref<80x128xbf16, #tpu.memory_space<vmem_shared>>
      %dma_start3A_53 = arith.constant 0 : i32
      %dma_start3A_54 = tpu.memref_slice %arg11[%add3A_1, %dma_start3A_53] : memref<10240x128xbf16, #tpu.memory_space<vmem_shared>> -> memref<80x128xbf16, #tpu.memory_space<vmem_shared>>
      tpu.enqueue_dma source(%arg9 : memref<80x128xbf16, #tpu.memory_space<vmem>>) target(%dma_start3A_54 : memref<80x128xbf16, #tpu.memory_space<vmem_shared>>) target_semaphore(%run_scoped3A : memref<!tpu.dma_semaphore, #tpu.memory_space<semaphore_mem>>)
      %dma_wait3A = arith.constant 0 : i32
      %dma_wait3A_55 = tpu.memref_slice %arg11[%add3A_1, %dma_wait3A] : memref<10240x128xbf16, #tpu.memory_space<vmem_shared>> -> memref<80x128xbf16, #tpu.memory_space<vmem_shared>>
      %dma_wait3A_56 = arith.constant 0 : i32
      %dma_wait3A_57 = tpu.memref_slice %arg11[%add3A_1, %dma_wait3A_56] : memref<10240x128xbf16, #tpu.memory_space<vmem_shared>> -> memref<80x128xbf16, #tpu.memory_space<vmem_shared>>
      tpu.wait_dma2 semaphore(%run_scoped3A : memref<!tpu.dma_semaphore, #tpu.memory_space<semaphore_mem>>) src(%arg9 : memref<80x128xbf16, #tpu.memory_space<vmem>>) dst(%dma_wait3A_57 : memref<80x128xbf16, #tpu.memory_space<vmem_shared>>)
      tpu.yield
    }) : () -> ()
    %add3A_2 = arith.constant 80 : i32
    %add3A_3 = arith.addi %mul3A_0, %add3A_2 : i32
    "tpu.region"() ({
      %run_scoped3A = tpu.sem_alloc : memref<!tpu.dma_semaphore, #tpu.memory_space<semaphore_mem>>
      %dma_start3A_51 = arith.constant 0 : i32
      %dma_start3A_52 = tpu.memref_slice %arg11[%add3A_3, %dma_start3A_51] : memref<10240x128xbf16, #tpu.memory_space<vmem_shared>> -> memref<80x128xbf16, #tpu.memory_space<vmem_shared>>
      %dma_start3A_53 = arith.constant 0 : i32
      %dma_start3A_54 = tpu.memref_slice %arg11[%add3A_3, %dma_start3A_53] : memref<10240x128xbf16, #tpu.memory_space<vmem_shared>> -> memref<80x128xbf16, #tpu.memory_space<vmem_shared>>
      tpu.enqueue_dma source(%arg9 : memref<80x128xbf16, #tpu.memory_space<vmem>>) target(%dma_start3A_54 : memref<80x128xbf16, #tpu.memory_space<vmem_shared>>) target_semaphore(%run_scoped3A : memref<!tpu.dma_semaphore, #tpu.memory_space<semaphore_mem>>)
      %dma_wait3A = arith.constant 0 : i32
      %dma_wait3A_55 = tpu.memref_slice %arg11[%add3A_3, %dma_wait3A] : memref<10240x128xbf16, #tpu.memory_space<vmem_shared>> -> memref<80x128xbf16, #tpu.memory_space<vmem_shared>>
      %dma_wait3A_56 = arith.constant 0 : i32
      %dma_wait3A_57 = tpu.memref_slice %arg11[%add3A_3, %dma_wait3A_56] : memref<10240x128xbf16, #tpu.memory_space<vmem_shared>> -> memref<80x128xbf16, #tpu.memory_space<vmem_shared>>
      tpu.wait_dma2 semaphore(%run_scoped3A : memref<!tpu.dma_semaphore, #tpu.memory_space<semaphore_mem>>) src(%arg9 : memref<80x128xbf16, #tpu.memory_space<vmem>>) dst(%dma_wait3A_57 : memref<80x128xbf16, #tpu.memory_space<vmem_shared>>)
      tpu.yield
    }) : () -> ()
    %add3A_4 = arith.constant 160 : i32
    %add3A_5 = arith.addi %mul3A_0, %add3A_4 : i32
    "tpu.region"() ({
      %run_scoped3A = tpu.sem_alloc : memref<!tpu.dma_semaphore, #tpu.memory_space<semaphore_mem>>
      %dma_start3A_51 = arith.constant 0 : i32
      %dma_start3A_52 = tpu.memref_slice %arg11[%add3A_5, %dma_start3A_51] : memref<10240x128xbf16, #tpu.memory_space<vmem_shared>> -> memref<80x128xbf16, #tpu.memory_space<vmem_shared>>
      %dma_start3A_53 = arith.constant 0 : i32
      %dma_start3A_54 = tpu.memref_slice %arg11[%add3A_5, %dma_start3A_53] : memref<10240x128xbf16, #tpu.memory_space<vmem_shared>> -> memref<80x128xbf16, #tpu.memory_space<vmem_shared>>
      tpu.enqueue_dma source(%arg9 : memref<80x128xbf16, #tpu.memory_space<vmem>>) target(%dma_start3A_54 : memref<80x128xbf16, #tpu.memory_space<vmem_shared>>) target_semaphore(%run_scoped3A : memref<!tpu.dma_semaphore, #tpu.memory_space<semaphore_mem>>)
      %dma_wait3A = arith.constant 0 : i32
      %dma_wait3A_55 = tpu.memref_slice %arg11[%add3A_5, %dma_wait3A] : memref<10240x128xbf16, #tpu.memory_space<vmem_shared>> -> memref<80x128xbf16, #tpu.memory_space<vmem_shared>>
      %dma_wait3A_56 = arith.constant 0 : i32
      %dma_wait3A_57 = tpu.memref_slice %arg11[%add3A_5, %dma_wait3A_56] : memref<10240x128xbf16, #tpu.memory_space<vmem_shared>> -> memref<80x128xbf16, #tpu.memory_space<vmem_shared>>
      tpu.wait_dma2 semaphore(%run_scoped3A : memref<!tpu.dma_semaphore, #tpu.memory_space<semaphore_mem>>) src(%arg9 : memref<80x128xbf16, #tpu.memory_space<vmem>>) dst(%dma_wait3A_57 : memref<80x128xbf16, #tpu.memory_space<vmem_shared>>)
      tpu.yield
    }) : () -> ()
    %add3A_6 = arith.constant 240 : i32
    %add3A_7 = arith.addi %mul3A_0, %add3A_6 : i32
    "tpu.region"() ({
      %run_scoped3A = tpu.sem_alloc : memref<!tpu.dma_semaphore, #tpu.memory_space<semaphore_mem>>
      %dma_start3A_51 = arith.constant 0 : i32
      %dma_start3A_52 = tpu.memref_slice %arg11[%add3A_7, %dma_start3A_51] : memref<10240x128xbf16, #tpu.memory_space<vmem_shared>> -> memref<80x128xbf16, #tpu.memory_space<vmem_shared>>
      %dma_start3A_53 = arith.constant 0 : i32
      %dma_start3A_54 = tpu.memref_slice %arg11[%add3A_7, %dma_start3A_53] : memref<10240x128xbf16, #tpu.memory_space<vmem_shared>> -> memref<80x128xbf16, #tpu.memory_space<vmem_shared>>
      tpu.enqueue_dma source(%arg9 : memref<80x128xbf16, #tpu.memory_space<vmem>>) target(%dma_start3A_54 : memref<80x128xbf16, #tpu.memory_space<vmem_shared>>) target_semaphore(%run_scoped3A : memref<!tpu.dma_semaphore, #tpu.memory_space<semaphore_mem>>)
      %dma_wait3A = arith.constant 0 : i32
      %dma_wait3A_55 = tpu.memref_slice %arg11[%add3A_7, %dma_wait3A] : memref<10240x128xbf16, #tpu.memory_space<vmem_shared>> -> memref<80x128xbf16, #tpu.memory_space<vmem_shared>>
      %dma_wait3A_56 = arith.constant 0 : i32
      %dma_wait3A_57 = tpu.memref_slice %arg11[%add3A_7, %dma_wait3A_56] : memref<10240x128xbf16, #tpu.memory_space<vmem_shared>> -> memref<80x128xbf16, #tpu.memory_space<vmem_shared>>
      tpu.wait_dma2 semaphore(%run_scoped3A : memref<!tpu.dma_semaphore, #tpu.memory_space<semaphore_mem>>) src(%arg9 : memref<80x128xbf16, #tpu.memory_space<vmem>>) dst(%dma_wait3A_57 : memref<80x128xbf16, #tpu.memory_space<vmem_shared>>)
      tpu.yield
    }) : () -> ()
    %add3A_8 = arith.constant 320 : i32
    %add3A_9 = arith.addi %mul3A_0, %add3A_8 : i32
    "tpu.region"() ({
      %run_scoped3A = tpu.sem_alloc : memref<!tpu.dma_semaphore, #tpu.memory_space<semaphore_mem>>
      %dma_start3A_51 = arith.constant 0 : i32
      %dma_start3A_52 = tpu.memref_slice %arg11[%add3A_9, %dma_start3A_51] : memref<10240x128xbf16, #tpu.memory_space<vmem_shared>> -> memref<80x128xbf16, #tpu.memory_space<vmem_shared>>
      %dma_start3A_53 = arith.constant 0 : i32
      %dma_start3A_54 = tpu.memref_slice %arg11[%add3A_9, %dma_start3A_53] : memref<10240x128xbf16, #tpu.memory_space<vmem_shared>> -> memref<80x128xbf16, #tpu.memory_space<vmem_shared>>
      tpu.enqueue_dma source(%arg9 : memref<80x128xbf16, #tpu.memory_space<vmem>>) target(%dma_start3A_54 : memref<80x128xbf16, #tpu.memory_space<vmem_shared>>) target_semaphore(%run_scoped3A : memref<!tpu.dma_semaphore, #tpu.memory_space<semaphore_mem>>)
      %dma_wait3A = arith.constant 0 : i32
      %dma_wait3A_55 = tpu.memref_slice %arg11[%add3A_9, %dma_wait3A] : memref<10240x128xbf16, #tpu.memory_space<vmem_shared>> -> memref<80x128xbf16, #tpu.memory_space<vmem_shared>>
      %dma_wait3A_56 = arith.constant 0 : i32
      %dma_wait3A_57 = tpu.memref_slice %arg11[%add3A_9, %dma_wait3A_56] : memref<10240x128xbf16, #tpu.memory_space<vmem_shared>> -> memref<80x128xbf16, #tpu.memory_space<vmem_shared>>
      tpu.wait_dma2 semaphore(%run_scoped3A : memref<!tpu.dma_semaphore, #tpu.memory_space<semaphore_mem>>) src(%arg9 : memref<80x128xbf16, #tpu.memory_space<vmem>>) dst(%dma_wait3A_57 : memref<80x128xbf16, #tpu.memory_space<vmem_shared>>)
      tpu.yield
    }) : () -> ()
    %add3A_10 = arith.constant 400 : i32
    %add3A_11 = arith.addi %mul3A_0, %add3A_10 : i32
    "tpu.region"() ({
      %run_scoped3A = tpu.sem_alloc : memref<!tpu.dma_semaphore, #tpu.memory_space<semaphore_mem>>
      %dma_start3A_51 = arith.constant 0 : i32
      %dma_start3A_52 = tpu.memref_slice %arg11[%add3A_11, %dma_start3A_51] : memref<10240x128xbf16, #tpu.memory_space<vmem_shared>> -> memref<80x128xbf16, #tpu.memory_space<vmem_shared>>
      %dma_start3A_53 = arith.constant 0 : i32
      %dma_start3A_54 = tpu.memref_slice %arg11[%add3A_11, %dma_start3A_53] : memref<10240x128xbf16, #tpu.memory_space<vmem_shared>> -> memref<80x128xbf16, #tpu.memory_space<vmem_shared>>
      tpu.enqueue_dma source(%arg9 : memref<80x128xbf16, #tpu.memory_space<vmem>>) target(%dma_start3A_54 : memref<80x128xbf16, #tpu.memory_space<vmem_shared>>) target_semaphore(%run_scoped3A : memref<!tpu.dma_semaphore, #tpu.memory_space<semaphore_mem>>)
      %dma_wait3A = arith.constant 0 : i32
      %dma_wait3A_55 = tpu.memref_slice %arg11[%add3A_11, %dma_wait3A] : memref<10240x128xbf16, #tpu.memory_space<vmem_shared>> -> memref<80x128xbf16, #tpu.memory_space<vmem_shared>>
      %dma_wait3A_56 = arith.constant 0 : i32
      %dma_wait3A_57 = tpu.memref_slice %arg11[%add3A_11, %dma_wait3A_56] : memref<10240x128xbf16, #tpu.memory_space<vmem_shared>> -> memref<80x128xbf16, #tpu.memory_space<vmem_shared>>
      tpu.wait_dma2 semaphore(%run_scoped3A : memref<!tpu.dma_semaphore, #tpu.memory_space<semaphore_mem>>) src(%arg9 : memref<80x128xbf16, #tpu.memory_space<vmem>>) dst(%dma_wait3A_57 : memref<80x128xbf16, #tpu.memory_space<vmem_shared>>)
      tpu.yield
    }) : () -> ()
    %add3A_12 = arith.constant 480 : i32
    %add3A_13 = arith.addi %mul3A_0, %add3A_12 : i32
    "tpu.region"() ({
      %run_scoped3A = tpu.sem_alloc : memref<!tpu.dma_semaphore, #tpu.memory_space<semaphore_mem>>
      %dma_start3A_51 = arith.constant 0 : i32
      %dma_start3A_52 = tpu.memref_slice %arg11[%add3A_13, %dma_start3A_51] : memref<10240x128xbf16, #tpu.memory_space<vmem_shared>> -> memref<80x128xbf16, #tpu.memory_space<vmem_shared>>
      %dma_start3A_53 = arith.constant 0 : i32
      %dma_start3A_54 = tpu.memref_slice %arg11[%add3A_13, %dma_start3A_53] : memref<10240x128xbf16, #tpu.memory_space<vmem_shared>> -> memref<80x128xbf16, #tpu.memory_space<vmem_shared>>
      tpu.enqueue_dma source(%arg9 : memref<80x128xbf16, #tpu.memory_space<vmem>>) target(%dma_start3A_54 : memref<80x128xbf16, #tpu.memory_space<vmem_shared>>) target_semaphore(%run_scoped3A : memref<!tpu.dma_semaphore, #tpu.memory_space<semaphore_mem>>)
      %dma_wait3A = arith.constant 0 : i32
      %dma_wait3A_55 = tpu.memref_slice %arg11[%add3A_13, %dma_wait3A] : memref<10240x128xbf16, #tpu.memory_space<vmem_shared>> -> memref<80x128xbf16, #tpu.memory_space<vmem_shared>>
      %dma_wait3A_56 = arith.constant 0 : i32
      %dma_wait3A_57 = tpu.memref_slice %arg11[%add3A_13, %dma_wait3A_56] : memref<10240x128xbf16, #tpu.memory_space<vmem_shared>> -> memref<80x128xbf16, #tpu.memory_space<vmem_shared>>
      tpu.wait_dma2 semaphore(%run_scoped3A : memref<!tpu.dma_semaphore, #tpu.memory_space<semaphore_mem>>) src(%arg9 : memref<80x128xbf16, #tpu.memory_space<vmem>>) dst(%dma_wait3A_57 : memref<80x128xbf16, #tpu.memory_space<vmem_shared>>)
      tpu.yield
    }) : () -> ()
    %add3A_14 = arith.constant 560 : i32
    %add3A_15 = arith.addi %mul3A_0, %add3A_14 : i32
    "tpu.region"() ({
      %run_scoped3A = tpu.sem_alloc : memref<!tpu.dma_semaphore, #tpu.memory_space<semaphore_mem>>
      %dma_start3A_51 = arith.constant 0 : i32
      %dma_start3A_52 = tpu.memref_slice %arg11[%add3A_15, %dma_start3A_51] : memref<10240x128xbf16, #tpu.memory_space<vmem_shared>> -> memref<80x128xbf16, #tpu.memory_space<vmem_shared>>
      %dma_start3A_53 = arith.constant 0 : i32
      %dma_start3A_54 = tpu.memref_slice %arg11[%add3A_15, %dma_start3A_53] : memref<10240x128xbf16, #tpu.memory_space<vmem_shared>> -> memref<80x128xbf16, #tpu.memory_space<vmem_shared>>
      tpu.enqueue_dma source(%arg9 : memref<80x128xbf16, #tpu.memory_space<vmem>>) target(%dma_start3A_54 : memref<80x128xbf16, #tpu.memory_space<vmem_shared>>) target_semaphore(%run_scoped3A : memref<!tpu.dma_semaphore, #tpu.memory_space<semaphore_mem>>)
      %dma_wait3A = arith.constant 0 : i32
      %dma_wait3A_55 = tpu.memref_slice %arg11[%add3A_15, %dma_wait3A] : memref<10240x128xbf16, #tpu.memory_space<vmem_shared>> -> memref<80x128xbf16, #tpu.memory_space<vmem_shared>>
      %dma_wait3A_56 = arith.constant 0 : i32
      %dma_wait3A_57 = tpu.memref_slice %arg11[%add3A_15, %dma_wait3A_56] : memref<10240x128xbf16, #tpu.memory_space<vmem_shared>> -> memref<80x128xbf16, #tpu.memory_space<vmem_shared>>
      tpu.wait_dma2 semaphore(%run_scoped3A : memref<!tpu.dma_semaphore, #tpu.memory_space<semaphore_mem>>) src(%arg9 : memref<80x128xbf16, #tpu.memory_space<vmem>>) dst(%dma_wait3A_57 : memref<80x128xbf16, #tpu.memory_space<vmem_shared>>)
      tpu.yield
    }) : () -> ()
    %barrier3A = arith.constant 0 : index
    tpu.barrier barrier_id(%barrier3A)
    %scan3A = arith.constant 0 : i32
    %scan3A_16 = arith.constant 0 : i32
    %mul3A_17 = arith.constant 250 : i32
    %mul3A_18 = arith.muli %scan3A_16, %mul3A_17 : i32
    "tpu.region"() ({
      %run_scoped3A = tpu.sem_alloc : memref<!tpu.dma_semaphore, #tpu.memory_space<semaphore_mem>>
      %dma_start3A_51 = arith.constant 0 : i32
      %dma_start3A_52 = tpu.memref_slice %arg2[%arg0, %arg1, %mul3A_18, %dma_start3A_51] : memref<2x16x250x80xi32, #tpu.memory_space<hbm>> -> memref<1x1x250x80xi32, #tpu.memory_space<hbm>>
      %dma_start3A_53 = tpu.memref_squeeze %dma_start3A_52 : memref<1x1x250x80xi32, #tpu.memory_space<hbm>> -> memref<250x80xi32, #tpu.memory_space<hbm>>
      %dma_start3A_54 = arith.constant 0 : i32
      %dma_start3A_55 = tpu.memref_slice %arg2[%arg0, %arg1, %mul3A_18, %dma_start3A_54] : memref<2x16x250x80xi32, #tpu.memory_space<hbm>> -> memref<1x1x250x80xi32, #tpu.memory_space<hbm>>
      %dma_start3A_56 = tpu.memref_squeeze %dma_start3A_55 : memref<1x1x250x80xi32, #tpu.memory_space<hbm>> -> memref<250x80xi32, #tpu.memory_space<hbm>>
      tpu.enqueue_dma source(%dma_start3A_56 : memref<250x80xi32, #tpu.memory_space<hbm>>) target(%arg7 : memref<250x80xi32, #tpu.memory_space<vmem>>) target_semaphore(%run_scoped3A : memref<!tpu.dma_semaphore, #tpu.memory_space<semaphore_mem>>)
      %dma_wait3A = arith.constant 0 : i32
      %dma_wait3A_57 = tpu.memref_slice %arg2[%arg0, %arg1, %mul3A_18, %dma_wait3A] : memref<2x16x250x80xi32, #tpu.memory_space<hbm>> -> memref<1x1x250x80xi32, #tpu.memory_space<hbm>>
      %dma_wait3A_58 = tpu.memref_squeeze %dma_wait3A_57 : memref<1x1x250x80xi32, #tpu.memory_space<hbm>> -> memref<250x80xi32, #tpu.memory_space<hbm>>
      %dma_wait3A_59 = arith.constant 0 : i32
      %dma_wait3A_60 = tpu.memref_slice %arg2[%arg0, %arg1, %mul3A_18, %dma_wait3A_59] : memref<2x16x250x80xi32, #tpu.memory_space<hbm>> -> memref<1x1x250x80xi32, #tpu.memory_space<hbm>>
      %dma_wait3A_61 = tpu.memref_squeeze %dma_wait3A_60 : memref<1x1x250x80xi32, #tpu.memory_space<hbm>> -> memref<250x80xi32, #tpu.memory_space<hbm>>
      tpu.wait_dma2 semaphore(%run_scoped3A : memref<!tpu.dma_semaphore, #tpu.memory_space<semaphore_mem>>) src(%dma_wait3A_61 : memref<250x80xi32, #tpu.memory_space<hbm>>) dst(%arg7 : memref<250x80xi32, #tpu.memory_space<vmem>>)
      tpu.yield
    }) : () -> ()
    %mul3A_19 = arith.constant 250 : i32
    %mul3A_20 = arith.muli %scan3A_16, %mul3A_19 : i32
    "tpu.region"() ({
      %run_scoped3A = tpu.sem_alloc : memref<!tpu.dma_semaphore, #tpu.memory_space<semaphore_mem>>
      %dma_start3A_51 = arith.constant 0 : i32
      %dma_start3A_52 = tpu.memref_slice %arg3[%arg0, %arg1, %mul3A_20, %dma_start3A_51] : memref<2x16x250x80xi32, #tpu.memory_space<hbm>> -> memref<1x1x250x80xi32, #tpu.memory_space<hbm>>
      %dma_start3A_53 = tpu.memref_squeeze %dma_start3A_52 : memref<1x1x250x80xi32, #tpu.memory_space<hbm>> -> memref<250x80xi32, #tpu.memory_space<hbm>>
      %dma_start3A_54 = arith.constant 0 : i32
      %dma_start3A_55 = tpu.memref_slice %arg3[%arg0, %arg1, %mul3A_20, %dma_start3A_54] : memref<2x16x250x80xi32, #tpu.memory_space<hbm>> -> memref<1x1x250x80xi32, #tpu.memory_space<hbm>>
      %dma_start3A_56 = tpu.memref_squeeze %dma_start3A_55 : memref<1x1x250x80xi32, #tpu.memory_space<hbm>> -> memref<250x80xi32, #tpu.memory_space<hbm>>
      tpu.enqueue_dma source(%dma_start3A_56 : memref<250x80xi32, #tpu.memory_space<hbm>>) target(%arg8 : memref<250x80xi32, #tpu.memory_space<vmem>>) target_semaphore(%run_scoped3A : memref<!tpu.dma_semaphore, #tpu.memory_space<semaphore_mem>>)
      %dma_wait3A = arith.constant 0 : i32
      %dma_wait3A_57 = tpu.memref_slice %arg3[%arg0, %arg1, %mul3A_20, %dma_wait3A] : memref<2x16x250x80xi32, #tpu.memory_space<hbm>> -> memref<1x1x250x80xi32, #tpu.memory_space<hbm>>
      %dma_wait3A_58 = tpu.memref_squeeze %dma_wait3A_57 : memref<1x1x250x80xi32, #tpu.memory_space<hbm>> -> memref<250x80xi32, #tpu.memory_space<hbm>>
      %dma_wait3A_59 = arith.constant 0 : i32
      %dma_wait3A_60 = tpu.memref_slice %arg3[%arg0, %arg1, %mul3A_20, %dma_wait3A_59] : memref<2x16x250x80xi32, #tpu.memory_space<hbm>> -> memref<1x1x250x80xi32, #tpu.memory_space<hbm>>
      %dma_wait3A_61 = tpu.memref_squeeze %dma_wait3A_60 : memref<1x1x250x80xi32, #tpu.memory_space<hbm>> -> memref<250x80xi32, #tpu.memory_space<hbm>>
      tpu.wait_dma2 semaphore(%run_scoped3A : memref<!tpu.dma_semaphore, #tpu.memory_space<semaphore_mem>>) src(%dma_wait3A_61 : memref<250x80xi32, #tpu.memory_space<hbm>>) dst(%arg8 : memref<250x80xi32, #tpu.memory_space<vmem>>)
      tpu.yield
    }) : () -> ()
    %dma_start3A = arith.constant 0 : i32
    %dma_start3A_21 = arith.constant 0 : i32
    %dma_start3A_22 = tpu.memref_slice %arg7[%dma_start3A, %dma_start3A_21] : memref<250x80xi32, #tpu.memory_space<vmem>> -> memref<1x80xi32, #tpu.memory_space<vmem>>
    %dma_start3A_23 = tpu.memref_squeeze %dma_start3A_22 : memref<1x80xi32, #tpu.memory_space<vmem>> -> memref<80xi32, #tpu.memory_space<vmem>>
    %dma_start3A_24 = arith.constant 0 : i32
    %dma_start3A_25 = arith.constant 0 : i32
    %dma_start3A_26 = tpu.memref_slice %arg4[%dma_start3A_24, %dma_start3A_25] : memref<20000x128xbf16, #tpu.memory_space<hbm>> -> memref<20000x128xbf16, #tpu.memory_space<hbm>>
    tpu.enqueue_indirect_dma source(%dma_start3A_26 : memref<20000x128xbf16, #tpu.memory_space<hbm>>) target(%arg9 : memref<80x128xbf16, #tpu.memory_space<vmem>>) offsets(%dma_start3A_23 : memref<80xi32, #tpu.memory_space<vmem>>) semaphore(%arg12 : memref<!tpu.dma_semaphore, #tpu.memory_space<semaphore_mem>>)
    %scan3A_27 = arith.constant 0 : i32
    %scan3A_28 = arith.constant 0 : i32
    %scan3A_29 = arith.constant 125 : i32
    %scan3A_30 = arith.addi %scan3A_28, %scan3A_29 : i32
    %scan3A_31 = arith.constant 1 : i32
    scf.for %scan3A_51 = %scan3A_28 to %scan3A_30 step %scan3A_31  : i32 {
      %mul3A_52 = arith.constant 2 : i32
      %mul3A_53 = arith.muli %mul3A_52, %scan3A_51 : i32
      %add3A_54 = arith.constant 1 : i32
      %add3A_55 = arith.addi %mul3A_53, %add3A_54 : i32
      %dma_start3A_56 = arith.constant 0 : i32
      %dma_start3A_57 = tpu.memref_slice %arg7[%add3A_55, %dma_start3A_56] : memref<250x80xi32, #tpu.memory_space<vmem>> -> memref<1x80xi32, #tpu.memory_space<vmem>>
      %dma_start3A_58 = tpu.memref_squeeze %dma_start3A_57 : memref<1x80xi32, #tpu.memory_space<vmem>> -> memref<80xi32, #tpu.memory_space<vmem>>
      %dma_start3A_59 = arith.constant 0 : i32
      %dma_start3A_60 = arith.constant 0 : i32
      %dma_start3A_61 = tpu.memref_slice %arg4[%dma_start3A_59, %dma_start3A_60] : memref<20000x128xbf16, #tpu.memory_space<hbm>> -> memref<20000x128xbf16, #tpu.memory_space<hbm>>
      tpu.enqueue_indirect_dma source(%dma_start3A_61 : memref<20000x128xbf16, #tpu.memory_space<hbm>>) target(%arg10 : memref<80x128xbf16, #tpu.memory_space<vmem>>) offsets(%dma_start3A_58 : memref<80xi32, #tpu.memory_space<vmem>>) semaphore(%arg13 : memref<!tpu.dma_semaphore, #tpu.memory_space<semaphore_mem>>)
      %dma_wait3A = arith.constant 0 : i32
      %dma_wait3A_62 = tpu.memref_slice %arg7[%mul3A_53, %dma_wait3A] : memref<250x80xi32, #tpu.memory_space<vmem>> -> memref<1x80xi32, #tpu.memory_space<vmem>>
      %dma_wait3A_63 = tpu.memref_squeeze %dma_wait3A_62 : memref<1x80xi32, #tpu.memory_space<vmem>> -> memref<80xi32, #tpu.memory_space<vmem>>
      %dma_wait3A_64 = arith.constant 0 : i32
      %dma_wait3A_65 = arith.constant 0 : i32
      %dma_wait3A_66 = tpu.memref_slice %arg4[%dma_wait3A_64, %dma_wait3A_65] : memref<20000x128xbf16, #tpu.memory_space<hbm>> -> memref<20000x128xbf16, #tpu.memory_space<hbm>>
      tpu.wait_indirect_dma semaphore(%arg12 : memref<!tpu.dma_semaphore, #tpu.memory_space<semaphore_mem>>) src(%dma_wait3A_66 : memref<20000x128xbf16, #tpu.memory_space<hbm>>) dst(%arg9 : memref<80x128xbf16, #tpu.memory_space<vmem>>)
      "tpu.region"() ({
        %run_scoped3A = tpu.sem_alloc : memref<!tpu.dma_semaphore, #tpu.memory_space<semaphore_mem>>
        %dma_start3A_75 = arith.constant 0 : i32
        %dma_start3A_76 = tpu.memref_slice %arg8[%mul3A_53, %dma_start3A_75] : memref<250x80xi32, #tpu.memory_space<vmem>> -> memref<1x80xi32, #tpu.memory_space<vmem>>
        %dma_start3A_77 = tpu.memref_squeeze %dma_start3A_76 : memref<1x80xi32, #tpu.memory_space<vmem>> -> memref<80xi32, #tpu.memory_space<vmem>>
        %dma_start3A_78 = arith.constant 0 : i32
        %dma_start3A_79 = arith.constant 0 : i32
        %dma_start3A_80 = tpu.memref_slice %arg11[%dma_start3A_78, %dma_start3A_79] : memref<10240x128xbf16, #tpu.memory_space<vmem_shared>> -> memref<10240x128xbf16, #tpu.memory_space<vmem_shared>>
        tpu.enqueue_indirect_dma source(%arg9 : memref<80x128xbf16, #tpu.memory_space<vmem>>) target(%dma_start3A_80 : memref<10240x128xbf16, #tpu.memory_space<vmem_shared>>) offsets(%dma_start3A_77 : memref<80xi32, #tpu.memory_space<vmem>>) semaphore(%run_scoped3A : memref<!tpu.dma_semaphore, #tpu.memory_space<semaphore_mem>>) {add = true}
        %dma_wait3A_81 = arith.constant 0 : i32
        %dma_wait3A_82 = tpu.memref_slice %arg8[%mul3A_53, %dma_wait3A_81] : memref<250x80xi32, #tpu.memory_space<vmem>> -> memref<1x80xi32, #tpu.memory_space<vmem>>
        %dma_wait3A_83 = tpu.memref_squeeze %dma_wait3A_82 : memref<1x80xi32, #tpu.memory_space<vmem>> -> memref<80xi32, #tpu.memory_space<vmem>>
        %dma_wait3A_84 = arith.constant 0 : i32
        %dma_wait3A_85 = arith.constant 0 : i32
        %dma_wait3A_86 = tpu.memref_slice %arg11[%dma_wait3A_84, %dma_wait3A_85] : memref<10240x128xbf16, #tpu.memory_space<vmem_shared>> -> memref<10240x128xbf16, #tpu.memory_space<vmem_shared>>
        tpu.wait_indirect_dma semaphore(%run_scoped3A : memref<!tpu.dma_semaphore, #tpu.memory_space<semaphore_mem>>) src(%arg9 : memref<80x128xbf16, #tpu.memory_space<vmem>>) dst(%dma_wait3A_86 : memref<10240x128xbf16, #tpu.memory_space<vmem_shared>>)
        tpu.yield
      }) : () -> ()
      %lt3A = arith.constant 124 : i32
      %lt3A_67 = arith.cmpi slt, %scan3A_51, %lt3A : i32
      %convert_element_type3A = arith.extui %lt3A_67 : i1 to i32
      %cond3A = arith.constant 0 : i32
      %cond3A_68 = arith.cmpi ne, %convert_element_type3A, %cond3A : i32
      scf.if %cond3A_68 {
        %add3A_75 = arith.constant 2 : i32
        %add3A_76 = arith.addi %mul3A_53, %add3A_75 : i32
        %dma_start3A_77 = arith.constant 0 : i32
        %dma_start3A_78 = tpu.memref_slice %arg7[%add3A_76, %dma_start3A_77] : memref<250x80xi32, #tpu.memory_space<vmem>> -> memref<1x80xi32, #tpu.memory_space<vmem>>
        %dma_start3A_79 = tpu.memref_squeeze %dma_start3A_78 : memref<1x80xi32, #tpu.memory_space<vmem>> -> memref<80xi32, #tpu.memory_space<vmem>>
        %dma_start3A_80 = arith.constant 0 : i32
        %dma_start3A_81 = arith.constant 0 : i32
        %dma_start3A_82 = tpu.memref_slice %arg4[%dma_start3A_80, %dma_start3A_81] : memref<20000x128xbf16, #tpu.memory_space<hbm>> -> memref<20000x128xbf16, #tpu.memory_space<hbm>>
        tpu.enqueue_indirect_dma source(%dma_start3A_82 : memref<20000x128xbf16, #tpu.memory_space<hbm>>) target(%arg9 : memref<80x128xbf16, #tpu.memory_space<vmem>>) offsets(%dma_start3A_79 : memref<80xi32, #tpu.memory_space<vmem>>) semaphore(%arg12 : memref<!tpu.dma_semaphore, #tpu.memory_space<semaphore_mem>>)
      } else {
      }
      %dma_wait3A_69 = arith.constant 0 : i32
      %dma_wait3A_70 = tpu.memref_slice %arg7[%add3A_55, %dma_wait3A_69] : memref<250x80xi32, #tpu.memory_space<vmem>> -> memref<1x80xi32, #tpu.memory_space<vmem>>
      %dma_wait3A_71 = tpu.memref_squeeze %dma_wait3A_70 : memref<1x80xi32, #tpu.memory_space<vmem>> -> memref<80xi32, #tpu.memory_space<vmem>>
      %dma_wait3A_72 = arith.constant 0 : i32
      %dma_wait3A_73 = arith.constant 0 : i32
      %dma_wait3A_74 = tpu.memref_slice %arg4[%dma_wait3A_72, %dma_wait3A_73] : memref<20000x128xbf16, #tpu.memory_space<hbm>> -> memref<20000x128xbf16, #tpu.memory_space<hbm>>
      tpu.wait_indirect_dma semaphore(%arg13 : memref<!tpu.dma_semaphore, #tpu.memory_space<semaphore_mem>>) src(%dma_wait3A_74 : memref<20000x128xbf16, #tpu.memory_space<hbm>>) dst(%arg10 : memref<80x128xbf16, #tpu.memory_space<vmem>>)
      "tpu.region"() ({
        %run_scoped3A = tpu.sem_alloc : memref<!tpu.dma_semaphore, #tpu.memory_space<semaphore_mem>>
        %dma_start3A_75 = arith.constant 0 : i32
        %dma_start3A_76 = tpu.memref_slice %arg8[%add3A_55, %dma_start3A_75] : memref<250x80xi32, #tpu.memory_space<vmem>> -> memref<1x80xi32, #tpu.memory_space<vmem>>
        %dma_start3A_77 = tpu.memref_squeeze %dma_start3A_76 : memref<1x80xi32, #tpu.memory_space<vmem>> -> memref<80xi32, #tpu.memory_space<vmem>>
        %dma_start3A_78 = arith.constant 0 : i32
        %dma_start3A_79 = arith.constant 0 : i32
        %dma_start3A_80 = tpu.memref_slice %arg11[%dma_start3A_78, %dma_start3A_79] : memref<10240x128xbf16, #tpu.memory_space<vmem_shared>> -> memref<10240x128xbf16, #tpu.memory_space<vmem_shared>>
        tpu.enqueue_indirect_dma source(%arg10 : memref<80x128xbf16, #tpu.memory_space<vmem>>) target(%dma_start3A_80 : memref<10240x128xbf16, #tpu.memory_space<vmem_shared>>) offsets(%dma_start3A_77 : memref<80xi32, #tpu.memory_space<vmem>>) semaphore(%run_scoped3A : memref<!tpu.dma_semaphore, #tpu.memory_space<semaphore_mem>>) {add = true}
        %dma_wait3A_81 = arith.constant 0 : i32
        %dma_wait3A_82 = tpu.memref_slice %arg8[%add3A_55, %dma_wait3A_81] : memref<250x80xi32, #tpu.memory_space<vmem>> -> memref<1x80xi32, #tpu.memory_space<vmem>>
        %dma_wait3A_83 = tpu.memref_squeeze %dma_wait3A_82 : memref<1x80xi32, #tpu.memory_space<vmem>> -> memref<80xi32, #tpu.memory_space<vmem>>
        %dma_wait3A_84 = arith.constant 0 : i32
        %dma_wait3A_85 = arith.constant 0 : i32
        %dma_wait3A_86 = tpu.memref_slice %arg11[%dma_wait3A_84, %dma_wait3A_85] : memref<10240x128xbf16, #tpu.memory_space<vmem_shared>> -> memref<10240x128xbf16, #tpu.memory_space<vmem_shared>>
        tpu.wait_indirect_dma semaphore(%run_scoped3A : memref<!tpu.dma_semaphore, #tpu.memory_space<semaphore_mem>>) src(%arg10 : memref<80x128xbf16, #tpu.memory_space<vmem>>) dst(%dma_wait3A_86 : memref<10240x128xbf16, #tpu.memory_space<vmem_shared>>)
        tpu.yield
      }) : () -> ()
    }
    %scan3A_32 = arith.constant 125 : i32
    %scan3A_33 = arith.constant 1 : i32
    %barrier3A_34 = arith.constant 0 : index
    tpu.barrier barrier_id(%barrier3A_34)
    %add3A_35 = arith.constant 0 : i32
    %add3A_36 = arith.addi %mul3A_0, %add3A_35 : i32
    "tpu.region"() ({
      %run_scoped3A = tpu.sem_alloc : memref<!tpu.dma_semaphore, #tpu.memory_space<semaphore_mem>>
      %dma_start3A_51 = arith.constant 0 : i32
      %dma_start3A_52 = tpu.memref_slice %arg11[%add3A_36, %dma_start3A_51] : memref<10240x128xbf16, #tpu.memory_space<vmem_shared>> -> memref<80x128xbf16, #tpu.memory_space<vmem_shared>>
      %dma_start3A_53 = arith.constant 0 : i32
      %dma_start3A_54 = tpu.memref_slice %arg11[%add3A_36, %dma_start3A_53] : memref<10240x128xbf16, #tpu.memory_space<vmem_shared>> -> memref<80x128xbf16, #tpu.memory_space<vmem_shared>>
      tpu.enqueue_dma source(%dma_start3A_54 : memref<80x128xbf16, #tpu.memory_space<vmem_shared>>) target(%arg9 : memref<80x128xbf16, #tpu.memory_space<vmem>>) target_semaphore(%run_scoped3A : memref<!tpu.dma_semaphore, #tpu.memory_space<semaphore_mem>>)
      %dma_wait3A = arith.constant 0 : i32
      %dma_wait3A_55 = tpu.memref_slice %arg11[%add3A_36, %dma_wait3A] : memref<10240x128xbf16, #tpu.memory_space<vmem_shared>> -> memref<80x128xbf16, #tpu.memory_space<vmem_shared>>
      %dma_wait3A_56 = arith.constant 0 : i32
      %dma_wait3A_57 = tpu.memref_slice %arg11[%add3A_36, %dma_wait3A_56] : memref<10240x128xbf16, #tpu.memory_space<vmem_shared>> -> memref<80x128xbf16, #tpu.memory_space<vmem_shared>>
      tpu.wait_dma2 semaphore(%run_scoped3A : memref<!tpu.dma_semaphore, #tpu.memory_space<semaphore_mem>>) src(%dma_wait3A_57 : memref<80x128xbf16, #tpu.memory_space<vmem_shared>>) dst(%arg9 : memref<80x128xbf16, #tpu.memory_space<vmem>>)
      tpu.yield
    }) : () -> ()
    "tpu.region"() ({
      %run_scoped3A = tpu.sem_alloc : memref<!tpu.dma_semaphore, #tpu.memory_space<semaphore_mem>>
      %dma_start3A_51 = arith.constant 0 : i32
      %dma_start3A_52 = tpu.memref_slice %arg6[%arg0, %add3A_36, %dma_start3A_51] : memref<2x10240x128xbf16, #tpu.memory_space<hbm>> -> memref<1x80x128xbf16, #tpu.memory_space<hbm>>
      %dma_start3A_53 = tpu.memref_squeeze %dma_start3A_52 : memref<1x80x128xbf16, #tpu.memory_space<hbm>> -> memref<80x128xbf16, #tpu.memory_space<hbm>>
      %dma_start3A_54 = arith.constant 0 : i32
      %dma_start3A_55 = tpu.memref_slice %arg6[%arg0, %add3A_36, %dma_start3A_54] : memref<2x10240x128xbf16, #tpu.memory_space<hbm>> -> memref<1x80x128xbf16, #tpu.memory_space<hbm>>
      %dma_start3A_56 = tpu.memref_squeeze %dma_start3A_55 : memref<1x80x128xbf16, #tpu.memory_space<hbm>> -> memref<80x128xbf16, #tpu.memory_space<hbm>>
      tpu.enqueue_dma source(%arg9 : memref<80x128xbf16, #tpu.memory_space<vmem>>) target(%dma_start3A_56 : memref<80x128xbf16, #tpu.memory_space<hbm>>) target_semaphore(%run_scoped3A : memref<!tpu.dma_semaphore, #tpu.memory_space<semaphore_mem>>)
      %dma_wait3A = arith.constant 0 : i32
      %dma_wait3A_57 = tpu.memref_slice %arg6[%arg0, %add3A_36, %dma_wait3A] : memref<2x10240x128xbf16, #tpu.memory_space<hbm>> -> memref<1x80x128xbf16, #tpu.memory_space<hbm>>
      %dma_wait3A_58 = tpu.memref_squeeze %dma_wait3A_57 : memref<1x80x128xbf16, #tpu.memory_space<hbm>> -> memref<80x128xbf16, #tpu.memory_space<hbm>>
      %dma_wait3A_59 = arith.constant 0 : i32
      %dma_wait3A_60 = tpu.memref_slice %arg6[%arg0, %add3A_36, %dma_wait3A_59] : memref<2x10240x128xbf16, #tpu.memory_space<hbm>> -> memref<1x80x128xbf16, #tpu.memory_space<hbm>>
      %dma_wait3A_61 = tpu.memref_squeeze %dma_wait3A_60 : memref<1x80x128xbf16, #tpu.memory_space<hbm>> -> memref<80x128xbf16, #tpu.memory_space<hbm>>
      tpu.wait_dma2 semaphore(%run_scoped3A : memref<!tpu.dma_semaphore, #tpu.memory_space<semaphore_mem>>) src(%arg9 : memref<80x128xbf16, #tpu.memory_space<vmem>>) dst(%dma_wait3A_61 : memref<80x128xbf16, #tpu.memory_space<hbm>>)
      tpu.yield
    }) : () -> ()
    %add3A_37 = arith.constant 80 : i32
    %add3A_38 = arith.addi %mul3A_0, %add3A_37 : i32
    "tpu.region"() ({
      %run_scoped3A = tpu.sem_alloc : memref<!tpu.dma_semaphore, #tpu.memory_space<semaphore_mem>>
      %dma_start3A_51 = arith.constant 0 : i32
      %dma_start3A_52 = tpu.memref_slice %arg11[%add3A_38, %dma_start3A_51] : memref<10240x128xbf16, #tpu.memory_space<vmem_shared>> -> memref<80x128xbf16, #tpu.memory_space<vmem_shared>>
      %dma_start3A_53 = arith.constant 0 : i32
      %dma_start3A_54 = tpu.memref_slice %arg11[%add3A_38, %dma_start3A_53] : memref<10240x128xbf16, #tpu.memory_space<vmem_shared>> -> memref<80x128xbf16, #tpu.memory_space<vmem_shared>>
      tpu.enqueue_dma source(%dma_start3A_54 : memref<80x128xbf16, #tpu.memory_space<vmem_shared>>) target(%arg9 : memref<80x128xbf16, #tpu.memory_space<vmem>>) target_semaphore(%run_scoped3A : memref<!tpu.dma_semaphore, #tpu.memory_space<semaphore_mem>>)
      %dma_wait3A = arith.constant 0 : i32
      %dma_wait3A_55 = tpu.memref_slice %arg11[%add3A_38, %dma_wait3A] : memref<10240x128xbf16, #tpu.memory_space<vmem_shared>> -> memref<80x128xbf16, #tpu.memory_space<vmem_shared>>
      %dma_wait3A_56 = arith.constant 0 : i32
      %dma_wait3A_57 = tpu.memref_slice %arg11[%add3A_38, %dma_wait3A_56] : memref<10240x128xbf16, #tpu.memory_space<vmem_shared>> -> memref<80x128xbf16, #tpu.memory_space<vmem_shared>>
      tpu.wait_dma2 semaphore(%run_scoped3A : memref<!tpu.dma_semaphore, #tpu.memory_space<semaphore_mem>>) src(%dma_wait3A_57 : memref<80x128xbf16, #tpu.memory_space<vmem_shared>>) dst(%arg9 : memref<80x128xbf16, #tpu.memory_space<vmem>>)
      tpu.yield
    }) : () -> ()
    "tpu.region"() ({
      %run_scoped3A = tpu.sem_alloc : memref<!tpu.dma_semaphore, #tpu.memory_space<semaphore_mem>>
      %dma_start3A_51 = arith.constant 0 : i32
      %dma_start3A_52 = tpu.memref_slice %arg6[%arg0, %add3A_38, %dma_start3A_51] : memref<2x10240x128xbf16, #tpu.memory_space<hbm>> -> memref<1x80x128xbf16, #tpu.memory_space<hbm>>
      %dma_start3A_53 = tpu.memref_squeeze %dma_start3A_52 : memref<1x80x128xbf16, #tpu.memory_space<hbm>> -> memref<80x128xbf16, #tpu.memory_space<hbm>>
      %dma_start3A_54 = arith.constant 0 : i32
      %dma_start3A_55 = tpu.memref_slice %arg6[%arg0, %add3A_38, %dma_start3A_54] : memref<2x10240x128xbf16, #tpu.memory_space<hbm>> -> memref<1x80x128xbf16, #tpu.memory_space<hbm>>
      %dma_start3A_56 = tpu.memref_squeeze %dma_start3A_55 : memref<1x80x128xbf16, #tpu.memory_space<hbm>> -> memref<80x128xbf16, #tpu.memory_space<hbm>>
      tpu.enqueue_dma source(%arg9 : memref<80x128xbf16, #tpu.memory_space<vmem>>) target(%dma_start3A_56 : memref<80x128xbf16, #tpu.memory_space<hbm>>) target_semaphore(%run_scoped3A : memref<!tpu.dma_semaphore, #tpu.memory_space<semaphore_mem>>)
      %dma_wait3A = arith.constant 0 : i32
      %dma_wait3A_57 = tpu.memref_slice %arg6[%arg0, %add3A_38, %dma_wait3A] : memref<2x10240x128xbf16, #tpu.memory_space<hbm>> -> memref<1x80x128xbf16, #tpu.memory_space<hbm>>
      %dma_wait3A_58 = tpu.memref_squeeze %dma_wait3A_57 : memref<1x80x128xbf16, #tpu.memory_space<hbm>> -> memref<80x128xbf16, #tpu.memory_space<hbm>>
      %dma_wait3A_59 = arith.constant 0 : i32
      %dma_wait3A_60 = tpu.memref_slice %arg6[%arg0, %add3A_38, %dma_wait3A_59] : memref<2x10240x128xbf16, #tpu.memory_space<hbm>> -> memref<1x80x128xbf16, #tpu.memory_space<hbm>>
      %dma_wait3A_61 = tpu.memref_squeeze %dma_wait3A_60 : memref<1x80x128xbf16, #tpu.memory_space<hbm>> -> memref<80x128xbf16, #tpu.memory_space<hbm>>
      tpu.wait_dma2 semaphore(%run_scoped3A : memref<!tpu.dma_semaphore, #tpu.memory_space<semaphore_mem>>) src(%arg9 : memref<80x128xbf16, #tpu.memory_space<vmem>>) dst(%dma_wait3A_61 : memref<80x128xbf16, #tpu.memory_space<hbm>>)
      tpu.yield
    }) : () -> ()
    %add3A_39 = arith.constant 160 : i32
    %add3A_40 = arith.addi %mul3A_0, %add3A_39 : i32
    "tpu.region"() ({
      %run_scoped3A = tpu.sem_alloc : memref<!tpu.dma_semaphore, #tpu.memory_space<semaphore_mem>>
      %dma_start3A_51 = arith.constant 0 : i32
      %dma_start3A_52 = tpu.memref_slice %arg11[%add3A_40, %dma_start3A_51] : memref<10240x128xbf16, #tpu.memory_space<vmem_shared>> -> memref<80x128xbf16, #tpu.memory_space<vmem_shared>>
      %dma_start3A_53 = arith.constant 0 : i32
      %dma_start3A_54 = tpu.memref_slice %arg11[%add3A_40, %dma_start3A_53] : memref<10240x128xbf16, #tpu.memory_space<vmem_shared>> -> memref<80x128xbf16, #tpu.memory_space<vmem_shared>>
      tpu.enqueue_dma source(%dma_start3A_54 : memref<80x128xbf16, #tpu.memory_space<vmem_shared>>) target(%arg9 : memref<80x128xbf16, #tpu.memory_space<vmem>>) target_semaphore(%run_scoped3A : memref<!tpu.dma_semaphore, #tpu.memory_space<semaphore_mem>>)
      %dma_wait3A = arith.constant 0 : i32
      %dma_wait3A_55 = tpu.memref_slice %arg11[%add3A_40, %dma_wait3A] : memref<10240x128xbf16, #tpu.memory_space<vmem_shared>> -> memref<80x128xbf16, #tpu.memory_space<vmem_shared>>
      %dma_wait3A_56 = arith.constant 0 : i32
      %dma_wait3A_57 = tpu.memref_slice %arg11[%add3A_40, %dma_wait3A_56] : memref<10240x128xbf16, #tpu.memory_space<vmem_shared>> -> memref<80x128xbf16, #tpu.memory_space<vmem_shared>>
      tpu.wait_dma2 semaphore(%run_scoped3A : memref<!tpu.dma_semaphore, #tpu.memory_space<semaphore_mem>>) src(%dma_wait3A_57 : memref<80x128xbf16, #tpu.memory_space<vmem_shared>>) dst(%arg9 : memref<80x128xbf16, #tpu.memory_space<vmem>>)
      tpu.yield
    }) : () -> ()
    "tpu.region"() ({
      %run_scoped3A = tpu.sem_alloc : memref<!tpu.dma_semaphore, #tpu.memory_space<semaphore_mem>>
      %dma_start3A_51 = arith.constant 0 : i32
      %dma_start3A_52 = tpu.memref_slice %arg6[%arg0, %add3A_40, %dma_start3A_51] : memref<2x10240x128xbf16, #tpu.memory_space<hbm>> -> memref<1x80x128xbf16, #tpu.memory_space<hbm>>
      %dma_start3A_53 = tpu.memref_squeeze %dma_start3A_52 : memref<1x80x128xbf16, #tpu.memory_space<hbm>> -> memref<80x128xbf16, #tpu.memory_space<hbm>>
      %dma_start3A_54 = arith.constant 0 : i32
      %dma_start3A_55 = tpu.memref_slice %arg6[%arg0, %add3A_40, %dma_start3A_54] : memref<2x10240x128xbf16, #tpu.memory_space<hbm>> -> memref<1x80x128xbf16, #tpu.memory_space<hbm>>
      %dma_start3A_56 = tpu.memref_squeeze %dma_start3A_55 : memref<1x80x128xbf16, #tpu.memory_space<hbm>> -> memref<80x128xbf16, #tpu.memory_space<hbm>>
      tpu.enqueue_dma source(%arg9 : memref<80x128xbf16, #tpu.memory_space<vmem>>) target(%dma_start3A_56 : memref<80x128xbf16, #tpu.memory_space<hbm>>) target_semaphore(%run_scoped3A : memref<!tpu.dma_semaphore, #tpu.memory_space<semaphore_mem>>)
      %dma_wait3A = arith.constant 0 : i32
      %dma_wait3A_57 = tpu.memref_slice %arg6[%arg0, %add3A_40, %dma_wait3A] : memref<2x10240x128xbf16, #tpu.memory_space<hbm>> -> memref<1x80x128xbf16, #tpu.memory_space<hbm>>
      %dma_wait3A_58 = tpu.memref_squeeze %dma_wait3A_57 : memref<1x80x128xbf16, #tpu.memory_space<hbm>> -> memref<80x128xbf16, #tpu.memory_space<hbm>>
      %dma_wait3A_59 = arith.constant 0 : i32
      %dma_wait3A_60 = tpu.memref_slice %arg6[%arg0, %add3A_40, %dma_wait3A_59] : memref<2x10240x128xbf16, #tpu.memory_space<hbm>> -> memref<1x80x128xbf16, #tpu.memory_space<hbm>>
      %dma_wait3A_61 = tpu.memref_squeeze %dma_wait3A_60 : memref<1x80x128xbf16, #tpu.memory_space<hbm>> -> memref<80x128xbf16, #tpu.memory_space<hbm>>
      tpu.wait_dma2 semaphore(%run_scoped3A : memref<!tpu.dma_semaphore, #tpu.memory_space<semaphore_mem>>) src(%arg9 : memref<80x128xbf16, #tpu.memory_space<vmem>>) dst(%dma_wait3A_61 : memref<80x128xbf16, #tpu.memory_space<hbm>>)
      tpu.yield
    }) : () -> ()
    %add3A_41 = arith.constant 240 : i32
    %add3A_42 = arith.addi %mul3A_0, %add3A_41 : i32
    "tpu.region"() ({
      %run_scoped3A = tpu.sem_alloc : memref<!tpu.dma_semaphore, #tpu.memory_space<semaphore_mem>>
      %dma_start3A_51 = arith.constant 0 : i32
      %dma_start3A_52 = tpu.memref_slice %arg11[%add3A_42, %dma_start3A_51] : memref<10240x128xbf16, #tpu.memory_space<vmem_shared>> -> memref<80x128xbf16, #tpu.memory_space<vmem_shared>>
      %dma_start3A_53 = arith.constant 0 : i32
      %dma_start3A_54 = tpu.memref_slice %arg11[%add3A_42, %dma_start3A_53] : memref<10240x128xbf16, #tpu.memory_space<vmem_shared>> -> memref<80x128xbf16, #tpu.memory_space<vmem_shared>>
      tpu.enqueue_dma source(%dma_start3A_54 : memref<80x128xbf16, #tpu.memory_space<vmem_shared>>) target(%arg9 : memref<80x128xbf16, #tpu.memory_space<vmem>>) target_semaphore(%run_scoped3A : memref<!tpu.dma_semaphore, #tpu.memory_space<semaphore_mem>>)
      %dma_wait3A = arith.constant 0 : i32
      %dma_wait3A_55 = tpu.memref_slice %arg11[%add3A_42, %dma_wait3A] : memref<10240x128xbf16, #tpu.memory_space<vmem_shared>> -> memref<80x128xbf16, #tpu.memory_space<vmem_shared>>
      %dma_wait3A_56 = arith.constant 0 : i32
      %dma_wait3A_57 = tpu.memref_slice %arg11[%add3A_42, %dma_wait3A_56] : memref<10240x128xbf16, #tpu.memory_space<vmem_shared>> -> memref<80x128xbf16, #tpu.memory_space<vmem_shared>>
      tpu.wait_dma2 semaphore(%run_scoped3A : memref<!tpu.dma_semaphore, #tpu.memory_space<semaphore_mem>>) src(%dma_wait3A_57 : memref<80x128xbf16, #tpu.memory_space<vmem_shared>>) dst(%arg9 : memref<80x128xbf16, #tpu.memory_space<vmem>>)
      tpu.yield
    }) : () -> ()
    "tpu.region"() ({
      %run_scoped3A = tpu.sem_alloc : memref<!tpu.dma_semaphore, #tpu.memory_space<semaphore_mem>>
      %dma_start3A_51 = arith.constant 0 : i32
      %dma_start3A_52 = tpu.memref_slice %arg6[%arg0, %add3A_42, %dma_start3A_51] : memref<2x10240x128xbf16, #tpu.memory_space<hbm>> -> memref<1x80x128xbf16, #tpu.memory_space<hbm>>
      %dma_start3A_53 = tpu.memref_squeeze %dma_start3A_52 : memref<1x80x128xbf16, #tpu.memory_space<hbm>> -> memref<80x128xbf16, #tpu.memory_space<hbm>>
      %dma_start3A_54 = arith.constant 0 : i32
      %dma_start3A_55 = tpu.memref_slice %arg6[%arg0, %add3A_42, %dma_start3A_54] : memref<2x10240x128xbf16, #tpu.memory_space<hbm>> -> memref<1x80x128xbf16, #tpu.memory_space<hbm>>
      %dma_start3A_56 = tpu.memref_squeeze %dma_start3A_55 : memref<1x80x128xbf16, #tpu.memory_space<hbm>> -> memref<80x128xbf16, #tpu.memory_space<hbm>>
      tpu.enqueue_dma source(%arg9 : memref<80x128xbf16, #tpu.memory_space<vmem>>) target(%dma_start3A_56 : memref<80x128xbf16, #tpu.memory_space<hbm>>) target_semaphore(%run_scoped3A : memref<!tpu.dma_semaphore, #tpu.memory_space<semaphore_mem>>)
      %dma_wait3A = arith.constant 0 : i32
      %dma_wait3A_57 = tpu.memref_slice %arg6[%arg0, %add3A_42, %dma_wait3A] : memref<2x10240x128xbf16, #tpu.memory_space<hbm>> -> memref<1x80x128xbf16, #tpu.memory_space<hbm>>
      %dma_wait3A_58 = tpu.memref_squeeze %dma_wait3A_57 : memref<1x80x128xbf16, #tpu.memory_space<hbm>> -> memref<80x128xbf16, #tpu.memory_space<hbm>>
      %dma_wait3A_59 = arith.constant 0 : i32
      %dma_wait3A_60 = tpu.memref_slice %arg6[%arg0, %add3A_42, %dma_wait3A_59] : memref<2x10240x128xbf16, #tpu.memory_space<hbm>> -> memref<1x80x128xbf16, #tpu.memory_space<hbm>>
      %dma_wait3A_61 = tpu.memref_squeeze %dma_wait3A_60 : memref<1x80x128xbf16, #tpu.memory_space<hbm>> -> memref<80x128xbf16, #tpu.memory_space<hbm>>
      tpu.wait_dma2 semaphore(%run_scoped3A : memref<!tpu.dma_semaphore, #tpu.memory_space<semaphore_mem>>) src(%arg9 : memref<80x128xbf16, #tpu.memory_space<vmem>>) dst(%dma_wait3A_61 : memref<80x128xbf16, #tpu.memory_space<hbm>>)
      tpu.yield
    }) : () -> ()
    %add3A_43 = arith.constant 320 : i32
    %add3A_44 = arith.addi %mul3A_0, %add3A_43 : i32
    "tpu.region"() ({
      %run_scoped3A = tpu.sem_alloc : memref<!tpu.dma_semaphore, #tpu.memory_space<semaphore_mem>>
      %dma_start3A_51 = arith.constant 0 : i32
      %dma_start3A_52 = tpu.memref_slice %arg11[%add3A_44, %dma_start3A_51] : memref<10240x128xbf16, #tpu.memory_space<vmem_shared>> -> memref<80x128xbf16, #tpu.memory_space<vmem_shared>>
      %dma_start3A_53 = arith.constant 0 : i32
      %dma_start3A_54 = tpu.memref_slice %arg11[%add3A_44, %dma_start3A_53] : memref<10240x128xbf16, #tpu.memory_space<vmem_shared>> -> memref<80x128xbf16, #tpu.memory_space<vmem_shared>>
      tpu.enqueue_dma source(%dma_start3A_54 : memref<80x128xbf16, #tpu.memory_space<vmem_shared>>) target(%arg9 : memref<80x128xbf16, #tpu.memory_space<vmem>>) target_semaphore(%run_scoped3A : memref<!tpu.dma_semaphore, #tpu.memory_space<semaphore_mem>>)
      %dma_wait3A = arith.constant 0 : i32
      %dma_wait3A_55 = tpu.memref_slice %arg11[%add3A_44, %dma_wait3A] : memref<10240x128xbf16, #tpu.memory_space<vmem_shared>> -> memref<80x128xbf16, #tpu.memory_space<vmem_shared>>
      %dma_wait3A_56 = arith.constant 0 : i32
      %dma_wait3A_57 = tpu.memref_slice %arg11[%add3A_44, %dma_wait3A_56] : memref<10240x128xbf16, #tpu.memory_space<vmem_shared>> -> memref<80x128xbf16, #tpu.memory_space<vmem_shared>>
      tpu.wait_dma2 semaphore(%run_scoped3A : memref<!tpu.dma_semaphore, #tpu.memory_space<semaphore_mem>>) src(%dma_wait3A_57 : memref<80x128xbf16, #tpu.memory_space<vmem_shared>>) dst(%arg9 : memref<80x128xbf16, #tpu.memory_space<vmem>>)
      tpu.yield
    }) : () -> ()
    "tpu.region"() ({
      %run_scoped3A = tpu.sem_alloc : memref<!tpu.dma_semaphore, #tpu.memory_space<semaphore_mem>>
      %dma_start3A_51 = arith.constant 0 : i32
      %dma_start3A_52 = tpu.memref_slice %arg6[%arg0, %add3A_44, %dma_start3A_51] : memref<2x10240x128xbf16, #tpu.memory_space<hbm>> -> memref<1x80x128xbf16, #tpu.memory_space<hbm>>
      %dma_start3A_53 = tpu.memref_squeeze %dma_start3A_52 : memref<1x80x128xbf16, #tpu.memory_space<hbm>> -> memref<80x128xbf16, #tpu.memory_space<hbm>>
      %dma_start3A_54 = arith.constant 0 : i32
      %dma_start3A_55 = tpu.memref_slice %arg6[%arg0, %add3A_44, %dma_start3A_54] : memref<2x10240x128xbf16, #tpu.memory_space<hbm>> -> memref<1x80x128xbf16, #tpu.memory_space<hbm>>
      %dma_start3A_56 = tpu.memref_squeeze %dma_start3A_55 : memref<1x80x128xbf16, #tpu.memory_space<hbm>> -> memref<80x128xbf16, #tpu.memory_space<hbm>>
      tpu.enqueue_dma source(%arg9 : memref<80x128xbf16, #tpu.memory_space<vmem>>) target(%dma_start3A_56 : memref<80x128xbf16, #tpu.memory_space<hbm>>) target_semaphore(%run_scoped3A : memref<!tpu.dma_semaphore, #tpu.memory_space<semaphore_mem>>)
      %dma_wait3A = arith.constant 0 : i32
      %dma_wait3A_57 = tpu.memref_slice %arg6[%arg0, %add3A_44, %dma_wait3A] : memref<2x10240x128xbf16, #tpu.memory_space<hbm>> -> memref<1x80x128xbf16, #tpu.memory_space<hbm>>
      %dma_wait3A_58 = tpu.memref_squeeze %dma_wait3A_57 : memref<1x80x128xbf16, #tpu.memory_space<hbm>> -> memref<80x128xbf16, #tpu.memory_space<hbm>>
      %dma_wait3A_59 = arith.constant 0 : i32
      %dma_wait3A_60 = tpu.memref_slice %arg6[%arg0, %add3A_44, %dma_wait3A_59] : memref<2x10240x128xbf16, #tpu.memory_space<hbm>> -> memref<1x80x128xbf16, #tpu.memory_space<hbm>>
      %dma_wait3A_61 = tpu.memref_squeeze %dma_wait3A_60 : memref<1x80x128xbf16, #tpu.memory_space<hbm>> -> memref<80x128xbf16, #tpu.memory_space<hbm>>
      tpu.wait_dma2 semaphore(%run_scoped3A : memref<!tpu.dma_semaphore, #tpu.memory_space<semaphore_mem>>) src(%arg9 : memref<80x128xbf16, #tpu.memory_space<vmem>>) dst(%dma_wait3A_61 : memref<80x128xbf16, #tpu.memory_space<hbm>>)
      tpu.yield
    }) : () -> ()
    %add3A_45 = arith.constant 400 : i32
    %add3A_46 = arith.addi %mul3A_0, %add3A_45 : i32
    "tpu.region"() ({
      %run_scoped3A = tpu.sem_alloc : memref<!tpu.dma_semaphore, #tpu.memory_space<semaphore_mem>>
      %dma_start3A_51 = arith.constant 0 : i32
      %dma_start3A_52 = tpu.memref_slice %arg11[%add3A_46, %dma_start3A_51] : memref<10240x128xbf16, #tpu.memory_space<vmem_shared>> -> memref<80x128xbf16, #tpu.memory_space<vmem_shared>>
      %dma_start3A_53 = arith.constant 0 : i32
      %dma_start3A_54 = tpu.memref_slice %arg11[%add3A_46, %dma_start3A_53] : memref<10240x128xbf16, #tpu.memory_space<vmem_shared>> -> memref<80x128xbf16, #tpu.memory_space<vmem_shared>>
      tpu.enqueue_dma source(%dma_start3A_54 : memref<80x128xbf16, #tpu.memory_space<vmem_shared>>) target(%arg9 : memref<80x128xbf16, #tpu.memory_space<vmem>>) target_semaphore(%run_scoped3A : memref<!tpu.dma_semaphore, #tpu.memory_space<semaphore_mem>>)
      %dma_wait3A = arith.constant 0 : i32
      %dma_wait3A_55 = tpu.memref_slice %arg11[%add3A_46, %dma_wait3A] : memref<10240x128xbf16, #tpu.memory_space<vmem_shared>> -> memref<80x128xbf16, #tpu.memory_space<vmem_shared>>
      %dma_wait3A_56 = arith.constant 0 : i32
      %dma_wait3A_57 = tpu.memref_slice %arg11[%add3A_46, %dma_wait3A_56] : memref<10240x128xbf16, #tpu.memory_space<vmem_shared>> -> memref<80x128xbf16, #tpu.memory_space<vmem_shared>>
      tpu.wait_dma2 semaphore(%run_scoped3A : memref<!tpu.dma_semaphore, #tpu.memory_space<semaphore_mem>>) src(%dma_wait3A_57 : memref<80x128xbf16, #tpu.memory_space<vmem_shared>>) dst(%arg9 : memref<80x128xbf16, #tpu.memory_space<vmem>>)
      tpu.yield
    }) : () -> ()
    "tpu.region"() ({
      %run_scoped3A = tpu.sem_alloc : memref<!tpu.dma_semaphore, #tpu.memory_space<semaphore_mem>>
      %dma_start3A_51 = arith.constant 0 : i32
      %dma_start3A_52 = tpu.memref_slice %arg6[%arg0, %add3A_46, %dma_start3A_51] : memref<2x10240x128xbf16, #tpu.memory_space<hbm>> -> memref<1x80x128xbf16, #tpu.memory_space<hbm>>
      %dma_start3A_53 = tpu.memref_squeeze %dma_start3A_52 : memref<1x80x128xbf16, #tpu.memory_space<hbm>> -> memref<80x128xbf16, #tpu.memory_space<hbm>>
      %dma_start3A_54 = arith.constant 0 : i32
      %dma_start3A_55 = tpu.memref_slice %arg6[%arg0, %add3A_46, %dma_start3A_54] : memref<2x10240x128xbf16, #tpu.memory_space<hbm>> -> memref<1x80x128xbf16, #tpu.memory_space<hbm>>
      %dma_start3A_56 = tpu.memref_squeeze %dma_start3A_55 : memref<1x80x128xbf16, #tpu.memory_space<hbm>> -> memref<80x128xbf16, #tpu.memory_space<hbm>>
      tpu.enqueue_dma source(%arg9 : memref<80x128xbf16, #tpu.memory_space<vmem>>) target(%dma_start3A_56 : memref<80x128xbf16, #tpu.memory_space<hbm>>) target_semaphore(%run_scoped3A : memref<!tpu.dma_semaphore, #tpu.memory_space<semaphore_mem>>)
      %dma_wait3A = arith.constant 0 : i32
      %dma_wait3A_57 = tpu.memref_slice %arg6[%arg0, %add3A_46, %dma_wait3A] : memref<2x10240x128xbf16, #tpu.memory_space<hbm>> -> memref<1x80x128xbf16, #tpu.memory_space<hbm>>
      %dma_wait3A_58 = tpu.memref_squeeze %dma_wait3A_57 : memref<1x80x128xbf16, #tpu.memory_space<hbm>> -> memref<80x128xbf16, #tpu.memory_space<hbm>>
      %dma_wait3A_59 = arith.constant 0 : i32
      %dma_wait3A_60 = tpu.memref_slice %arg6[%arg0, %add3A_46, %dma_wait3A_59] : memref<2x10240x128xbf16, #tpu.memory_space<hbm>> -> memref<1x80x128xbf16, #tpu.memory_space<hbm>>
      %dma_wait3A_61 = tpu.memref_squeeze %dma_wait3A_60 : memref<1x80x128xbf16, #tpu.memory_space<hbm>> -> memref<80x128xbf16, #tpu.memory_space<hbm>>
      tpu.wait_dma2 semaphore(%run_scoped3A : memref<!tpu.dma_semaphore, #tpu.memory_space<semaphore_mem>>) src(%arg9 : memref<80x128xbf16, #tpu.memory_space<vmem>>) dst(%dma_wait3A_61 : memref<80x128xbf16, #tpu.memory_space<hbm>>)
      tpu.yield
    }) : () -> ()
    %add3A_47 = arith.constant 480 : i32
    %add3A_48 = arith.addi %mul3A_0, %add3A_47 : i32
    "tpu.region"() ({
      %run_scoped3A = tpu.sem_alloc : memref<!tpu.dma_semaphore, #tpu.memory_space<semaphore_mem>>
      %dma_start3A_51 = arith.constant 0 : i32
      %dma_start3A_52 = tpu.memref_slice %arg11[%add3A_48, %dma_start3A_51] : memref<10240x128xbf16, #tpu.memory_space<vmem_shared>> -> memref<80x128xbf16, #tpu.memory_space<vmem_shared>>
      %dma_start3A_53 = arith.constant 0 : i32
      %dma_start3A_54 = tpu.memref_slice %arg11[%add3A_48, %dma_start3A_53] : memref<10240x128xbf16, #tpu.memory_space<vmem_shared>> -> memref<80x128xbf16, #tpu.memory_space<vmem_shared>>
      tpu.enqueue_dma source(%dma_start3A_54 : memref<80x128xbf16, #tpu.memory_space<vmem_shared>>) target(%arg9 : memref<80x128xbf16, #tpu.memory_space<vmem>>) target_semaphore(%run_scoped3A : memref<!tpu.dma_semaphore, #tpu.memory_space<semaphore_mem>>)
      %dma_wait3A = arith.constant 0 : i32
      %dma_wait3A_55 = tpu.memref_slice %arg11[%add3A_48, %dma_wait3A] : memref<10240x128xbf16, #tpu.memory_space<vmem_shared>> -> memref<80x128xbf16, #tpu.memory_space<vmem_shared>>
      %dma_wait3A_56 = arith.constant 0 : i32
      %dma_wait3A_57 = tpu.memref_slice %arg11[%add3A_48, %dma_wait3A_56] : memref<10240x128xbf16, #tpu.memory_space<vmem_shared>> -> memref<80x128xbf16, #tpu.memory_space<vmem_shared>>
      tpu.wait_dma2 semaphore(%run_scoped3A : memref<!tpu.dma_semaphore, #tpu.memory_space<semaphore_mem>>) src(%dma_wait3A_57 : memref<80x128xbf16, #tpu.memory_space<vmem_shared>>) dst(%arg9 : memref<80x128xbf16, #tpu.memory_space<vmem>>)
      tpu.yield
    }) : () -> ()
    "tpu.region"() ({
      %run_scoped3A = tpu.sem_alloc : memref<!tpu.dma_semaphore, #tpu.memory_space<semaphore_mem>>
      %dma_start3A_51 = arith.constant 0 : i32
      %dma_start3A_52 = tpu.memref_slice %arg6[%arg0, %add3A_48, %dma_start3A_51] : memref<2x10240x128xbf16, #tpu.memory_space<hbm>> -> memref<1x80x128xbf16, #tpu.memory_space<hbm>>
      %dma_start3A_53 = tpu.memref_squeeze %dma_start3A_52 : memref<1x80x128xbf16, #tpu.memory_space<hbm>> -> memref<80x128xbf16, #tpu.memory_space<hbm>>
      %dma_start3A_54 = arith.constant 0 : i32
      %dma_start3A_55 = tpu.memref_slice %arg6[%arg0, %add3A_48, %dma_start3A_54] : memref<2x10240x128xbf16, #tpu.memory_space<hbm>> -> memref<1x80x128xbf16, #tpu.memory_space<hbm>>
      %dma_start3A_56 = tpu.memref_squeeze %dma_start3A_55 : memref<1x80x128xbf16, #tpu.memory_space<hbm>> -> memref<80x128xbf16, #tpu.memory_space<hbm>>
      tpu.enqueue_dma source(%arg9 : memref<80x128xbf16, #tpu.memory_space<vmem>>) target(%dma_start3A_56 : memref<80x128xbf16, #tpu.memory_space<hbm>>) target_semaphore(%run_scoped3A : memref<!tpu.dma_semaphore, #tpu.memory_space<semaphore_mem>>)
      %dma_wait3A = arith.constant 0 : i32
      %dma_wait3A_57 = tpu.memref_slice %arg6[%arg0, %add3A_48, %dma_wait3A] : memref<2x10240x128xbf16, #tpu.memory_space<hbm>> -> memref<1x80x128xbf16, #tpu.memory_space<hbm>>
      %dma_wait3A_58 = tpu.memref_squeeze %dma_wait3A_57 : memref<1x80x128xbf16, #tpu.memory_space<hbm>> -> memref<80x128xbf16, #tpu.memory_space<hbm>>
      %dma_wait3A_59 = arith.constant 0 : i32
      %dma_wait3A_60 = tpu.memref_slice %arg6[%arg0, %add3A_48, %dma_wait3A_59] : memref<2x10240x128xbf16, #tpu.memory_space<hbm>> -> memref<1x80x128xbf16, #tpu.memory_space<hbm>>
      %dma_wait3A_61 = tpu.memref_squeeze %dma_wait3A_60 : memref<1x80x128xbf16, #tpu.memory_space<hbm>> -> memref<80x128xbf16, #tpu.memory_space<hbm>>
      tpu.wait_dma2 semaphore(%run_scoped3A : memref<!tpu.dma_semaphore, #tpu.memory_space<semaphore_mem>>) src(%arg9 : memref<80x128xbf16, #tpu.memory_space<vmem>>) dst(%dma_wait3A_61 : memref<80x128xbf16, #tpu.memory_space<hbm>>)
      tpu.yield
    }) : () -> ()
    %add3A_49 = arith.constant 560 : i32
    %add3A_50 = arith.addi %mul3A_0, %add3A_49 : i32
    "tpu.region"() ({
      %run_scoped3A = tpu.sem_alloc : memref<!tpu.dma_semaphore, #tpu.memory_space<semaphore_mem>>
      %dma_start3A_51 = arith.constant 0 : i32
      %dma_start3A_52 = tpu.memref_slice %arg11[%add3A_50, %dma_start3A_51] : memref<10240x128xbf16, #tpu.memory_space<vmem_shared>> -> memref<80x128xbf16, #tpu.memory_space<vmem_shared>>
      %dma_start3A_53 = arith.constant 0 : i32
      %dma_start3A_54 = tpu.memref_slice %arg11[%add3A_50, %dma_start3A_53] : memref<10240x128xbf16, #tpu.memory_space<vmem_shared>> -> memref<80x128xbf16, #tpu.memory_space<vmem_shared>>
      tpu.enqueue_dma source(%dma_start3A_54 : memref<80x128xbf16, #tpu.memory_space<vmem_shared>>) target(%arg9 : memref<80x128xbf16, #tpu.memory_space<vmem>>) target_semaphore(%run_scoped3A : memref<!tpu.dma_semaphore, #tpu.memory_space<semaphore_mem>>)
      %dma_wait3A = arith.constant 0 : i32
      %dma_wait3A_55 = tpu.memref_slice %arg11[%add3A_50, %dma_wait3A] : memref<10240x128xbf16, #tpu.memory_space<vmem_shared>> -> memref<80x128xbf16, #tpu.memory_space<vmem_shared>>
      %dma_wait3A_56 = arith.constant 0 : i32
      %dma_wait3A_57 = tpu.memref_slice %arg11[%add3A_50, %dma_wait3A_56] : memref<10240x128xbf16, #tpu.memory_space<vmem_shared>> -> memref<80x128xbf16, #tpu.memory_space<vmem_shared>>
      tpu.wait_dma2 semaphore(%run_scoped3A : memref<!tpu.dma_semaphore, #tpu.memory_space<semaphore_mem>>) src(%dma_wait3A_57 : memref<80x128xbf16, #tpu.memory_space<vmem_shared>>) dst(%arg9 : memref<80x128xbf16, #tpu.memory_space<vmem>>)
      tpu.yield
    }) : () -> ()
    "tpu.region"() ({
      %run_scoped3A = tpu.sem_alloc : memref<!tpu.dma_semaphore, #tpu.memory_space<semaphore_mem>>
      %dma_start3A_51 = arith.constant 0 : i32
      %dma_start3A_52 = tpu.memref_slice %arg6[%arg0, %add3A_50, %dma_start3A_51] : memref<2x10240x128xbf16, #tpu.memory_space<hbm>> -> memref<1x80x128xbf16, #tpu.memory_space<hbm>>
      %dma_start3A_53 = tpu.memref_squeeze %dma_start3A_52 : memref<1x80x128xbf16, #tpu.memory_space<hbm>> -> memref<80x128xbf16, #tpu.memory_space<hbm>>
      %dma_start3A_54 = arith.constant 0 : i32
      %dma_start3A_55 = tpu.memref_slice %arg6[%arg0, %add3A_50, %dma_start3A_54] : memref<2x10240x128xbf16, #tpu.memory_space<hbm>> -> memref<1x80x128xbf16, #tpu.memory_space<hbm>>
      %dma_start3A_56 = tpu.memref_squeeze %dma_start3A_55 : memref<1x80x128xbf16, #tpu.memory_space<hbm>> -> memref<80x128xbf16, #tpu.memory_space<hbm>>
      tpu.enqueue_dma source(%arg9 : memref<80x128xbf16, #tpu.memory_space<vmem>>) target(%dma_start3A_56 : memref<80x128xbf16, #tpu.memory_space<hbm>>) target_semaphore(%run_scoped3A : memref<!tpu.dma_semaphore, #tpu.memory_space<semaphore_mem>>)
      %dma_wait3A = arith.constant 0 : i32
      %dma_wait3A_57 = tpu.memref_slice %arg6[%arg0, %add3A_50, %dma_wait3A] : memref<2x10240x128xbf16, #tpu.memory_space<hbm>> -> memref<1x80x128xbf16, #tpu.memory_space<hbm>>
      %dma_wait3A_58 = tpu.memref_squeeze %dma_wait3A_57 : memref<1x80x128xbf16, #tpu.memory_space<hbm>> -> memref<80x128xbf16, #tpu.memory_space<hbm>>
      %dma_wait3A_59 = arith.constant 0 : i32
      %dma_wait3A_60 = tpu.memref_slice %arg6[%arg0, %add3A_50, %dma_wait3A_59] : memref<2x10240x128xbf16, #tpu.memory_space<hbm>> -> memref<1x80x128xbf16, #tpu.memory_space<hbm>>
      %dma_wait3A_61 = tpu.memref_squeeze %dma_wait3A_60 : memref<1x80x128xbf16, #tpu.memory_space<hbm>> -> memref<80x128xbf16, #tpu.memory_space<hbm>>
      tpu.wait_dma2 semaphore(%run_scoped3A : memref<!tpu.dma_semaphore, #tpu.memory_space<semaphore_mem>>) src(%arg9 : memref<80x128xbf16, #tpu.memory_space<vmem>>) dst(%dma_wait3A_61 : memref<80x128xbf16, #tpu.memory_space<hbm>>)
      tpu.yield
    }) : () -> ()
    return
  }
}

module attributes {stable_mosaic.version = 14 : i64} {
  func.func @_hn_body(%arg0: i32, %arg1: memref<1000x128xf32, #tpu.memory_space<vmem>>, %arg2: memref<128x128xf32, #tpu.memory_space<vmem>>, %arg3: memref<1x128xf32, #tpu.memory_space<vmem>>, %arg4: memref<1x1x1000xf32, #tpu.memory_space<vmem>>, %arg5: memref<1000x128xbf16, #tpu.memory_space<vmem>>) attributes {dimension_semantics = [#tpu.dimension_semantics<arbitrary>], iteration_bounds = array<i64: 20>, scalar_prefetch = 0 : i64, scratch_operands = 0 : i64, tpu.core_type = #tpu.core_type<tc>, window_params = [{transform_indices = @transform_0, window_bounds = array<i64: 1000, 128>}, {pipeline_mode = #tpu.pipeline_mode<synchronous>, transform_indices = @transform_1, window_bounds = array<i64: 128, 128>}, {pipeline_mode = #tpu.pipeline_mode<synchronous>, transform_indices = @transform_2, window_bounds = array<i64: 1, 128>}, {transform_indices = @transform_3, window_bounds = array<i64: 1, 1, 1000>}, {transform_indices = @transform_4, window_bounds = array<i64: 1000, 128>}]} {
    %get3A = arith.constant 0 : index
    %get3A_0 = arith.constant 0 : index
    %get3A_1 = vector.load %arg1[%get3A, %get3A_0] : memref<1000x128xf32, #tpu.memory_space<vmem>>, vector<1000x128xf32>
    %convert_element_type3A = arith.truncf %get3A_1 : vector<1000x128xf32> to vector<1000x128xbf16>
    %get3A_2 = arith.constant 0 : index
    %get3A_3 = arith.constant 0 : index
    %get3A_4 = vector.load %arg2[%get3A_2, %get3A_3] : memref<128x128xf32, #tpu.memory_space<vmem>>, vector<128x128xf32>
    %convert_element_type3A_5 = arith.truncf %get3A_4 : vector<128x128xf32> to vector<128x128xbf16>
    %dot_general3A = arith.constant dense<0.000000e+00> : vector<1000x128xf32>
    %dot_general3A_6 = tpu.matmul %convert_element_type3A, %convert_element_type3A_5, %dot_general3A {dimension_numbers = #tpu.dot_dimension_numbers<[1], [0], [0], [1], [0, 0, 1, 1], [], []>, transpose_lhs_hint = false} : vector<1000x128xbf16>, vector<128x128xbf16>, vector<1000x128xf32> -> vector<1000x128xf32>
    %get3A_7 = arith.constant 0 : index
    %get3A_8 = arith.constant 0 : index
    %get3A_9 = vector.load %arg3[%get3A_7, %get3A_8] : memref<1x128xf32, #tpu.memory_space<vmem>>, vector<1x128xf32>
    %add3A = vector.broadcast %get3A_9 : vector<1x128xf32> to vector<1000x128xf32>
    %add3A_10 = arith.addf %dot_general3A_6, %add3A : vector<1000x128xf32>
    %get3A_11 = arith.constant 0 : index
    %get3A_12 = arith.constant 0 : index
    %get3A_13 = arith.constant 0 : index
    %get3A_14 = vector.load %arg4[%get3A_11, %get3A_12, %get3A_13] : memref<1x1x1000xf32, #tpu.memory_space<vmem>>, vector<1x1x1000xf32>
    %get3A_15 = vector.shape_cast %get3A_14 : vector<1x1x1000xf32> to vector<1x1000xf32>
    %transpose3A = tpu.transpose %get3A_15, [1, 0] : vector<1x1000xf32> -> vector<1000x1xf32>
    %add3A_16 = arith.constant 1.000000e+00 : f32
    %add3A_17 = vector.broadcast %add3A_16 : f32 to vector<1000x1xf32>
    %add3A_18 = arith.addf %transpose3A, %add3A_17 : vector<1000x1xf32>
    %rsqrt3A = math.rsqrt %add3A_18 : vector<1000x1xf32>
    %mul3A = vector.broadcast %rsqrt3A : vector<1000x1xf32> to vector<1000x128xf32>
    %mul3A_19 = arith.mulf %add3A_10, %mul3A : vector<1000x128xf32>
    %convert_element_type3A_20 = arith.truncf %mul3A_19 : vector<1000x128xf32> to vector<1000x128xbf16>
    %swap3A = arith.constant 0 : index
    %swap3A_21 = arith.constant 0 : index
    %swap3A_22 = vector.load %arg5[%swap3A, %swap3A_21] : memref<1000x128xbf16, #tpu.memory_space<vmem>>, vector<1000x128xbf16>
    tpu.vector_store %arg5[%swap3A, %swap3A_21], %convert_element_type3A_20 {strides = array<i32>} : memref<1000x128xbf16, #tpu.memory_space<vmem>>, vector<1000x128xbf16>,
    return
  }
  func.func @transform_0(%arg0: i32) -> (i32, i32) {
    %c0_i32 = arith.constant 0 : i32
    %c0_i32_0 = arith.constant 0 : i32
    return %arg0, %c0_i32 : i32, i32
  }
  func.func @transform_1(%arg0: i32) -> (i32, i32) {
    %c0_i32 = arith.constant 0 : i32
    %c0_i32_0 = arith.constant 0 : i32
    %c0_i32_1 = arith.constant 0 : i32
    return %c0_i32, %c0_i32_0 : i32, i32
  }
  func.func @transform_2(%arg0: i32) -> (i32, i32) {
    %c0_i32 = arith.constant 0 : i32
    %c0_i32_0 = arith.constant 0 : i32
    %c0_i32_1 = arith.constant 0 : i32
    return %c0_i32, %c0_i32_0 : i32, i32
  }
  func.func @transform_3(%arg0: i32) -> (i32, i32, i32) {
    %c0_i32 = arith.constant 0 : i32
    %c0_i32_0 = arith.constant 0 : i32
    %c0_i32_1 = arith.constant 0 : i32
    return %arg0, %c0_i32, %c0_i32_0 : i32, i32, i32
  }
  func.func @transform_4(%arg0: i32) -> (i32, i32) {
    %c0_i32 = arith.constant 0 : i32
    %c0_i32_0 = arith.constant 0 : i32
    return %arg0, %c0_i32 : i32, i32
  }
}

module attributes {stable_mosaic.version = 14 : i64} {
  func.func @_pool_body(%arg0: i32, %arg1: memref<1x1000x128xbf16, #tpu.memory_space<vmem>>, %arg2: memref<1000x128xbf16, #tpu.memory_space<vmem>>, %arg3: memref<1x1x1000xf32, #tpu.memory_space<vmem>>, %arg4: memref<1x1x1000xi32, #tpu.memory_space<vmem>>, %arg5: memref<256x128xf32, #tpu.memory_space<vmem>>, %arg6: memref<1x128xf32, #tpu.memory_space<vmem>>, %arg7: memref<256x128xf32, #tpu.memory_space<vmem>>, %arg8: memref<2x256x128xf32, #tpu.memory_space<vmem>>, %arg9: memref<2x256x8xf32, #tpu.memory_space<vmem>>) attributes {dimension_semantics = [#tpu.dimension_semantics<arbitrary>], iteration_bounds = array<i64: 20>, scalar_prefetch = 0 : i64, scratch_operands = 2 : i64, tpu.core_type = #tpu.core_type<tc>, window_params = [{transform_indices = @transform_0, window_bounds = array<i64: 1, 1000, 128>}, {transform_indices = @transform_1, window_bounds = array<i64: 1000, 128>}, {transform_indices = @transform_2, window_bounds = array<i64: 1, 1, 1000>}, {transform_indices = @transform_3, window_bounds = array<i64: 1, 1, 1000>}, {pipeline_mode = #tpu.pipeline_mode<synchronous>, transform_indices = @transform_4, window_bounds = array<i64: 256, 128>}, {pipeline_mode = #tpu.pipeline_mode<synchronous>, transform_indices = @transform_5, window_bounds = array<i64: 1, 128>}, {pipeline_mode = #tpu.pipeline_mode<synchronous>, transform_indices = @transform_6, window_bounds = array<i64: 256, 128>}]} {
    %eq3A = arith.constant 0 : i32
    %eq3A_0 = arith.cmpi eq, %arg0, %eq3A : i32
    %convert_element_type3A = arith.extui %eq3A_0 : i1 to i32
    %cond3A = arith.constant 0 : i32
    %cond3A_1 = arith.cmpi ne, %convert_element_type3A, %cond3A : i32
    scf.if %cond3A_1 {
      %broadcast_in_dim3A_51 = arith.constant 0.000000e+00 : f32
      %broadcast_in_dim3A_52 = vector.broadcast %broadcast_in_dim3A_51 : f32 to vector<2x256x128xf32>
      %swap3A = arith.constant 0 : index
      %swap3A_53 = arith.constant 0 : index
      %swap3A_54 = arith.constant 0 : index
      %swap3A_55 = vector.load %arg8[%swap3A, %swap3A_53, %swap3A_54] : memref<2x256x128xf32, #tpu.memory_space<vmem>>, vector<2x256x128xf32>
      tpu.vector_store %arg8[%swap3A, %swap3A_53, %swap3A_54], %broadcast_in_dim3A_52 {strides = array<i32>} : memref<2x256x128xf32, #tpu.memory_space<vmem>>, vector<2x256x128xf32>,
      %broadcast_in_dim3A_56 = arith.constant 0.000000e+00 : f32
      %broadcast_in_dim3A_57 = vector.broadcast %broadcast_in_dim3A_56 : f32 to vector<2x256x8xf32>
      %swap3A_58 = arith.constant 0 : index
      %swap3A_59 = arith.constant 0 : index
      %swap3A_60 = arith.constant 0 : index
      %swap3A_61 = vector.load %arg9[%swap3A_58, %swap3A_59, %swap3A_60] : memref<2x256x8xf32, #tpu.memory_space<vmem>>, vector<2x256x8xf32>
      tpu.vector_store %arg9[%swap3A_58, %swap3A_59, %swap3A_60], %broadcast_in_dim3A_57 {strides = array<i32>} : memref<2x256x8xf32, #tpu.memory_space<vmem>>, vector<2x256x8xf32>,
    } else {
    }
    %get3A = arith.constant 0 : index
    %get3A_2 = arith.constant 0 : index
    %get3A_3 = arith.constant 0 : index
    %get3A_4 = vector.load %arg1[%get3A, %get3A_2, %get3A_3] : memref<1x1000x128xbf16, #tpu.memory_space<vmem>>, vector<1x1000x128xbf16>
    %get3A_5 = vector.shape_cast %get3A_4 : vector<1x1000x128xbf16> to vector<1000x128xbf16>
    %convert_element_type3A_6 = arith.extf %get3A_5 : vector<1000x128xbf16> to vector<1000x128xf32>
    %get3A_7 = arith.constant 0 : index
    %get3A_8 = arith.constant 0 : index
    %get3A_9 = vector.load %arg2[%get3A_7, %get3A_8] : memref<1000x128xbf16, #tpu.memory_space<vmem>>, vector<1000x128xbf16>
    %convert_element_type3A_10 = arith.extf %get3A_9 : vector<1000x128xbf16> to vector<1000x128xf32>
    %get3A_11 = arith.constant 0 : index
    %get3A_12 = arith.constant 0 : index
    %get3A_13 = arith.constant 0 : index
    %get3A_14 = vector.load %arg3[%get3A_11, %get3A_12, %get3A_13] : memref<1x1x1000xf32, #tpu.memory_space<vmem>>, vector<1x1x1000xf32>
    %get3A_15 = vector.shape_cast %get3A_14 : vector<1x1x1000xf32> to vector<1x1000xf32>
    %transpose3A = tpu.transpose %get3A_15, [1, 0] : vector<1x1000xf32> -> vector<1000x1xf32>
    %add3A = arith.constant 1.000000e+00 : f32
    %add3A_16 = vector.broadcast %add3A : f32 to vector<1000x1xf32>
    %add3A_17 = arith.addf %transpose3A, %add3A_16 : vector<1000x1xf32>
    %rsqrt3A = math.rsqrt %add3A_17 : vector<1000x1xf32>
    %add3A_18 = arith.addf %convert_element_type3A_6, %convert_element_type3A_10 : vector<1000x128xf32>
    %mul3A = vector.broadcast %rsqrt3A : vector<1000x1xf32> to vector<1000x128xf32>
    %mul3A_19 = arith.mulf %mul3A, %add3A_18 : vector<1000x128xf32>
    %max3A = arith.constant 0.000000e+00 : f32
    %max3A_20 = vector.broadcast %max3A : f32 to vector<1000x128xf32>
    %max3A_21 = arith.maximumf %mul3A_19, %max3A_20 : vector<1000x128xf32>
    %convert_element_type3A_22 = arith.truncf %max3A_21 : vector<1000x128xf32> to vector<1000x128xbf16>
    %get3A_23 = arith.constant 0 : index
    %get3A_24 = arith.constant 0 : index
    %get3A_25 = arith.constant 0 : index
    %get3A_26 = vector.load %arg4[%get3A_23, %get3A_24, %get3A_25] : memref<1x1x1000xi32, #tpu.memory_space<vmem>>, vector<1x1x1000xi32>
    %get3A_27 = vector.shape_cast %get3A_26 : vector<1x1x1000xi32> to vector<1000xi32>
    %broadcast_in_dim3A = vector.shape_cast %get3A_27 : vector<1000xi32> to vector<1000x1xi32>
    %iota3A = tpu.iota {dimensions = array<i32: 1>} : vector<1000x256xi32>
    %eq3A_28 = vector.broadcast %broadcast_in_dim3A : vector<1000x1xi32> to vector<1000x256xi32>
    %eq3A_29 = arith.cmpi eq, %eq3A_28, %iota3A : vector<1000x256xi32>
    %convert_element_type3A_30 = arith.extui %eq3A_29 : vector<1000x256xi1> to vector<1000x256xi32>
    %convert_element_type3A_31 = arith.sitofp %convert_element_type3A_30 : vector<1000x256xi32> to vector<1000x256xf32>
    %convert_element_type3A_32 = arith.truncf %convert_element_type3A_31 : vector<1000x256xf32> to vector<1000x256xbf16>
    %dot_general3A = arith.constant dense<0.000000e+00> : vector<256x128xf32>
    %dot_general3A_33 = tpu.matmul %convert_element_type3A_32, %convert_element_type3A_22, %dot_general3A {dimension_numbers = #tpu.dot_dimension_numbers<[0], [0], [1], [1], [0, 1, 1, 1], [], []>, transpose_lhs_hint = false} : vector<1000x256xbf16>, vector<1000x128xbf16>, vector<256x128xf32> -> vector<256x128xf32>
    %broadcast_in_dim3A_34 = arith.constant 1.000000e+00 : bf16
    %broadcast_in_dim3A_35 = vector.broadcast %broadcast_in_dim3A_34 : bf16 to vector<1000x8xbf16>
    %dot_general3A_36 = arith.constant dense<0.000000e+00> : vector<256x8xf32>
    %dot_general3A_37 = tpu.matmul %convert_element_type3A_32, %broadcast_in_dim3A_35, %dot_general3A_36 {dimension_numbers = #tpu.dot_dimension_numbers<[0], [0], [1], [1], [0, 1, 1, 1], [], []>, transpose_lhs_hint = false} : vector<1000x256xbf16>, vector<1000x8xbf16>, vector<256x8xf32> -> vector<256x8xf32>
    %lt3A = arith.constant 10 : i32
    %lt3A_38 = arith.cmpi slt, %arg0, %lt3A : i32
    %convert_element_type3A_39 = arith.extui %lt3A_38 : i1 to i32
    %cond3A_40 = arith.constant 0 : i32
    %cond3A_41 = arith.cmpi ne, %convert_element_type3A_39, %cond3A_40 : i32
    scf.if %cond3A_41 {
      %get3A_51 = arith.constant 0 : index
      %get3A_52 = arith.constant 0 : index
      %get3A_53 = arith.constant 0 : index
      %get3A_54 = vector.load %arg8[%get3A_51, %get3A_52, %get3A_53] : memref<2x256x128xf32, #tpu.memory_space<vmem>>, vector<1x256x128xf32>
      %get3A_55 = vector.shape_cast %get3A_54 : vector<1x256x128xf32> to vector<256x128xf32>
      %add3A_56 = arith.addf %get3A_55, %dot_general3A_33 : vector<256x128xf32>
      %swap3A = arith.constant 0 : index
      %swap3A_57 = arith.constant 0 : index
      %swap3A_58 = arith.constant 0 : index
      %swap3A_59 = vector.load %arg8[%swap3A, %swap3A_57, %swap3A_58] : memref<2x256x128xf32, #tpu.memory_space<vmem>>, vector<1x256x128xf32>
      %swap3A_60 = vector.shape_cast %swap3A_59 : vector<1x256x128xf32> to vector<256x128xf32>
      %swap3A_61 = vector.shape_cast %add3A_56 : vector<256x128xf32> to vector<1x256x128xf32>
      tpu.vector_store %arg8[%swap3A, %swap3A_57, %swap3A_58], %swap3A_61 {strides = array<i32>} : memref<2x256x128xf32, #tpu.memory_space<vmem>>, vector<1x256x128xf32>,
      %get3A_62 = arith.constant 0 : index
      %get3A_63 = arith.constant 0 : index
      %get3A_64 = arith.constant 0 : index
      %get3A_65 = vector.load %arg9[%get3A_62, %get3A_63, %get3A_64] : memref<2x256x8xf32, #tpu.memory_space<vmem>>, vector<1x256x8xf32>
      %get3A_66 = vector.shape_cast %get3A_65 : vector<1x256x8xf32> to vector<256x8xf32>
      %add3A_67 = arith.addf %get3A_66, %dot_general3A_37 : vector<256x8xf32>
      %swap3A_68 = arith.constant 0 : index
      %swap3A_69 = arith.constant 0 : index
      %swap3A_70 = arith.constant 0 : index
      %swap3A_71 = vector.load %arg9[%swap3A_68, %swap3A_69, %swap3A_70] : memref<2x256x8xf32, #tpu.memory_space<vmem>>, vector<1x256x8xf32>
      %swap3A_72 = vector.shape_cast %swap3A_71 : vector<1x256x8xf32> to vector<256x8xf32>
      %swap3A_73 = vector.shape_cast %add3A_67 : vector<256x8xf32> to vector<1x256x8xf32>
      tpu.vector_store %arg9[%swap3A_68, %swap3A_69, %swap3A_70], %swap3A_73 {strides = array<i32>} : memref<2x256x8xf32, #tpu.memory_space<vmem>>, vector<1x256x8xf32>,
    } else {
    }
    %ge3A = arith.constant 10 : i32
    %ge3A_42 = arith.cmpi sge, %arg0, %ge3A : i32
    %convert_element_type3A_43 = arith.extui %ge3A_42 : i1 to i32
    %cond3A_44 = arith.constant 0 : i32
    %cond3A_45 = arith.cmpi ne, %convert_element_type3A_43, %cond3A_44 : i32
    scf.if %cond3A_45 {
      %get3A_51 = arith.constant 1 : index
      %get3A_52 = arith.constant 0 : index
      %get3A_53 = arith.constant 0 : index
      %get3A_54 = vector.load %arg8[%get3A_51, %get3A_52, %get3A_53] : memref<2x256x128xf32, #tpu.memory_space<vmem>>, vector<1x256x128xf32>
      %get3A_55 = vector.shape_cast %get3A_54 : vector<1x256x128xf32> to vector<256x128xf32>
      %add3A_56 = arith.addf %get3A_55, %dot_general3A_33 : vector<256x128xf32>
      %swap3A = arith.constant 1 : index
      %swap3A_57 = arith.constant 0 : index
      %swap3A_58 = arith.constant 0 : index
      %swap3A_59 = vector.load %arg8[%swap3A, %swap3A_57, %swap3A_58] : memref<2x256x128xf32, #tpu.memory_space<vmem>>, vector<1x256x128xf32>
      %swap3A_60 = vector.shape_cast %swap3A_59 : vector<1x256x128xf32> to vector<256x128xf32>
      %swap3A_61 = vector.shape_cast %add3A_56 : vector<256x128xf32> to vector<1x256x128xf32>
      tpu.vector_store %arg8[%swap3A, %swap3A_57, %swap3A_58], %swap3A_61 {strides = array<i32>} : memref<2x256x128xf32, #tpu.memory_space<vmem>>, vector<1x256x128xf32>,
      %get3A_62 = arith.constant 1 : index
      %get3A_63 = arith.constant 0 : index
      %get3A_64 = arith.constant 0 : index
      %get3A_65 = vector.load %arg9[%get3A_62, %get3A_63, %get3A_64] : memref<2x256x8xf32, #tpu.memory_space<vmem>>, vector<1x256x8xf32>
      %get3A_66 = vector.shape_cast %get3A_65 : vector<1x256x8xf32> to vector<256x8xf32>
      %add3A_67 = arith.addf %get3A_66, %dot_general3A_37 : vector<256x8xf32>
      %swap3A_68 = arith.constant 1 : index
      %swap3A_69 = arith.constant 0 : index
      %swap3A_70 = arith.constant 0 : index
      %swap3A_71 = vector.load %arg9[%swap3A_68, %swap3A_69, %swap3A_70] : memref<2x256x8xf32, #tpu.memory_space<vmem>>, vector<1x256x8xf32>
      %swap3A_72 = vector.shape_cast %swap3A_71 : vector<1x256x8xf32> to vector<256x8xf32>
      %swap3A_73 = vector.shape_cast %add3A_67 : vector<256x8xf32> to vector<1x256x8xf32>
      tpu.vector_store %arg9[%swap3A_68, %swap3A_69, %swap3A_70], %swap3A_73 {strides = array<i32>} : memref<2x256x8xf32, #tpu.memory_space<vmem>>, vector<1x256x8xf32>,
    } else {
    }
    %eq3A_46 = arith.constant 19 : i32
    %eq3A_47 = arith.cmpi eq, %arg0, %eq3A_46 : i32
    %convert_element_type3A_48 = arith.extui %eq3A_47 : i1 to i32
    %cond3A_49 = arith.constant 0 : i32
    %cond3A_50 = arith.cmpi ne, %convert_element_type3A_48, %cond3A_49 : i32
    scf.if %cond3A_50 {
      %get3A_51 = arith.constant 0 : index
      %get3A_52 = arith.constant 0 : index
      %get3A_53 = arith.constant 0 : index
      %get3A_54 = vector.load %arg9[%get3A_51, %get3A_52, %get3A_53] : memref<2x256x8xf32, #tpu.memory_space<vmem>>, vector<1x256x8xf32>
      %get3A_55 = vector.shape_cast %get3A_54 : vector<1x256x8xf32> to vector<256x8xf32>
      %slice3A = vector.extract_strided_slice %get3A_55 {offsets = [0, 0], sizes = [256, 1], strides = [1, 1]} : vector<256x8xf32> to vector<256x1xf32>
      %max3A_56 = arith.constant 1.000000e+00 : f32
      %max3A_57 = vector.broadcast %max3A_56 : f32 to vector<256x1xf32>
      %max3A_58 = arith.maximumf %slice3A, %max3A_57 : vector<256x1xf32>
      %get3A_59 = arith.constant 1 : index
      %get3A_60 = arith.constant 0 : index
      %get3A_61 = arith.constant 0 : index
      %get3A_62 = vector.load %arg9[%get3A_59, %get3A_60, %get3A_61] : memref<2x256x8xf32, #tpu.memory_space<vmem>>, vector<1x256x8xf32>
      %get3A_63 = vector.shape_cast %get3A_62 : vector<1x256x8xf32> to vector<256x8xf32>
      %slice3A_64 = vector.extract_strided_slice %get3A_63 {offsets = [0, 0], sizes = [256, 1], strides = [1, 1]} : vector<256x8xf32> to vector<256x1xf32>
      %max3A_65 = arith.constant 1.000000e+00 : f32
      %max3A_66 = vector.broadcast %max3A_65 : f32 to vector<256x1xf32>
      %max3A_67 = arith.maximumf %slice3A_64, %max3A_66 : vector<256x1xf32>
      %get3A_68 = arith.constant 0 : index
      %get3A_69 = arith.constant 0 : index
      %get3A_70 = arith.constant 0 : index
      %get3A_71 = vector.load %arg8[%get3A_68, %get3A_69, %get3A_70] : memref<2x256x128xf32, #tpu.memory_space<vmem>>, vector<1x256x128xf32>
      %get3A_72 = vector.shape_cast %get3A_71 : vector<1x256x128xf32> to vector<256x128xf32>
      %div3A = vector.broadcast %max3A_58 : vector<256x1xf32> to vector<256x128xf32>
      %div3A_73 = arith.divf %get3A_72, %div3A : vector<256x128xf32>
      %get3A_74 = arith.constant 1 : index
      %get3A_75 = arith.constant 0 : index
      %get3A_76 = arith.constant 0 : index
      %get3A_77 = vector.load %arg8[%get3A_74, %get3A_75, %get3A_76] : memref<2x256x128xf32, #tpu.memory_space<vmem>>, vector<1x256x128xf32>
      %get3A_78 = vector.shape_cast %get3A_77 : vector<1x256x128xf32> to vector<256x128xf32>
      %div3A_79 = vector.broadcast %max3A_67 : vector<256x1xf32> to vector<256x128xf32>
      %div3A_80 = arith.divf %get3A_78, %div3A_79 : vector<256x128xf32>
      %get3A_81 = arith.constant 0 : index
      %get3A_82 = arith.constant 0 : index
      %get3A_83 = vector.load %arg5[%get3A_81, %get3A_82] : memref<256x128xf32, #tpu.memory_space<vmem>>, vector<256x128xf32>
      %add3A_84 = arith.addf %div3A_73, %div3A_80 : vector<256x128xf32>
      %slice3A_85 = vector.extract_strided_slice %get3A_83 {offsets = [0, 0], sizes = [128, 128], strides = [1, 1]} : vector<256x128xf32> to vector<128x128xf32>
      %dot_general3A_86 = arith.constant dense<0.000000e+00> : vector<256x128xf32>
      %dot_general3A_87 = tpu.matmul %add3A_84, %slice3A_85, %dot_general3A_86 {dimension_numbers = #tpu.dot_dimension_numbers<[1], [0], [0], [1], [0, 0, 1, 1], [], []>, transpose_lhs_hint = false} : vector<256x128xf32>, vector<128x128xf32>, vector<256x128xf32> -> vector<256x128xf32>
      %min3A = arith.minimumf %div3A_73, %div3A_80 : vector<256x128xf32>
      %slice3A_88 = vector.extract_strided_slice %get3A_83 {offsets = [128, 0], sizes = [128, 128], strides = [1, 1]} : vector<256x128xf32> to vector<128x128xf32>
      %dot_general3A_89 = arith.constant dense<0.000000e+00> : vector<256x128xf32>
      %dot_general3A_90 = tpu.matmul %min3A, %slice3A_88, %dot_general3A_89 {dimension_numbers = #tpu.dot_dimension_numbers<[1], [0], [0], [1], [0, 0, 1, 1], [], []>, transpose_lhs_hint = false} : vector<256x128xf32>, vector<128x128xf32>, vector<256x128xf32> -> vector<256x128xf32>
      %add3A_91 = arith.addf %dot_general3A_87, %dot_general3A_90 : vector<256x128xf32>
      %get3A_92 = arith.constant 0 : index
      %get3A_93 = arith.constant 0 : index
      %get3A_94 = vector.load %arg6[%get3A_92, %get3A_93] : memref<1x128xf32, #tpu.memory_space<vmem>>, vector<1x128xf32>
      %add3A_95 = vector.broadcast %get3A_94 : vector<1x128xf32> to vector<256x128xf32>
      %add3A_96 = arith.addf %add3A_91, %add3A_95 : vector<256x128xf32>
      %swap3A = arith.constant 0 : index
      %swap3A_97 = arith.constant 0 : index
      %swap3A_98 = vector.load %arg7[%swap3A, %swap3A_97] : memref<256x128xf32, #tpu.memory_space<vmem>>, vector<256x128xf32>
      tpu.vector_store %arg7[%swap3A, %swap3A_97], %add3A_96 {strides = array<i32>} : memref<256x128xf32, #tpu.memory_space<vmem>>, vector<256x128xf32>,
    } else {
    }
    return
  }
  func.func @transform_0(%arg0: i32) -> (i32, i32, i32) {
    %jit3A = arith.constant 10 : i32
    %div3A = arith.divsi %arg0, %jit3A : i32
    %sign3A = arith.constant 0 : i32
    %sign3A_0 = arith.cmpi sgt, %arg0, %sign3A : i32
    %sign3A_1 = arith.extui %sign3A_0 : i1 to i32
    %sign3A_2 = arith.constant 0 : i32
    %sign3A_3 = arith.cmpi slt, %arg0, %sign3A_2 : i32
    %sign3A_4 = arith.extui %sign3A_3 : i1 to i32
    %sign3A_5 = arith.subi %sign3A_1, %sign3A_4 : i32
    %sign3A_6 = arith.constant 0 : i32
    %sign3A_7 = arith.cmpi sgt, %jit3A, %sign3A_6 : i32
    %sign3A_8 = arith.extui %sign3A_7 : i1 to i32
    %sign3A_9 = arith.constant 0 : i32
    %sign3A_10 = arith.cmpi slt, %jit3A, %sign3A_9 : i32
    %sign3A_11 = arith.extui %sign3A_10 : i1 to i32
    %sign3A_12 = arith.subi %sign3A_8, %sign3A_11 : i32
    %ne3A = arith.cmpi ne, %sign3A_5, %sign3A_12 : i32
    %rem3A = arith.remsi %arg0, %jit3A : i32
    %ne3A_13 = arith.constant 0 : i32
    %ne3A_14 = arith.cmpi ne, %rem3A, %ne3A_13 : i32
    %and3A = arith.andi %ne3A, %ne3A_14 : i1
    %sub3A = arith.constant 1 : i32
    %sub3A_15 = arith.subi %div3A, %sub3A : i32
    %select_n3A = arith.select %and3A, %sub3A_15, %div3A : i32
    %jit3A_16 = arith.constant 10 : i32
    %eq3A = arith.constant 0 : i32
    %eq3A_17 = arith.cmpi eq, %jit3A_16, %eq3A : i32
    %jit3A_18 = arith.constant 1 : i32
    %select_n3A_19 = arith.select %eq3A_17, %jit3A_18, %jit3A_16 : i32
    %rem3A_20 = arith.remsi %arg0, %select_n3A_19 : i32
    %ne3A_21 = arith.constant 0 : i32
    %ne3A_22 = arith.cmpi ne, %rem3A_20, %ne3A_21 : i32
    %lt3A = arith.constant 0 : i32
    %lt3A_23 = arith.cmpi slt, %rem3A_20, %lt3A : i32
    %lt3A_24 = arith.constant 0 : i32
    %lt3A_25 = arith.cmpi slt, %select_n3A_19, %lt3A_24 : i32
    %ne3A_26 = arith.xori %lt3A_23, %lt3A_25 : i1
    %and3A_27 = arith.andi %ne3A_26, %ne3A_22 : i1
    %add3A = arith.addi %rem3A_20, %select_n3A_19 : i32
    %select_n3A_28 = arith.select %and3A_27, %add3A, %rem3A_20 : i32
    %c0_i32 = arith.constant 0 : i32
    %c0_i32_29 = arith.constant 0 : i32
    return %select_n3A, %select_n3A_28, %c0_i32 : i32, i32, i32
  }
  func.func @transform_1(%arg0: i32) -> (i32, i32) {
    %c0_i32 = arith.constant 0 : i32
    %c0_i32_0 = arith.constant 0 : i32
    return %arg0, %c0_i32 : i32, i32
  }
  func.func @transform_2(%arg0: i32) -> (i32, i32, i32) {
    %c0_i32 = arith.constant 0 : i32
    %c0_i32_0 = arith.constant 0 : i32
    %c0_i32_1 = arith.constant 0 : i32
    return %arg0, %c0_i32, %c0_i32_0 : i32, i32, i32
  }
  func.func @transform_3(%arg0: i32) -> (i32, i32, i32) {
    %c0_i32 = arith.constant 0 : i32
    %c0_i32_0 = arith.constant 0 : i32
    %c0_i32_1 = arith.constant 0 : i32
    return %arg0, %c0_i32, %c0_i32_0 : i32, i32, i32
  }
  func.func @transform_4(%arg0: i32) -> (i32, i32) {
    %c0_i32 = arith.constant 0 : i32
    %c0_i32_0 = arith.constant 0 : i32
    %c0_i32_1 = arith.constant 0 : i32
    return %c0_i32, %c0_i32_0 : i32, i32
  }
  func.func @transform_5(%arg0: i32) -> (i32, i32) {
    %c0_i32 = arith.constant 0 : i32
    %c0_i32_0 = arith.constant 0 : i32
    %c0_i32_1 = arith.constant 0 : i32
    return %c0_i32, %c0_i32_0 : i32, i32
  }
  func.func @transform_6(%arg0: i32) -> (i32, i32) {
    %c0_i32 = arith.constant 0 : i32
    %c0_i32_0 = arith.constant 0 : i32
    %c0_i32_1 = arith.constant 0 : i32
    return %c0_i32, %c0_i32_0 : i32, i32
  }
}

</mosaic_0001>

<sc_bundles>
// kernel: kernel.6.cloned.1.call-start
scs
__scs_entry_jumppad:
0x0: {  	(pc) =	sbr.rel $0x88, $3  }
0x1: {  	(tag) =	ssettag $0x0;
	lr =	simm.s32 $0x1  }
0x2: {  	[smem:$0x3F97] =	sst lr;
	_ =	strace $0xD0000000  }
0x3: {  	_ = 	snop  }
0x4: {  	_ = 	snop  }
0x5: {  	_ = 	snop  }
0x6: {  	_ = 	snop  }
0x7: {  	_ = 	snop  }
__scs_overlays_trampoline_lowered:
0x8: {  	[smem:$0x3FA6] =	sst s0  }
0x9: {  	[smem:$0x3FA7] =	sst s1  }
0xa: {  	[smem:$0x3FA8] =	sst s2  }
0xb: {  	[smem:$0x3FA9] =	sst s3  }
0xc: {  	[smem:$0x3FAA] =	sst s4  }
0xd: {  	[smem:$0x3FAB] =	sst s5  }
0xe: {  	[smem:$0x3FAC] =	sst s6  }
0xf: {  	[smem:$0x3FAD] =	sst s7  }
0x10: {  	[smem:$0x3FAE] =	sst s8  }
0x11: {  	[smem:$0x3FAF] =	sst s9;
	s0 =	simm.s32 @!p0 $0x0  }
0x12: {  	s1 =	sld [smem:$0x3F95];
	s0 =	simm.s32 @p0 $0x1  }
0x13: {  	[smem:$0x3FB0] =	sst s0;
	s0 =	simm.s32 @!p1 $0x0  }
0x14: {  	s2 =	sld [smem:$0x3F94];
	s0 =	simm.s32 @p1 $0x1  }
0x15: {  	[smem:$0x3FB1] =	sst s0;
	s0 =	simm.s32 @!p2 $0x0  }
0x16: {  	s3 =	sld [smem:$0x3FDB];
	s0 =	simm.s32 @p2 $0x1  }
0x17: {  	s4 =	simm.s32 $0x1BF5;
	[smem:$0x3FB3] =	sst s0  }
0x18: {  	s0 =	sld [smem:$0x3F96];
	_ =	swait.ge [sflag:s4], $0x0  }
0x19: {  	s7 =	sld [smem:$0x3F97]  }
0x1a: {  	s8 =	sadd.s32 $0xFFFFE003, lr  }
0x1b: {  	s9 =	sadd.s32 $0xFFFFFEF7, lr;
	s5 =	simm.s32 $0xFFFFFFFF;
	p2 =	slt.u32 s8, $0xFFFFF086  }
0x1c: {  	p1 =	slt.u32 s9, $0xF7A;
	s5 =	simm.s32 @!p2 $0x0  }
0x1d: {  	s5 =	simm.s32 @p1 $0x1;
	p0 =	seq.s32 s7, s2  }
0x1e: {  	s7 =	smul.u32 @!p0 $0xF7A, s2;
	p2 =	seq.s32 @!p0 s5, $0x0  }
0x1f: {  	s9 =	smul.u32 $0xF7A, s1;
	s8 =	simm.s32 @!p0 $0x1BF5;
	p2 =	por !p2, p0  }
0x20: {  	[sflag:s8] =	ssyncset.s32 @!p0 $0xFFFFF086;
	s6 =	sadd.s32 @!p0 s3, s7;
	s7 =	simm.s32 @!p0 $0x108  }
0x21: {  	s3 =	sadd.s32 s3, s9;
	s6 =	sadd.s32 @!p0 $0x88, s6;
	s7 =	simm.s32 @p2 $0x1082  }
0x22: {  	[simem:s7], [sflag:s8] =	dma.local @!p0 [hbm:s6], $0xF7A  }
0x23: {  	s9 =	sor.u32 $0xD0000000, s2;
	s6 =	simm.s32 $0x108;
	_ =	swait.ge @!p0 [sflag:s8], $0x0  }
0x24: {  	s3 =	sadd.s32 $0x88, s3;
	s6 =	simm.s32 @!p1 $0x1082;
	[sflag:s4] =	ssyncset.s32 $0xFFFFF086  }
0x25: {  	[simem:s6], [sflag:s4] =	dma.local [hbm:s3], $0xF7A  }
0x26: {  	[smem:$0x3F97] =	sst s1;
	(tag) =	ssettag s2;
	_ =	strace s9  }
0x27: {  	s1 =	sld [smem:$0x3FA7]  }
0x28: {  	s2 =	sld [smem:$0x3FA8]  }
0x29: {  	s4 =	sld [smem:$0x3FAA]  }
0x2a: {  	p0 =	seq.s32 s5, $0x0;
	s5 =	sld [smem:$0x3FAB]  }
0x2b: {  	s6 =	sld [smem:$0x3FAC]  }
0x2c: {  	s7 =	sld [smem:$0x3FAD]  }
0x2d: {  	s3 =	simm.s32 $0x108;
	s8 =	sld [smem:$0x3FAE]  }
0x2e: {  	s3 =	simm.s32 @!p0 $0x1082;
	s9 =	sld [smem:$0x3FAF]  }
0x2f: {  	lr =	sadd.s32 s0, s3;
	s0 =	sld [smem:$0x3FA6]  }
0x30: {  	s3 =	sld [smem:$0x3FA9]  }
0x31: {  	[smem:$0x3FB2] =	sst s10  }
0x32: {  	s10 =	sld [smem:$0x3FB0];
	_ =	sdelay $0x3  }
0x33: {  	p0 =	seq.s32 s10, $0x1;
	s10 =	sld [smem:$0x3FB2];
	_ =	sdelay $0x3  }
0x34: {  	[smem:$0x3FB2] =	sst s10  }
0x35: {  	s10 =	sld [smem:$0x3FB1];
	_ =	sdelay $0x3  }
0x36: {  	p1 =	seq.s32 s10, $0x1;
	s10 =	sld [smem:$0x3FB2];
	_ =	sdelay $0x3  }
0x37: {  	[smem:$0x3FB2] =	sst s10  }
0x38: {  	s10 =	sld [smem:$0x3FB3]  }
0x39: {  	_ = 	snop;
	(pc) =	sbr.ind lr, $3  }
0x3a: {  	_ = 	snop  }
0x3b: {  	_ = 	snop  }
0x3c: {  	p2 =	seq.s32 s10, $0x1;
	s10 =	sld [smem:$0x3FB2]  }
0x3d: {  	_ =	shalt  }
0x3e: {  	_ =	shalt  }
0x3f: {  	_ =	shalt  }
0x40: {  	_ =	shalt  }
0x41: {  	_ =	shalt  }
0x42: {  	_ =	shalt  }
0x43: {  	_ =	shalt  }
0x44: {  	_ =	shalt  }
0x45: {  	_ =	shalt  }
0x46: {  	_ =	shalt  }
0x47: {  	_ =	shalt  }
0x48: {  	_ =	shalt  }
0x49: {  	_ =	shalt  }
0x4a: {  	_ =	shalt  }
0x4b: {  	_ =	shalt  }
0x4c: {  	_ =	shalt  }
0x4d: {  	_ =	shalt  }
0x4e: {  	_ =	shalt  }
0x4f: {  	_ =	shalt  }
0x50: {  	_ =	shalt  }
0x51: {  	_ =	shalt  }
0x52: {  	_ =	shalt  }
0x53: {  	_ =	shalt  }
0x54: {  	_ =	shalt  }
0x55: {  	_ =	shalt  }
0x56: {  	_ =	shalt  }
0x57: {  	_ =	shalt  }
0x58: {  	_ =	shalt  }
0x59: {  	_ =	shalt  }
0x5a: {  	_ =	shalt  }
0x5b: {  	_ =	shalt  }
0x5c: {  	_ =	shalt  }
0x5d: {  	_ =	shalt  }
0x5e: {  	_ =	shalt  }
0x5f: {  	_ =	shalt  }
0x60: {  	_ =	shalt  }
0x61: {  	_ =	shalt  }
0x62: {  	_ =	shalt  }
0x63: {  	_ =	shalt  }
0x64: {  	_ =	shalt  }
0x65: {  	_ =	shalt  }
0x66: {  	_ =	shalt  }
0x67: {  	_ =	shalt  }
0x68: {  	_ =	shalt  }
0x69: {  	_ =	shalt  }
0x6a: {  	_ =	shalt  }
0x6b: {  	_ =	shalt  }
0x6c: {  	_ =	shalt  }
0x6d: {  	_ =	shalt  }
0x6e: {  	_ =	shalt  }
0x6f: {  	_ =	shalt  }
0x70: {  	_ =	shalt  }
0x71: {  	_ =	shalt  }
0x72: {  	_ =	shalt  }
0x73: {  	_ =	shalt  }
0x74: {  	_ =	shalt  }
0x75: {  	_ =	shalt  }
0x76: {  	_ =	shalt  }
0x77: {  	_ =	shalt  }
0x78: {  	_ =	shalt  }
0x79: {  	_ =	shalt  }
0x7a: {  	_ =	shalt  }
0x7b: {  	_ =	shalt  }
0x7c: {  	_ =	shalt  }
0x7d: {  	_ =	shalt  }
0x7e: {  	_ =	shalt  }
0x7f: {  	_ =	shalt  }
0x80: {  	_ =	shalt  }
0x81: {  	_ =	shalt  }
0x82: {  	_ =	shalt  }
0x83: {  	_ =	shalt  }
0x84: {  	_ =	shalt  }
0x85: {  	_ =	shalt  }
0x86: {  	_ =	shalt  }
0x87: {  	_ =	shalt  }
.Lfunc_end0:
.L_simem_size_0:
called_computation_lowered:
.L_overlay_start_0:
0x88: {  	s2 =	sld [smem:$0x3FD9]  }
0x89: {  	s3 =	sld [smem:$0x3FFE];
	_ =	sdelay $0x1  }
0x8a: {  	s1 =	srdreg.scid  }
0x8b: {  	s0 =	sand.u32 $0x1, s1  }
0x8c: {  	s17 =	sshll.u32 s0, $0xA;
	s2 =	sadd.s32 s3, s2  }
0x8d: {  	s2 =	sadd.s32 s2, s17  }
0x8e: {  	[smem:$0x3FBE] =	sst s2  }
0x8f: {  	_ = 	snop  }
0x90: {  	s2 =	sld [smem:$0x3FD0];
	(tm) =	ssettm $0x1  }
0x91: {  	s18 =	sld [smem:$0x3FFB];
	_ =	sdelay $0x3  }
0x92: {  	_ =	strace s18  }
0x93: {  	s3 =	sld [smem:$0x3FFC];
	_ =	sdelay $0x3  }
0x94: {  	_ =	strace s3  }
0x95: {  	s3 =	sld [smem:$0x3FFD];
	_ =	sdelay $0x3  }
0x96: {  	_ =	strace s3  }
0x97: {  	_ =	strace $0x8FFFFFFF  }
0x98: {  	s19 =	sld [smem:$0x3FDB];
	_ =	sdelay $0x1  }
0x99: {  	s4 =	simm.s32 $_scs_section_size  }
0x9a: {  	s5 =	simm.s32 $_size__tile_overlayer_lowered;
	s6 =	simm.s32 $_tile_overlayer_lowered  }
0x9b: {  	s22 =	simm.s32 $0x1BFF;
	s21 =	sshll.u32 s6, $0x1;
	s3 =	sadd.s32 s4, s19  }
0x9c: {  	s7 =	simm.s32 $0x0;
	s20 =	sshll.u32 s5, $0x1;
	s5 =	sadd.s32 s21, s3  }
0x9d: {  	[timem:s7], [sflag:s22] =	dma.local [hbm:s5], s20  }
0x9e: {  	_ =	swait.ge [sflag:s22], s20  }
0x9f: {  	s4 =	ssub.s32 $0x0, s20;
	[sflag:s22] =	ssyncset.done $0x0  }
0xa0: {  	[sflag:s22] =	ssyncadd.s32 s4;
	_ =	sdelay $0x1  }
0xa1: {  	s23 =	simm.s32 $0x1B8B  }
0xa2: {  	_ =	swait.ge [sflag:s23], $0x1  }
0xa3: {  	[sflag:s23] =	ssyncset.done $0x0  }
0xa4: {  	s25 =	simm.s32 $0x1B8E;
	s24 =	sld [smem:$0x3FFE];
	[sflag:s23] =	ssyncadd.s32 $0xFFFFFFFF  }
0xa5: {  	s26 =	simm.s32 $execute0_lowered;
	[smem:$0x3FD2] =	sst s25  }
0xa6: {  	s5 =	sshll.u32 s26, $0x1;
	_ =	strace $0x80000046;
	[dreg:$0x1] =	wrdreg $0xFFFFFFFF  }
0xa7: {  	s28 =	simm.s32 $_size_execute0_lowered;
	s3 =	sadd.s32 s3, s5;
	[dreg:$0x0] =	wrdreg $0x0  }
0xa8: {  	s5 =	sshll.u32 s28, $0x1;
	[dreg:$0x2] =	wrdreg s3  }
0xa9: {  	[dreg:$0x3] =	wrdreg s5  }
0xaa: {  	[dreg:$0x4] =	wrdreg $0xC0  }
0xab: {  	_ =	task [dreg:s7], $0x5FFFF  }
0xac: {  	[dreg:$0x1] =	wrdreg $0xFFFFFFFF  }
0xad: {  	[dreg:$0x0] =	wrdreg $0x60  }
0xae: {  	[dreg:$0x2] =	wrdreg s24  }
0xaf: {  	[dreg:$0x3] =	wrdreg s2  }
0xb0: {  	[dreg:$0x4] =	wrdreg $0xAD000  }
0xb1: {  	[dreg:$0x5] =	wrdreg $0x9  }
0xb2: {  	_ =	task.clear_ibuf [dreg:s7], $0x6FFFF;
	_ =	strace $0x90000046  }
0xb3: {  	s29 =	simm.s32 $0x9;
	_ =	strace $0x80000048  }
0xb4: {  	_ =	swait.ge [sflag:s29], $0x1  }
0xb5: {  	[sflag:s29] =	ssyncadd.s32 $0xFFFFFFFF  }
0xb6: {  	_ =	strace $0x90000048  }
0xb7: {  	_ =	sfence  }
0xb8: {  	s30 =	sld [smem:$0x0];
	_ =	sdelay $0x2  }
0xb9: {  	s31 =	sshll.u32 s1, $0xD;
	s1 =	sshrl.u32 s1, $0x2  }
0xba: {  	s3 =	sand.u32 $0x4000, s31;
	s1 =	sadd.s32 s1, s30  }
0xbb: {  	s0 =	sor.u32 s3, s0;
	s1 =	sshll.u32 s1, $0x11  }
0xbc: {  	s0 =	sor.u32 s1, s0  }
0xbd: {  	s0 =	sadd.s32 $0x8F2B, s0  }
0xbe: {  	[sflag:s0] =	ssyncadd.remote.s32 $0x1  }
0xbf: {  	_ =	sfence.sel $0xFFFF  }
0xc0: {  	[dreg:$0x0] =	wrdreg $0xFFFFFFFF;
	(pc) =	sbr.abs _section_cstart, $3  }
0xc1: {  	[dreg:$0x1] =	wrdreg $0xFFFFFFFF  }
0xc2: {  	_ =	task.clear_ibuf [dreg:s7], $0x2FFFF;
	_ =	strace $0x9FFFFFFF  }
0xc3: {  	(tm) =	ssettm $0x7FFFFFFF  }
tec
execute0_lowered:
.L_overlay_start_1:
0x0: {  	(tag) =	ssettag $0x1  }
0x1: {  	s0 =	rddreg [dreg:$0x0]  }
0x2: {  	s21 =	rddreg [dreg:$0x1]  }
0x3: {  	s3 =	rddreg [dreg:$0x2];
	s2 =	simm.s32 $0x0  }
0x4: {  	s1 =	stileid.u32;
	s4 =	srdreg.scid;
	s28 =	simm.s32 $0xA800  }
0x5: {  	s29 =	simm.s32 $0x100;
	s30 =	simm.s32 $0xAA80;
	[smem:$0x7FF] =	sst s2  }
0x6: {  	s5 =	sshll.u32 s1, $0xC;
	s17 =	sand.u32 $0x1, s4;
	s8 =	smul.u32 $0x5000, s1  }
0x7: {  	s22 =	sshrl.u32 s1, $0x3;
	s24 =	sshll.u32 s1, $0x7;
	s31 =	smul.u32 $0x500, s1  }
0x8: {  	s0 =	sadd.s32 s5, s0;
	s23 =	ssub.s32 $0x2, s17;
	s4 =	smul.u32 $0x50000, s22  }
0x9: {  	s7 =	sshll.u32 s17, $0x10;
	_ =	strace $0x80000047;
	s5 =	sand.u32 $0x380, s24  }
0xa: {  	s19 =	sshll.u32 s17, $0x7;
	s24 =	simm.s32 $0x8000;
	s6 =	sshrl.u32 s23, $0x1  }
0xb: {  	s0 =	sadd.s32 s7, s0;
	s25 =	sshrl.u32 s8, $0x2;
	s4 =	sshrl.u32 s4, $0x2  }
0xc: {  	s22 =	ssub.s32 s23, s6;
	s23 =	simm.s32 $0x1;
	s26 =	sadd.s32 s4, s3  }
0xd: {  	s3 =	sadd.s32 s25, s3;
	s4 =	sadd.s32 $0x1C00, s0;
	s0 =	sor.u32 s19, s31  }
0xe: {  	s22 =	smax.u32 s22, $0x1;
	s25 =	simm.s32 $0x80;
	s5 =	sadd.s32 s5, s26  }
0xf: {  	s6 =	sadd.s32 $0x80, s3;
	s7 =	sadd.s32 $0x100, s3;
	s8 =	sadd.s32 $0x180, s3  }
0x10: {  	s9 =	sadd.s32 $0x200, s3;
	s10 =	sadd.s32 $0x280, s3;
	s11 =	sadd.s32 $0x300, s3  }
0x11: {  	s12 =	sadd.s32 $0x380, s3;
	s13 =	sadd.s32 $0x14000, s3;
	s14 =	sadd.s32 $0x14080, s3  }
0x12: {  	s15 =	sadd.s32 $0x14100, s3;
	s16 =	sadd.s32 $0x14180, s3;
	s17 =	sadd.s32 $0x14200, s3  }
0x13: {  	s18 =	sadd.s32 $0x14280, s3;
	s19 =	sadd.s32 $0x14300, s3;
	s0 =	sshrl.u32 s0, $0x3  }
0x14: {  	v0 =	vimm.f32 $0.0e+00;
	v1 =	vimm.f32 $1.000000000e+00;
	s20 =	sadd.s32 $0x14380, s3;
	s26 =	simm.s32 $0x400;
	s21 =	sadd.s32 s21, s0  }
.LBB2_1:
0x15: {  	s0 =	simm.s32 $0x40;
	s31 =	simm.s32 $0x0  }
.LBB2_2:
0x16: {  	p0 =	sne.s32 s0, $0x9FC0;
	[tilespmem:s31+$0x8000] =	vst v0;
	s31 =	smov.u32 s0;
	s0 =	sadd.s32 $0x40, s0  }
.Ltmp0:
0x17: {  	(pc) =	sbr.rel @p0 .LBB2_2-.Ltmp0, $2  }
0x18: {  	_ =	sdelay $0x2  }
0x19: {  	s31 =	sshra.s32 s31, $0x2  }
0x1a: {  	[tilespmem:s31+$0x8000] =	vst v0;
	s31 =	simm.s32 $0x0  }
0x1b: {  	[tilespmem:s31], [sflag:$0x1] =	stream.linear.gather [hbm4b:s4+s31], $0x7D00, $0x38;
	[tilespmem:$0xD500] =	vst v63  }
0x1c: {  	_ =	swait.ge [sflag:s23], $0x7D00  }
0x1d: {  	[sflag:s23] =	ssyncset.done $0x0  }
0x1e: {  	[sflag:s23] =	ssyncadd.s32 $0xFFFF8300  }
.LBB2_4:
0x1f: {  	s0 =	sshra.s32 s31, $0x2  }
0x20: {  	v2 =	vld [tilespmem:s0+$0x0];
	_ =	sdelay $0x7  }
0x21: {  	[tilespmem:v2+s24+$0x0] =	vst.idx.add.f32.msk $0xffff, v1  }
0x22: {  	v2 =	vld [tilespmem:s0+$0x10];
	_ =	sdelay $0x7  }
0x23: {  	[tilespmem:v2+s24+$0x0] =	vst.idx.add.f32.msk $0xffff, v1  }
0x24: {  	v2 =	vld [tilespmem:s0+$0x20];
	_ =	sdelay $0x7  }
0x25: {  	[tilespmem:v2+s24+$0x0] =	vst.idx.add.f32.msk $0xffff, v1  }
0x26: {  	v2 =	vld [tilespmem:s0+$0x30];
	_ =	sdelay $0x7  }
0x27: {  	[tilespmem:v2+s24+$0x0] =	vst.idx.add.f32.msk $0xffff, v1  }
0x28: {  	v2 =	vld [tilespmem:s0+$0x40];
	_ =	sdelay $0x2  }
0x29: {  	p0 =	sne.s32 s31, $0x1F200  }
.Ltmp1:
0x2a: {  	_ = 	snop;
	(pc) =	sbr.rel @p0 .LBB2_4-.Ltmp1, $2  }
0x2b: {  	_ =	sdelay $0x2  }
0x2c: {  	s31 =	sadd.s32 $0x200, s31;
	[tilespmem:v2+s24+$0x0] =	vst.idx.add.f32.msk $0xffff, v1  }
0x2d: {  	[spmem:s5] =	stream.strided.scatter [tilespmem:s24], [sflag:$0x1], $0x2800, s26, s25, $0x38;
	[tilespmem:$0xD500] =	vst v63  }
0x2e: {  	_ =	swait.ge [sflag:s23], $0x2800  }
0x2f: {  	[sflag:s23] =	ssyncset.done $0x0  }
0x30: {  	[sflag:s23] =	ssyncadd.s32 $0xFFFFD800  }
0x31: {  	[bflag:$0x0] =	sbarrier.arrive $0xFFFF  }
0x32: {  	[tilespmem:$0xAA80] =	vst v0  }
0x33: {  	[tilespmem:$0xAA90] =	vst v0  }
0x34: {  	[tilespmem:$0xAAA0] =	vst v0  }
0x35: {  	[tilespmem:$0xAAB0] =	vst v0  }
0x36: {  	[tilespmem:$0xAAC0] =	vst v0  }
0x37: {  	[tilespmem:$0xAAD0] =	vst v0  }
0x38: {  	[tilespmem:$0xAAE0] =	vst v0  }
0x39: {  	[tilespmem:$0xAAF0] =	vst v0  }
0x3a: {  	[tilespmem:$0xAB00] =	vst v0  }
0x3b: {  	[tilespmem:$0xAB10] =	vst v0  }
0x3c: {  	[tilespmem:$0xAB20] =	vst v0  }
0x3d: {  	[tilespmem:$0xAB30] =	vst v0  }
0x3e: {  	[tilespmem:$0xAB40] =	vst v0  }
0x3f: {  	[tilespmem:$0xAB50] =	vst v0  }
0x40: {  	[tilespmem:$0xAB60] =	vst v0  }
0x41: {  	[tilespmem:$0xAB70] =	vst v0  }
0x42: {  	[tilespmem:$0xAB80] =	vst v0  }
0x43: {  	[tilespmem:$0xAB90] =	vst v0  }
0x44: {  	[tilespmem:$0xABA0] =	vst v0  }
0x45: {  	[tilespmem:$0xABB0] =	vst v0  }
0x46: {  	[tilespmem:$0xABC0] =	vst v0  }
0x47: {  	[tilespmem:$0xABD0] =	vst v0  }
0x48: {  	[tilespmem:$0xABE0] =	vst v0  }
0x49: {  	[tilespmem:$0xABF0] =	vst v0  }
0x4a: {  	[tilespmem:$0xAC00] =	vst v0  }
0x4b: {  	[tilespmem:$0xAC10] =	vst v0  }
0x4c: {  	[tilespmem:$0xAC20] =	vst v0  }
0x4d: {  	[tilespmem:$0xAC30] =	vst v0  }
0x4e: {  	[tilespmem:$0xAC40] =	vst v0  }
0x4f: {  	[tilespmem:$0xAC50] =	vst v0  }
0x50: {  	[tilespmem:$0xAC60] =	vst v0  }
0x51: {  	[tilespmem:$0xAC70] =	vst v0  }
0x52: {  	[tilespmem:$0xAC80] =	vst v0  }
0x53: {  	[tilespmem:$0xAC90] =	vst v0  }
0x54: {  	[tilespmem:$0xACA0] =	vst v0  }
0x55: {  	[tilespmem:$0xACB0] =	vst v0  }
0x56: {  	[tilespmem:$0xACC0] =	vst v0  }
0x57: {  	[tilespmem:$0xACD0] =	vst v0  }
0x58: {  	[tilespmem:$0xACE0] =	vst v0  }
0x59: {  	[tilespmem:$0xACF0] =	vst v0  }
0x5a: {  	[tilespmem:s28], [sflag:$0x1] =	stream.strided.gather [spmem:s3], $0x280, s26, s25, $0x38;
	[tilespmem:$0xD500] =	vst v63  }
0x5b: {  	_ =	swait.ge [sflag:s23], $0x280  }
0x5c: {  	[sflag:s23] =	ssyncset.done $0x0  }
0x5d: {  	s31 =	simm.s32 $0x0;
	[sflag:s23] =	ssyncadd.s32 $0xFFFFFD80  }
0x5e: {  	s0 =	simm.s32 $0x40;
	v2 =	vld [tilespmem:s31+$0xA800]  }
.LBB2_6:
0x5f: {  	p0 =	sne.s32 s0, $0x9C0;
	v3 =	vld [tilespmem:s31+$0xAA80];
	_ =	sdelay $0x2  }
.Ltmp2:
0x60: {  	(pc) =	sbr.rel @p0 .LBB2_6-.Ltmp2, $4  }
0x61: {  	_ = 	snop  }
0x62: {  	v3 =	vadd.f32 v2, v3  }
0x63: {  	s1 =	sshra.s32 s0, $0x2  }
0x64: {  	s0 =	sadd.s32 $0x40, s0;
	v2 =	vld [tilespmem:s1+$0xA800];
	[tilespmem:s31+$0xAA80] =	vst v3;
	s31 =	smov.u32 s1  }
0x65: {  	v3 =	vld [tilespmem:s31+$0xAA80];
	_ =	sdelay $0x4  }
0x66: {  	v2 =	vadd.f32 v2, v3;
	_ =	sdelay $0x1  }
0x67: {  	[tilespmem:s31+$0xAA80] =	vst v2  }
0x68: {  	[tilespmem:s28], [sflag:$0x1] =	stream.strided.gather [spmem:s6], $0x280, s26, s25, $0x38;
	[tilespmem:$0xD500] =	vst v63  }
0x69: {  	_ =	swait.ge [sflag:s23], $0x280  }
0x6a: {  	[sflag:s23] =	ssyncset.done $0x0  }
0x6b: {  	s31 =	simm.s32 $0x0;
	[sflag:s23] =	ssyncadd.s32 $0xFFFFFD80  }
0x6c: {  	s0 =	simm.s32 $0x40;
	v2 =	vld [tilespmem:s31+$0xA800]  }
.LBB2_8:
0x6d: {  	p0 =	sne.s32 s0, $0x9C0;
	v3 =	vld [tilespmem:s31+$0xAA80];
	_ =	sdelay $0x2  }
.Ltmp3:
0x6e: {  	(pc) =	sbr.rel @p0 .LBB2_8-.Ltmp3, $4  }
0x6f: {  	_ = 	snop  }
0x70: {  	v3 =	vadd.f32 v2, v3  }
0x71: {  	s1 =	sshra.s32 s0, $0x2  }
0x72: {  	s0 =	sadd.s32 $0x40, s0;
	v2 =	vld [tilespmem:s1+$0xA800];
	[tilespmem:s31+$0xAA80] =	vst v3;
	s31 =	smov.u32 s1  }
0x73: {  	v3 =	vld [tilespmem:s31+$0xAA80];
	_ =	sdelay $0x4  }
0x74: {  	v2 =	vadd.f32 v2, v3;
	_ =	sdelay $0x1  }
0x75: {  	[tilespmem:s31+$0xAA80] =	vst v2  }
0x76: {  	[tilespmem:s28], [sflag:$0x1] =	stream.strided.gather [spmem:s7], $0x280, s26, s25, $0x38;
	[tilespmem:$0xD500] =	vst v63  }
0x77: {  	_ =	swait.ge [sflag:s23], $0x280  }
0x78: {  	[sflag:s23] =	ssyncset.done $0x0  }
0x79: {  	s31 =	simm.s32 $0x0;
	[sflag:s23] =	ssyncadd.s32 $0xFFFFFD80  }
0x7a: {  	s0 =	simm.s32 $0x40;
	v2 =	vld [tilespmem:s31+$0xA800]  }
.LBB2_10:
0x7b: {  	p0 =	sne.s32 s0, $0x9C0;
	v3 =	vld [tilespmem:s31+$0xAA80];
	_ =	sdelay $0x2  }
.Ltmp4:
0x7c: {  	(pc) =	sbr.rel @p0 .LBB2_10-.Ltmp4, $4  }
0x7d: {  	_ = 	snop  }
0x7e: {  	v3 =	vadd.f32 v2, v3  }
0x7f: {  	s1 =	sshra.s32 s0, $0x2  }
0x80: {  	s0 =	sadd.s32 $0x40, s0;
	v2 =	vld [tilespmem:s1+$0xA800];
	[tilespmem:s31+$0xAA80] =	vst v3;
	s31 =	smov.u32 s1  }
0x81: {  	v3 =	vld [tilespmem:s31+$0xAA80];
	_ =	sdelay $0x4  }
0x82: {  	v2 =	vadd.f32 v2, v3;
	_ =	sdelay $0x1  }
0x83: {  	[tilespmem:s31+$0xAA80] =	vst v2  }
0x84: {  	[tilespmem:s28], [sflag:$0x1] =	stream.strided.gather [spmem:s8], $0x280, s26, s25, $0x38;
	[tilespmem:$0xD500] =	vst v63  }
0x85: {  	_ =	swait.ge [sflag:s23], $0x280  }
0x86: {  	[sflag:s23] =	ssyncset.done $0x0  }
0x87: {  	s31 =	simm.s32 $0x0;
	[sflag:s23] =	ssyncadd.s32 $0xFFFFFD80  }
0x88: {  	s0 =	simm.s32 $0x40;
	v2 =	vld [tilespmem:s31+$0xA800]  }
.LBB2_12:
0x89: {  	p0 =	sne.s32 s0, $0x9C0;
	v3 =	vld [tilespmem:s31+$0xAA80];
	_ =	sdelay $0x2  }
.Ltmp5:
0x8a: {  	(pc) =	sbr.rel @p0 .LBB2_12-.Ltmp5, $4  }
0x8b: {  	_ = 	snop  }
0x8c: {  	v3 =	vadd.f32 v2, v3  }
0x8d: {  	s1 =	sshra.s32 s0, $0x2  }
0x8e: {  	s0 =	sadd.s32 $0x40, s0;
	v2 =	vld [tilespmem:s1+$0xA800];
	[tilespmem:s31+$0xAA80] =	vst v3;
	s31 =	smov.u32 s1  }
0x8f: {  	v3 =	vld [tilespmem:s31+$0xAA80];
	_ =	sdelay $0x4  }
0x90: {  	v2 =	vadd.f32 v2, v3;
	_ =	sdelay $0x1  }
0x91: {  	[tilespmem:s31+$0xAA80] =	vst v2  }
0x92: {  	[tilespmem:s28], [sflag:$0x1] =	stream.strided.gather [spmem:s9], $0x280, s26, s25, $0x38;
	[tilespmem:$0xD500] =	vst v63  }
0x93: {  	_ =	swait.ge [sflag:s23], $0x280  }
0x94: {  	[sflag:s23] =	ssyncset.done $0x0  }
0x95: {  	s31 =	simm.s32 $0x0;
	[sflag:s23] =	ssyncadd.s32 $0xFFFFFD80  }
0x96: {  	s0 =	simm.s32 $0x40;
	v2 =	vld [tilespmem:s31+$0xA800]  }
.LBB2_14:
0x97: {  	p0 =	sne.s32 s0, $0x9C0;
	v3 =	vld [tilespmem:s31+$0xAA80];
	_ =	sdelay $0x2  }
.Ltmp6:
0x98: {  	(pc) =	sbr.rel @p0 .LBB2_14-.Ltmp6, $4  }
0x99: {  	_ = 	snop  }
0x9a: {  	v3 =	vadd.f32 v2, v3  }
0x9b: {  	s1 =	sshra.s32 s0, $0x2  }
0x9c: {  	s0 =	sadd.s32 $0x40, s0;
	v2 =	vld [tilespmem:s1+$0xA800];
	[tilespmem:s31+$0xAA80] =	vst v3;
	s31 =	smov.u32 s1  }
0x9d: {  	v3 =	vld [tilespmem:s31+$0xAA80];
	_ =	sdelay $0x4  }
0x9e: {  	v2 =	vadd.f32 v2, v3;
	_ =	sdelay $0x1  }
0x9f: {  	[tilespmem:s31+$0xAA80] =	vst v2  }
0xa0: {  	[tilespmem:s28], [sflag:$0x1] =	stream.strided.gather [spmem:s10], $0x280, s26, s25, $0x38;
	[tilespmem:$0xD500] =	vst v63  }
0xa1: {  	_ =	swait.ge [sflag:s23], $0x280  }
0xa2: {  	[sflag:s23] =	ssyncset.done $0x0  }
0xa3: {  	s31 =	simm.s32 $0x0;
	[sflag:s23] =	ssyncadd.s32 $0xFFFFFD80  }
0xa4: {  	s0 =	simm.s32 $0x40;
	v2 =	vld [tilespmem:s31+$0xA800]  }
.LBB2_16:
0xa5: {  	p0 =	sne.s32 s0, $0x9C0;
	v3 =	vld [tilespmem:s31+$0xAA80];
	_ =	sdelay $0x2  }
.Ltmp7:
0xa6: {  	(pc) =	sbr.rel @p0 .LBB2_16-.Ltmp7, $4  }
0xa7: {  	_ = 	snop  }
0xa8: {  	v3 =	vadd.f32 v2, v3  }
0xa9: {  	s1 =	sshra.s32 s0, $0x2  }
0xaa: {  	s0 =	sadd.s32 $0x40, s0;
	v2 =	vld [tilespmem:s1+$0xA800];
	[tilespmem:s31+$0xAA80] =	vst v3;
	s31 =	smov.u32 s1  }
0xab: {  	v3 =	vld [tilespmem:s31+$0xAA80];
	_ =	sdelay $0x4  }
0xac: {  	v2 =	vadd.f32 v2, v3;
	_ =	sdelay $0x1  }
0xad: {  	[tilespmem:s31+$0xAA80] =	vst v2  }
0xae: {  	[tilespmem:s28], [sflag:$0x1] =	stream.strided.gather [spmem:s11], $0x280, s26, s25, $0x38;
	[tilespmem:$0xD500] =	vst v63  }
0xaf: {  	_ =	swait.ge [sflag:s23], $0x280  }
0xb0: {  	[sflag:s23] =	ssyncset.done $0x0  }
0xb1: {  	s31 =	simm.s32 $0x0;
	[sflag:s23] =	ssyncadd.s32 $0xFFFFFD80  }
0xb2: {  	s0 =	simm.s32 $0x40;
	v2 =	vld [tilespmem:s31+$0xA800]  }
.LBB2_18:
0xb3: {  	p0 =	sne.s32 s0, $0x9C0;
	v3 =	vld [tilespmem:s31+$0xAA80];
	_ =	sdelay $0x2  }
.Ltmp8:
0xb4: {  	(pc) =	sbr.rel @p0 .LBB2_18-.Ltmp8, $4  }
0xb5: {  	_ = 	snop  }
0xb6: {  	v3 =	vadd.f32 v2, v3  }
0xb7: {  	s1 =	sshra.s32 s0, $0x2  }
0xb8: {  	s0 =	sadd.s32 $0x40, s0;
	v2 =	vld [tilespmem:s1+$0xA800];
	[tilespmem:s31+$0xAA80] =	vst v3;
	s31 =	smov.u32 s1  }
0xb9: {  	v3 =	vld [tilespmem:s31+$0xAA80];
	_ =	sdelay $0x4  }
0xba: {  	v2 =	vadd.f32 v2, v3;
	_ =	sdelay $0x1  }
0xbb: {  	[tilespmem:s31+$0xAA80] =	vst v2  }
0xbc: {  	[tilespmem:s28], [sflag:$0x1] =	stream.strided.gather [spmem:s12], $0x280, s26, s25, $0x38;
	[tilespmem:$0xD500] =	vst v63  }
0xbd: {  	_ =	swait.ge [sflag:s23], $0x280  }
0xbe: {  	[sflag:s23] =	ssyncset.done $0x0  }
0xbf: {  	s31 =	simm.s32 $0x0;
	[sflag:s23] =	ssyncadd.s32 $0xFFFFFD80  }
0xc0: {  	s0 =	simm.s32 $0x40;
	v2 =	vld [tilespmem:s31+$0xA800]  }
.LBB2_20:
0xc1: {  	p0 =	sne.s32 s0, $0x9C0;
	v3 =	vld [tilespmem:s31+$0xAA80];
	_ =	sdelay $0x2  }
.Ltmp9:
0xc2: {  	(pc) =	sbr.rel @p0 .LBB2_20-.Ltmp9, $4  }
0xc3: {  	_ = 	snop  }
0xc4: {  	v3 =	vadd.f32 v2, v3  }
0xc5: {  	s1 =	sshra.s32 s0, $0x2  }
0xc6: {  	s0 =	sadd.s32 $0x40, s0;
	v2 =	vld [tilespmem:s1+$0xA800];
	[tilespmem:s31+$0xAA80] =	vst v3;
	s31 =	smov.u32 s1  }
0xc7: {  	v3 =	vld [tilespmem:s31+$0xAA80];
	_ =	sdelay $0x4  }
0xc8: {  	v2 =	vadd.f32 v2, v3;
	_ =	sdelay $0x1  }
0xc9: {  	[tilespmem:s31+$0xAA80] =	vst v2  }
0xca: {  	[tilespmem:s28], [sflag:$0x1] =	stream.strided.gather [spmem:s13], $0x280, s26, s25, $0x38;
	[tilespmem:$0xD500] =	vst v63  }
0xcb: {  	_ =	swait.ge [sflag:s23], $0x280  }
0xcc: {  	[sflag:s23] =	ssyncset.done $0x0  }
0xcd: {  	s31 =	simm.s32 $0x0;
	[sflag:s23] =	ssyncadd.s32 $0xFFFFFD80  }
0xce: {  	s0 =	simm.s32 $0x40;
	v2 =	vld [tilespmem:s31+$0xA800]  }
.LBB2_22:
0xcf: {  	p0 =	sne.s32 s0, $0x9C0;
	v3 =	vld [tilespmem:s31+$0xAA80];
	_ =	sdelay $0x2  }
.Ltmp10:
0xd0: {  	(pc) =	sbr.rel @p0 .LBB2_22-.Ltmp10, $4  }
0xd1: {  	_ = 	snop  }
0xd2: {  	v3 =	vadd.f32 v2, v3  }
0xd3: {  	s1 =	sshra.s32 s0, $0x2  }
0xd4: {  	s0 =	sadd.s32 $0x40, s0;
	v2 =	vld [tilespmem:s1+$0xA800];
	[tilespmem:s31+$0xAA80] =	vst v3;
	s31 =	smov.u32 s1  }
0xd5: {  	v3 =	vld [tilespmem:s31+$0xAA80];
	_ =	sdelay $0x4  }
0xd6: {  	v2 =	vadd.f32 v2, v3;
	_ =	sdelay $0x1  }
0xd7: {  	[tilespmem:s31+$0xAA80] =	vst v2  }
0xd8: {  	[tilespmem:s28], [sflag:$0x1] =	stream.strided.gather [spmem:s14], $0x280, s26, s25, $0x38;
	[tilespmem:$0xD500] =	vst v63  }
0xd9: {  	_ =	swait.ge [sflag:s23], $0x280  }
0xda: {  	[sflag:s23] =	ssyncset.done $0x0  }
0xdb: {  	s31 =	simm.s32 $0x0;
	[sflag:s23] =	ssyncadd.s32 $0xFFFFFD80  }
0xdc: {  	s0 =	simm.s32 $0x40;
	v2 =	vld [tilespmem:s31+$0xA800]  }
.LBB2_24:
0xdd: {  	p0 =	sne.s32 s0, $0x9C0;
	v3 =	vld [tilespmem:s31+$0xAA80];
	_ =	sdelay $0x2  }
.Ltmp11:
0xde: {  	(pc) =	sbr.rel @p0 .LBB2_24-.Ltmp11, $4  }
0xdf: {  	_ = 	snop  }
0xe0: {  	v3 =	vadd.f32 v2, v3  }
0xe1: {  	s1 =	sshra.s32 s0, $0x2  }
0xe2: {  	s0 =	sadd.s32 $0x40, s0;
	v2 =	vld [tilespmem:s1+$0xA800];
	[tilespmem:s31+$0xAA80] =	vst v3;
	s31 =	smov.u32 s1  }
0xe3: {  	v3 =	vld [tilespmem:s31+$0xAA80];
	_ =	sdelay $0x4  }
0xe4: {  	v2 =	vadd.f32 v2, v3;
	_ =	sdelay $0x1  }
0xe5: {  	[tilespmem:s31+$0xAA80] =	vst v2  }
0xe6: {  	[tilespmem:s28], [sflag:$0x1] =	stream.strided.gather [spmem:s15], $0x280, s26, s25, $0x38;
	[tilespmem:$0xD500] =	vst v63  }
0xe7: {  	_ =	swait.ge [sflag:s23], $0x280  }
0xe8: {  	[sflag:s23] =	ssyncset.done $0x0  }
0xe9: {  	s31 =	simm.s32 $0x0;
	[sflag:s23] =	ssyncadd.s32 $0xFFFFFD80  }
0xea: {  	s0 =	simm.s32 $0x40;
	v2 =	vld [tilespmem:s31+$0xA800]  }
.LBB2_26:
0xeb: {  	p0 =	sne.s32 s0, $0x9C0;
	v3 =	vld [tilespmem:s31+$0xAA80];
	_ =	sdelay $0x2  }
.Ltmp12:
0xec: {  	(pc) =	sbr.rel @p0 .LBB2_26-.Ltmp12, $4  }
0xed: {  	_ = 	snop  }
0xee: {  	v3 =	vadd.f32 v2, v3  }
0xef: {  	s1 =	sshra.s32 s0, $0x2  }
0xf0: {  	s0 =	sadd.s32 $0x40, s0;
	v2 =	vld [tilespmem:s1+$0xA800];
	[tilespmem:s31+$0xAA80] =	vst v3;
	s31 =	smov.u32 s1  }
0xf1: {  	v3 =	vld [tilespmem:s31+$0xAA80];
	_ =	sdelay $0x4  }
0xf2: {  	v2 =	vadd.f32 v2, v3;
	_ =	sdelay $0x1  }
0xf3: {  	[tilespmem:s31+$0xAA80] =	vst v2  }
0xf4: {  	[tilespmem:s28], [sflag:$0x1] =	stream.strided.gather [spmem:s16], $0x280, s26, s25, $0x38;
	[tilespmem:$0xD500] =	vst v63  }
0xf5: {  	_ =	swait.ge [sflag:s23], $0x280  }
0xf6: {  	[sflag:s23] =	ssyncset.done $0x0  }
0xf7: {  	s31 =	simm.s32 $0x0;
	[sflag:s23] =	ssyncadd.s32 $0xFFFFFD80  }
0xf8: {  	s0 =	simm.s32 $0x40;
	v2 =	vld [tilespmem:s31+$0xA800]  }
.LBB2_28:
0xf9: {  	p0 =	sne.s32 s0, $0x9C0;
	v3 =	vld [tilespmem:s31+$0xAA80];
	_ =	sdelay $0x2  }
.Ltmp13:
0xfa: {  	(pc) =	sbr.rel @p0 .LBB2_28-.Ltmp13, $4  }
0xfb: {  	_ = 	snop  }
0xfc: {  	v3 =	vadd.f32 v2, v3  }
0xfd: {  	s1 =	sshra.s32 s0, $0x2  }
0xfe: {  	s0 =	sadd.s32 $0x40, s0;
	v2 =	vld [tilespmem:s1+$0xA800];
	[tilespmem:s31+$0xAA80] =	vst v3;
	s31 =	smov.u32 s1  }
0xff: {  	v3 =	vld [tilespmem:s31+$0xAA80];
	_ =	sdelay $0x4  }
0x100: {  	v2 =	vadd.f32 v2, v3;
	_ =	sdelay $0x1  }
0x101: {  	[tilespmem:s31+$0xAA80] =	vst v2  }
0x102: {  	[tilespmem:s28], [sflag:$0x1] =	stream.strided.gather [spmem:s17], $0x280, s26, s25, $0x38;
	[tilespmem:$0xD500] =	vst v63  }
0x103: {  	_ =	swait.ge [sflag:s23], $0x280  }
0x104: {  	[sflag:s23] =	ssyncset.done $0x0  }
0x105: {  	s31 =	simm.s32 $0x0;
	[sflag:s23] =	ssyncadd.s32 $0xFFFFFD80  }
0x106: {  	s0 =	simm.s32 $0x40;
	v2 =	vld [tilespmem:s31+$0xA800]  }
.LBB2_30:
0x107: {  	p0 =	sne.s32 s0, $0x9C0;
	v3 =	vld [tilespmem:s31+$0xAA80];
	_ =	sdelay $0x2  }
.Ltmp14:
0x108: {  	(pc) =	sbr.rel @p0 .LBB2_30-.Ltmp14, $4  }
0x109: {  	_ = 	snop  }
0x10a: {  	v3 =	vadd.f32 v2, v3  }
0x10b: {  	s1 =	sshra.s32 s0, $0x2  }
0x10c: {  	s0 =	sadd.s32 $0x40, s0;
	v2 =	vld [tilespmem:s1+$0xA800];
	[tilespmem:s31+$0xAA80] =	vst v3;
	s31 =	smov.u32 s1  }
0x10d: {  	v3 =	vld [tilespmem:s31+$0xAA80];
	_ =	sdelay $0x4  }
0x10e: {  	v2 =	vadd.f32 v2, v3;
	_ =	sdelay $0x1  }
0x10f: {  	[tilespmem:s31+$0xAA80] =	vst v2  }
0x110: {  	[tilespmem:s28], [sflag:$0x1] =	stream.strided.gather [spmem:s18], $0x280, s26, s25, $0x38;
	[tilespmem:$0xD500] =	vst v63  }
0x111: {  	_ =	swait.ge [sflag:s23], $0x280  }
0x112: {  	[sflag:s23] =	ssyncset.done $0x0  }
0x113: {  	s31 =	simm.s32 $0x0;
	[sflag:s23] =	ssyncadd.s32 $0xFFFFFD80  }
0x114: {  	s0 =	simm.s32 $0x40;
	v2 =	vld [tilespmem:s31+$0xA800]  }
.LBB2_32:
0x115: {  	p0 =	sne.s32 s0, $0x9C0;
	v3 =	vld [tilespmem:s31+$0xAA80];
	_ =	sdelay $0x2  }
.Ltmp15:
0x116: {  	(pc) =	sbr.rel @p0 .LBB2_32-.Ltmp15, $4  }
0x117: {  	_ = 	snop  }
0x118: {  	v3 =	vadd.f32 v2, v3  }
0x119: {  	s1 =	sshra.s32 s0, $0x2  }
0x11a: {  	s0 =	sadd.s32 $0x40, s0;
	v2 =	vld [tilespmem:s1+$0xA800];
	[tilespmem:s31+$0xAA80] =	vst v3;
	s31 =	smov.u32 s1  }
0x11b: {  	v3 =	vld [tilespmem:s31+$0xAA80];
	_ =	sdelay $0x4  }
0x11c: {  	v2 =	vadd.f32 v2, v3;
	_ =	sdelay $0x1  }
0x11d: {  	[tilespmem:s31+$0xAA80] =	vst v2  }
0x11e: {  	[tilespmem:s28], [sflag:$0x1] =	stream.strided.gather [spmem:s19], $0x280, s26, s25, $0x38;
	[tilespmem:$0xD500] =	vst v63  }
0x11f: {  	_ =	swait.ge [sflag:s23], $0x280  }
0x120: {  	[sflag:s23] =	ssyncset.done $0x0  }
0x121: {  	s31 =	simm.s32 $0x0;
	[sflag:s23] =	ssyncadd.s32 $0xFFFFFD80  }
0x122: {  	s0 =	simm.s32 $0x40;
	v2 =	vld [tilespmem:s31+$0xA800]  }
.LBB2_34:
0x123: {  	p0 =	sne.s32 s0, $0x9C0;
	v3 =	vld [tilespmem:s31+$0xAA80];
	_ =	sdelay $0x2  }
.Ltmp16:
0x124: {  	(pc) =	sbr.rel @p0 .LBB2_34-.Ltmp16, $4  }
0x125: {  	_ = 	snop  }
0x126: {  	v3 =	vadd.f32 v2, v3  }
0x127: {  	s1 =	sshra.s32 s0, $0x2  }
0x128: {  	s0 =	sadd.s32 $0x40, s0;
	v2 =	vld [tilespmem:s1+$0xA800];
	[tilespmem:s31+$0xAA80] =	vst v3;
	s31 =	smov.u32 s1  }
0x129: {  	v3 =	vld [tilespmem:s31+$0xAA80];
	_ =	sdelay $0x4  }
0x12a: {  	v2 =	vadd.f32 v2, v3;
	_ =	sdelay $0x1  }
0x12b: {  	[tilespmem:s31+$0xAA80] =	vst v2  }
0x12c: {  	[tilespmem:s28], [sflag:$0x1] =	stream.strided.gather [spmem:s20], $0x280, s26, s25, $0x38;
	[tilespmem:$0xD500] =	vst v63  }
0x12d: {  	_ =	swait.ge [sflag:s23], $0x280  }
0x12e: {  	[sflag:s23] =	ssyncset.done $0x0  }
0x12f: {  	s31 =	simm.s32 $0x0;
	[sflag:s23] =	ssyncadd.s32 $0xFFFFFD80  }
0x130: {  	s0 =	simm.s32 $0x40;
	v2 =	vld [tilespmem:s31+$0xA800]  }
.LBB2_36:
0x131: {  	p0 =	sne.s32 s0, $0x9C0;
	v3 =	vld [tilespmem:s31+$0xAA80];
	_ =	sdelay $0x2  }
.Ltmp17:
0x132: {  	(pc) =	sbr.rel @p0 .LBB2_36-.Ltmp17, $4  }
0x133: {  	_ = 	snop  }
0x134: {  	v3 =	vadd.f32 v2, v3  }
0x135: {  	s1 =	sshra.s32 s0, $0x2  }
0x136: {  	s0 =	sadd.s32 $0x40, s0;
	v2 =	vld [tilespmem:s1+$0xA800];
	[tilespmem:s31+$0xAA80] =	vst v3;
	s31 =	smov.u32 s1  }
0x137: {  	v3 =	vld [tilespmem:s31+$0xAA80];
	_ =	sdelay $0x4  }
0x138: {  	s2 =	sadd.s32 $0x1, s2;
	v2 =	vadd.f32 v2, v3  }
0x139: {  	p0 =	sne.s32 s2, s22  }
.Ltmp18:
0x13a: {  	[tilespmem:s31+$0xAA80] =	vst v2;
	(pc) =	sbr.rel @p0 .LBB2_1-.Ltmp18, $4  }
0x13b: {  	[hbm4b:s21+s25] =	stream.strided.scatter [tilespmem:s30], [sflag:$0x1], $0x280, s29, s25, $0x38;
	[tilespmem:$0xD500] =	vst v63  }
0x13c: {  	_ =	swait.ge [sflag:s23], $0x280  }
0x13d: {  	[sflag:s23] =	ssyncset.done $0x0  }
0x13e: {  	[sflag:s23] =	ssyncadd.s32 $0xFFFFFD80  }
0x13f: {  	_ =	sfence.sel $0x180000  }
0x140: {  	[bflag:$0x0] =	sbarrier.arrive $0xFFFF  }
0x141: {  	_ =	strace $0x90000047  }
0x142: {  	s0 =	stileid.u32;
	[bflag:$0x2] =	sbarrier.arrive $0xFFFF  }
0x143: {  	p0 =	sne.s32 s0, $0x0;
	s0 =	rddreg [dreg:$0x3]  }
0x144: {  	s0 =	sadd.s32 @!p0 $0x100000, s0  }
0x145: {  	[sflag:s0] =	ssyncadd.tile.s32 @!p0 $0x1;
	_ =	shalt  }
.Lfunc_end2:
_tile_overlayer_lowered:
.L_overlay_start_2:
0x146: {  	(tag) =	ssettag $0x2  }
0x147: {  	s0 =	rddreg [dreg:$0x0];
	s2 =	stileid.u32  }
0x148: {  	s1 =	rddreg [dreg:$0x1];
	p0 =	sne.s32 s2, $0x0  }
0x149: {  	s3 =	rddreg [dreg:$0x2];
	[bflag:$0x3] =	sbarrier.arrive $0xFFFF;
	s2 =	simm.s32 @!p0 $0x1C01  }
0x14a: {  	[timem:s3], [sflag:s2] =	dma.local @!p0 [hbm:s0], s1  }
0x14b: {  	s0 =	simm.s32 @!p0 $0x1  }
0x14c: {  	_ =	swait.ge @!p0 [sflag:s0], s1  }
0x14d: {  	s1 =	ssub.s32 @!p0 $0x0, s1;
	[sflag:s0] =	ssyncset.done @!p0 $0x0  }
0x14e: {  	[sflag:s0] =	ssyncadd.s32 @!p0 s1  }
0x14f: {  	[bflag:$0x3] =	sbarrier.arrive $0xFFFF  }
0x150: {  	_ =	shalt  }

// kernel: kernel.9.cloned.1.call-start
scs
__scs_entry_jumppad:
0x0: {  	(pc) =	sbr.rel $0x88, $3  }
0x1: {  	(tag) =	ssettag $0x0;
	lr =	simm.s32 $0x1  }
0x2: {  	[smem:$0x3F97] =	sst lr;
	_ =	strace $0xD0000000  }
0x3: {  	_ = 	snop  }
0x4: {  	_ = 	snop  }
0x5: {  	_ = 	snop  }
0x6: {  	_ = 	snop  }
0x7: {  	_ = 	snop  }
__scs_overlays_trampoline_lowered:
0x8: {  	[smem:$0x3FA6] =	sst s0  }
0x9: {  	[smem:$0x3FA7] =	sst s1  }
0xa: {  	[smem:$0x3FA8] =	sst s2  }
0xb: {  	[smem:$0x3FA9] =	sst s3  }
0xc: {  	[smem:$0x3FAA] =	sst s4  }
0xd: {  	[smem:$0x3FAB] =	sst s5  }
0xe: {  	[smem:$0x3FAC] =	sst s6  }
0xf: {  	[smem:$0x3FAD] =	sst s7  }
0x10: {  	[smem:$0x3FAE] =	sst s8  }
0x11: {  	[smem:$0x3FAF] =	sst s9;
	s0 =	simm.s32 @!p0 $0x0  }
0x12: {  	s1 =	sld [smem:$0x3F95];
	s0 =	simm.s32 @p0 $0x1  }
0x13: {  	[smem:$0x3FB0] =	sst s0;
	s0 =	simm.s32 @!p1 $0x0  }
0x14: {  	s2 =	sld [smem:$0x3F94];
	s0 =	simm.s32 @p1 $0x1  }
0x15: {  	[smem:$0x3FB1] =	sst s0;
	s0 =	simm.s32 @!p2 $0x0  }
0x16: {  	s3 =	sld [smem:$0x3FDB];
	s0 =	simm.s32 @p2 $0x1  }
0x17: {  	s4 =	simm.s32 $0x1BF5;
	[smem:$0x3FB3] =	sst s0  }
0x18: {  	s0 =	sld [smem:$0x3F96];
	_ =	swait.ge [sflag:s4], $0x0  }
0x19: {  	s7 =	sld [smem:$0x3F97]  }
0x1a: {  	s8 =	sadd.s32 $0xFFFFE003, lr  }
0x1b: {  	s9 =	sadd.s32 $0xFFFFFEF7, lr;
	s5 =	simm.s32 $0xFFFFFFFF;
	p2 =	slt.u32 s8, $0xFFFFF086  }
0x1c: {  	p1 =	slt.u32 s9, $0xF7A;
	s5 =	simm.s32 @!p2 $0x0  }
0x1d: {  	s5 =	simm.s32 @p1 $0x1;
	p0 =	seq.s32 s7, s2  }
0x1e: {  	s7 =	smul.u32 @!p0 $0xF7A, s2;
	p2 =	seq.s32 @!p0 s5, $0x0  }
0x1f: {  	s9 =	smul.u32 $0xF7A, s1;
	s8 =	simm.s32 @!p0 $0x1BF5;
	p2 =	por !p2, p0  }
0x20: {  	[sflag:s8] =	ssyncset.s32 @!p0 $0xFFFFF086;
	s6 =	sadd.s32 @!p0 s3, s7;
	s7 =	simm.s32 @!p0 $0x108  }
0x21: {  	s3 =	sadd.s32 s3, s9;
	s6 =	sadd.s32 @!p0 $0x88, s6;
	s7 =	simm.s32 @p2 $0x1082  }
0x22: {  	[simem:s7], [sflag:s8] =	dma.local @!p0 [hbm:s6], $0xF7A  }
0x23: {  	s9 =	sor.u32 $0xD0000000, s2;
	s6 =	simm.s32 $0x108;
	_ =	swait.ge @!p0 [sflag:s8], $0x0  }
0x24: {  	s3 =	sadd.s32 $0x88, s3;
	s6 =	simm.s32 @!p1 $0x1082;
	[sflag:s4] =	ssyncset.s32 $0xFFFFF086  }
0x25: {  	[simem:s6], [sflag:s4] =	dma.local [hbm:s3], $0xF7A  }
0x26: {  	[smem:$0x3F97] =	sst s1;
	(tag) =	ssettag s2;
	_ =	strace s9  }
0x27: {  	s1 =	sld [smem:$0x3FA7]  }
0x28: {  	s2 =	sld [smem:$0x3FA8]  }
0x29: {  	s4 =	sld [smem:$0x3FAA]  }
0x2a: {  	p0 =	seq.s32 s5, $0x0;
	s5 =	sld [smem:$0x3FAB]  }
0x2b: {  	s6 =	sld [smem:$0x3FAC]  }
0x2c: {  	s7 =	sld [smem:$0x3FAD]  }
0x2d: {  	s3 =	simm.s32 $0x108;
	s8 =	sld [smem:$0x3FAE]  }
0x2e: {  	s3 =	simm.s32 @!p0 $0x1082;
	s9 =	sld [smem:$0x3FAF]  }
0x2f: {  	lr =	sadd.s32 s0, s3;
	s0 =	sld [smem:$0x3FA6]  }
0x30: {  	s3 =	sld [smem:$0x3FA9]  }
0x31: {  	[smem:$0x3FB2] =	sst s10  }
0x32: {  	s10 =	sld [smem:$0x3FB0];
	_ =	sdelay $0x3  }
0x33: {  	p0 =	seq.s32 s10, $0x1;
	s10 =	sld [smem:$0x3FB2];
	_ =	sdelay $0x3  }
0x34: {  	[smem:$0x3FB2] =	sst s10  }
0x35: {  	s10 =	sld [smem:$0x3FB1];
	_ =	sdelay $0x3  }
0x36: {  	p1 =	seq.s32 s10, $0x1;
	s10 =	sld [smem:$0x3FB2];
	_ =	sdelay $0x3  }
0x37: {  	[smem:$0x3FB2] =	sst s10  }
0x38: {  	s10 =	sld [smem:$0x3FB3]  }
0x39: {  	_ = 	snop;
	(pc) =	sbr.ind lr, $3  }
0x3a: {  	_ = 	snop  }
0x3b: {  	_ = 	snop  }
0x3c: {  	p2 =	seq.s32 s10, $0x1;
	s10 =	sld [smem:$0x3FB2]  }
0x3d: {  	_ =	shalt  }
0x3e: {  	_ =	shalt  }
0x3f: {  	_ =	shalt  }
0x40: {  	_ =	shalt  }
0x41: {  	_ =	shalt  }
0x42: {  	_ =	shalt  }
0x43: {  	_ =	shalt  }
0x44: {  	_ =	shalt  }
0x45: {  	_ =	shalt  }
0x46: {  	_ =	shalt  }
0x47: {  	_ =	shalt  }
0x48: {  	_ =	shalt  }
0x49: {  	_ =	shalt  }
0x4a: {  	_ =	shalt  }
0x4b: {  	_ =	shalt  }
0x4c: {  	_ =	shalt  }
0x4d: {  	_ =	shalt  }
0x4e: {  	_ =	shalt  }
0x4f: {  	_ =	shalt  }
0x50: {  	_ =	shalt  }
0x51: {  	_ =	shalt  }
0x52: {  	_ =	shalt  }
0x53: {  	_ =	shalt  }
0x54: {  	_ =	shalt  }
0x55: {  	_ =	shalt  }
0x56: {  	_ =	shalt  }
0x57: {  	_ =	shalt  }
0x58: {  	_ =	shalt  }
0x59: {  	_ =	shalt  }
0x5a: {  	_ =	shalt  }
0x5b: {  	_ =	shalt  }
0x5c: {  	_ =	shalt  }
0x5d: {  	_ =	shalt  }
0x5e: {  	_ =	shalt  }
0x5f: {  	_ =	shalt  }
0x60: {  	_ =	shalt  }
0x61: {  	_ =	shalt  }
0x62: {  	_ =	shalt  }
0x63: {  	_ =	shalt  }
0x64: {  	_ =	shalt  }
0x65: {  	_ =	shalt  }
0x66: {  	_ =	shalt  }
0x67: {  	_ =	shalt  }
0x68: {  	_ =	shalt  }
0x69: {  	_ =	shalt  }
0x6a: {  	_ =	shalt  }
0x6b: {  	_ =	shalt  }
0x6c: {  	_ =	shalt  }
0x6d: {  	_ =	shalt  }
0x6e: {  	_ =	shalt  }
0x6f: {  	_ =	shalt  }
0x70: {  	_ =	shalt  }
0x71: {  	_ =	shalt  }
0x72: {  	_ =	shalt  }
0x73: {  	_ =	shalt  }
0x74: {  	_ =	shalt  }
0x75: {  	_ =	shalt  }
0x76: {  	_ =	shalt  }
0x77: {  	_ =	shalt  }
0x78: {  	_ =	shalt  }
0x79: {  	_ =	shalt  }
0x7a: {  	_ =	shalt  }
0x7b: {  	_ =	shalt  }
0x7c: {  	_ =	shalt  }
0x7d: {  	_ =	shalt  }
0x7e: {  	_ =	shalt  }
0x7f: {  	_ =	shalt  }
0x80: {  	_ =	shalt  }
0x81: {  	_ =	shalt  }
0x82: {  	_ =	shalt  }
0x83: {  	_ =	shalt  }
0x84: {  	_ =	shalt  }
0x85: {  	_ =	shalt  }
0x86: {  	_ =	shalt  }
0x87: {  	_ =	shalt  }
.Lfunc_end0:
.L_simem_size_0:
called_computation.1_lowered:
.L_overlay_start_0:
0x88: {  	s2 =	sld [smem:$0x3FD9]  }
0x89: {  	s3 =	sld [smem:$0x3FFE];
	_ =	sdelay $0x1  }
0x8a: {  	s1 =	srdreg.scid  }
0x8b: {  	s0 =	sand.u32 $0x1, s1  }
0x8c: {  	s16 =	sshll.u32 s0, $0xA;
	s2 =	sadd.s32 s3, s2  }
0x8d: {  	s2 =	sadd.s32 s2, s16  }
0x8e: {  	[smem:$0x3FBE] =	sst s2  }
0x8f: {  	_ = 	snop  }
0x90: {  	(tm) =	ssettm $0x1  }
0x91: {  	s17 =	sld [smem:$0x3FFB];
	_ =	sdelay $0x3  }
0x92: {  	_ =	strace s17  }
0x93: {  	s2 =	sld [smem:$0x3FFC];
	_ =	sdelay $0x3  }
0x94: {  	_ =	strace s2  }
0x95: {  	s2 =	sld [smem:$0x3FFD];
	_ =	sdelay $0x3  }
0x96: {  	_ =	strace s2  }
0x97: {  	_ =	strace $0x8FFFFFFF  }
0x98: {  	s18 =	sld [smem:$0x3FDB];
	_ =	sdelay $0x1  }
0x99: {  	s19 =	simm.s32 $_scs_section_size  }
0x9a: {  	s4 =	simm.s32 $_size__tile_overlayer_lowered;
	s5 =	simm.s32 $_tile_overlayer_lowered  }
0x9b: {  	s22 =	simm.s32 $0x1BFF;
	s21 =	sshll.u32 s5, $0x1;
	s2 =	sadd.s32 s19, s18  }
0x9c: {  	s6 =	simm.s32 $0x0;
	s20 =	sshll.u32 s4, $0x1;
	s4 =	sadd.s32 s21, s2  }
0x9d: {  	[timem:s6], [sflag:s22] =	dma.local [hbm:s4], s20  }
0x9e: {  	_ =	swait.ge [sflag:s22], s20  }
0x9f: {  	s3 =	ssub.s32 $0x0, s20;
	[sflag:s22] =	ssyncset.done $0x0  }
0xa0: {  	[sflag:s22] =	ssyncadd.s32 s3;
	_ =	sdelay $0x1  }
0xa1: {  	s23 =	simm.s32 $0x1B8B  }
0xa2: {  	_ =	swait.ge [sflag:s23], $0x1  }
0xa3: {  	[sflag:s23] =	ssyncset.done $0x0  }
0xa4: {  	s25 =	simm.s32 $0x1B8E;
	s24 =	sld [smem:$0x3FFE];
	[sflag:s23] =	ssyncadd.s32 $0xFFFFFFFF  }
0xa5: {  	s26 =	simm.s32 $execute0_lowered;
	[smem:$0x3FD2] =	sst s25  }
0xa6: {  	s4 =	sshll.u32 s26, $0x1;
	_ =	strace $0x80000049;
	[dreg:$0x1] =	wrdreg $0xFFFFFFFF  }
0xa7: {  	s28 =	simm.s32 $_size_execute0_lowered;
	s2 =	sadd.s32 s2, s4;
	[dreg:$0x0] =	wrdreg $0x0  }
0xa8: {  	s4 =	sshll.u32 s28, $0x1;
	[dreg:$0x2] =	wrdreg s2  }
0xa9: {  	[dreg:$0x3] =	wrdreg s4  }
0xaa: {  	[dreg:$0x4] =	wrdreg $0xC0  }
0xab: {  	_ =	task [dreg:s6], $0x5FFFF  }
0xac: {  	[dreg:$0x1] =	wrdreg $0xFFFFFFFF  }
0xad: {  	[dreg:$0x0] =	wrdreg $0x60  }
0xae: {  	[dreg:$0x2] =	wrdreg s24  }
0xaf: {  	[dreg:$0x3] =	wrdreg $0xC4400  }
0xb0: {  	[dreg:$0x4] =	wrdreg $0x9  }
0xb1: {  	_ =	task.clear_ibuf [dreg:s6], $0x5FFFF;
	_ =	strace $0x90000049  }
0xb2: {  	s29 =	simm.s32 $0x9;
	_ =	strace $0x8000004B  }
0xb3: {  	_ =	swait.ge [sflag:s29], $0x1  }
0xb4: {  	[sflag:s29] =	ssyncadd.s32 $0xFFFFFFFF  }
0xb5: {  	_ =	strace $0x9000004B  }
0xb6: {  	_ =	sfence  }
0xb7: {  	s30 =	sld [smem:$0x0];
	_ =	sdelay $0x2  }
0xb8: {  	s31 =	sshll.u32 s1, $0xD;
	s1 =	sshrl.u32 s1, $0x2  }
0xb9: {  	s3 =	sand.u32 $0x4000, s31;
	s1 =	sadd.s32 s1, s30  }
0xba: {  	s0 =	sor.u32 s3, s0;
	s1 =	sshll.u32 s1, $0x11  }
0xbb: {  	s0 =	sor.u32 s1, s0  }
0xbc: {  	s0 =	sadd.s32 $0x8F2B, s0  }
0xbd: {  	[sflag:s0] =	ssyncadd.remote.s32 $0x1  }
0xbe: {  	_ =	sfence.sel $0xFFFF  }
0xbf: {  	[dreg:$0x0] =	wrdreg $0xFFFFFFFF;
	(pc) =	sbr.abs _section_cstart, $3  }
0xc0: {  	[dreg:$0x1] =	wrdreg $0xFFFFFFFF  }
0xc1: {  	_ =	task.clear_ibuf [dreg:s6], $0x2FFFF;
	_ =	strace $0x9FFFFFFF  }
0xc2: {  	(tm) =	ssettm $0x7FFFFFFF  }
0xc3: {  	_ =	shalt  }
tec
execute0_lowered:
.L_overlay_start_1:
0x0: {  	(tag) =	ssettag $0x1  }
0x1: {  	s0 =	srdreg.scid;
	s5 =	rddreg [dreg:$0x0]  }
0x2: {  	s7 =	stileid.u32;
	s2 =	rddreg [dreg:$0x1]  }
0x3: {  	s3 =	simm.s32 $0x0;
	s29 =	simm.s32 $0x50;
	s30 =	simm.s32 $0xB040  }
0x4: {  	s31 =	simm.s32 $0x1;
	s0 =	sand.u32 $0x1, s0;
	s4 =	smul.u32 $0x4E20, s7  }
0x5: {  	[smem:$0x7FF] =	sst s3;
	s14 =	smul.u32 $0x14000, s7;
	s10 =	sadd.s32 $0x35600, s5  }
0x6: {  	s1 =	smul.u32 $0x4E200, s0;
	_ =	strace $0x8000004A;
	s6 =	ssub.s32 $0x2, s0  }
0x7: {  	[dreg:$0x3] =	wrdreg s10;
	s0 =	smul.u32 $0x140000, s0;
	s11 =	sshrl.u32 s6, $0x1  }
0x8: {  	s12 =	sshrl.u32 s14, $0x1;
	s15 =	sor.u32 $0x2800, s14;
	s16 =	sadd.s32 $0x5000, s14  }
0x9: {  	s17 =	sadd.s32 $0x7800, s14;
	s18 =	sadd.s32 $0xA000, s14;
	s19 =	sadd.s32 $0xC800, s14  }
0xa: {  	s20 =	sadd.s32 $0xF000, s14;
	s21 =	sadd.s32 $0x11800, s14;
	s1 =	sadd.s32 s4, s1  }
0xb: {  	s4 =	sadd.s32 $0x49400, s5;
	s24 =	ssub.s32 s6, s11;
	s6 =	sadd.s32 s12, s2  }
0xc: {  	s13 =	sshrl.u32 s15, $0x1;
	s8 =	sshrl.u32 s16, $0x1;
	s9 =	sshrl.u32 s17, $0x1  }
0xd: {  	s10 =	sshrl.u32 s18, $0x1;
	s11 =	sshrl.u32 s19, $0x1;
	s12 =	sshrl.u32 s20, $0x1  }
0xe: {  	s22 =	sadd.s32 s14, s0;
	s15 =	sadd.s32 s0, s15;
	s23 =	sadd.s32 s0, s16  }
0xf: {  	s25 =	sadd.s32 s0, s17;
	s18 =	sadd.s32 s0, s18;
	s26 =	sadd.s32 s0, s19  }
0x10: {  	s28 =	sadd.s32 s0, s20;
	s0 =	sadd.s32 s0, s21;
	s1 =	sshrl.u32 s1, $0x3  }
0x11: {  	s7 =	sadd.s32 s13, s2;
	s8 =	sadd.s32 s8, s2;
	s9 =	sadd.s32 s9, s2  }
0x12: {  	s10 =	sadd.s32 s10, s2;
	s11 =	sadd.s32 s11, s2;
	s12 =	sadd.s32 s12, s2  }
0x13: {  	s13 =	sshrl.u32 s21, $0x1;
	s17 =	sshrl.u32 s22, $0x4;
	s19 =	sshrl.u32 s15, $0x4  }
0x14: {  	s21 =	sshrl.u32 s23, $0x4;
	s22 =	sshrl.u32 s25, $0x4;
	s23 =	sshrl.u32 s18, $0x4  }
0x15: {  	s25 =	sshrl.u32 s26, $0x4;
	s26 =	sshrl.u32 s28, $0x4;
	s0 =	sshrl.u32 s0, $0x4  }
0x16: {  	s24 =	smax.u32 s24, $0x1;
	s28 =	simm.s32 $0x0;
	s1 =	sadd.s32 s1, s5  }
0x17: {  	s5 =	sadd.s32 $0x70600, s5;
	s13 =	sadd.s32 s13, s2;
	s16 =	sadd.s32 $0x35A00, s1  }
0x18: {  	s1 =	sadd.s32 $0x21C00, s1;
	s20 =	sadd.s32 s5, s17;
	s17 =	sadd.s32 s5, s19  }
0x19: {  	s18 =	sadd.s32 s5, s21;
	s19 =	sadd.s32 s5, s22;
	[dreg:$0x4] =	wrdreg s16  }
0x1a: {  	s21 =	sadd.s32 s5, s25;
	s22 =	sadd.s32 s5, s26;
	[dreg:$0x5] =	wrdreg s1  }
0x1b: {  	s25 =	simm.s32 $0x9C40;
	s26 =	simm.s32 $0x3;
	[dreg:$0x6] =	wrdreg s20  }
0x1c: {  	s20 =	sadd.s32 s5, s23;
	s23 =	sadd.s32 s5, s0;
	s1 =	simm.s32 $0x2  }
.LBB2_1:
0x1d: {  	s0 =	rddreg [dreg:$0x3]  }
0x1e: {  	[tilespmem:s25], [sflag:$0x3] =	stream.linear.gather [hbm4b:s0+s3], $0x1400, $0x38;
	[tilespmem:$0x16440] =	vst v63  }
0x1f: {  	_ =	swait.ge [sflag:s26], $0x1400  }
0x20: {  	[sflag:s26] =	ssyncset.done $0x0  }
0x21: {  	[sflag:s26] =	ssyncadd.s32 $0xFFFFEC00  }
0x22: {  	[spmem:s6] =	stream.linear.scatter [tilespmem:s25], [sflag:$0x3], $0x1400, $0x38;
	[tilespmem:$0x16440] =	vst v63  }
0x23: {  	_ =	swait.ge [sflag:s26], $0x1400  }
0x24: {  	[sflag:s26] =	ssyncset.done $0x0  }
0x25: {  	[sflag:s26] =	ssyncadd.s32 $0xFFFFEC00  }
0x26: {  	[spmem:s7] =	stream.linear.scatter [tilespmem:s25], [sflag:$0x3], $0x1400, $0x38;
	[tilespmem:$0x16440] =	vst v63  }
0x27: {  	_ =	swait.ge [sflag:s26], $0x1400  }
0x28: {  	[sflag:s26] =	ssyncset.done $0x0  }
0x29: {  	[sflag:s26] =	ssyncadd.s32 $0xFFFFEC00  }
0x2a: {  	[spmem:s8] =	stream.linear.scatter [tilespmem:s25], [sflag:$0x3], $0x1400, $0x38;
	[tilespmem:$0x16440] =	vst v63  }
0x2b: {  	_ =	swait.ge [sflag:s26], $0x1400  }
0x2c: {  	[sflag:s26] =	ssyncset.done $0x0  }
0x2d: {  	[sflag:s26] =	ssyncadd.s32 $0xFFFFEC00  }
0x2e: {  	[spmem:s9] =	stream.linear.scatter [tilespmem:s25], [sflag:$0x3], $0x1400, $0x38;
	[tilespmem:$0x16440] =	vst v63  }
0x2f: {  	_ =	swait.ge [sflag:s26], $0x1400  }
0x30: {  	[sflag:s26] =	ssyncset.done $0x0  }
0x31: {  	[sflag:s26] =	ssyncadd.s32 $0xFFFFEC00  }
0x32: {  	[spmem:s10] =	stream.linear.scatter [tilespmem:s25], [sflag:$0x3], $0x1400, $0x38;
	[tilespmem:$0x16440] =	vst v63  }
0x33: {  	_ =	swait.ge [sflag:s26], $0x1400  }
0x34: {  	[sflag:s26] =	ssyncset.done $0x0  }
0x35: {  	[sflag:s26] =	ssyncadd.s32 $0xFFFFEC00  }
0x36: {  	[spmem:s11] =	stream.linear.scatter [tilespmem:s25], [sflag:$0x3], $0x1400, $0x38;
	[tilespmem:$0x16440] =	vst v63  }
0x37: {  	_ =	swait.ge [sflag:s26], $0x1400  }
0x38: {  	[sflag:s26] =	ssyncset.done $0x0  }
0x39: {  	[sflag:s26] =	ssyncadd.s32 $0xFFFFEC00  }
0x3a: {  	[spmem:s12] =	stream.linear.scatter [tilespmem:s25], [sflag:$0x3], $0x1400, $0x38;
	[tilespmem:$0x16440] =	vst v63  }
0x3b: {  	_ =	swait.ge [sflag:s26], $0x1400  }
0x3c: {  	[sflag:s26] =	ssyncset.done $0x0  }
0x3d: {  	[sflag:s26] =	ssyncadd.s32 $0xFFFFEC00  }
0x3e: {  	[spmem:s13] =	stream.linear.scatter [tilespmem:s25], [sflag:$0x3], $0x1400, $0x38;
	[tilespmem:$0x16440] =	vst v63  }
0x3f: {  	_ =	swait.ge [sflag:s26], $0x1400  }
0x40: {  	[sflag:s26] =	ssyncset.done $0x0  }
0x41: {  	[sflag:s26] =	ssyncadd.s32 $0xFFFFEC00  }
0x42: {  	[bflag:$0x0] =	sbarrier.arrive $0xFFFF  }
0x43: {  	s15 =	rddreg [dreg:$0x4]  }
0x44: {  	[tilespmem:s3], [sflag:$0x3] =	stream.linear.gather [hbm4b:s15+s3], $0x4E20, $0x38;
	[tilespmem:$0x16440] =	vst v63  }
0x45: {  	_ =	swait.ge [sflag:s26], $0x4E20  }
0x46: {  	[sflag:s26] =	ssyncset.done $0x0  }
0x47: {  	s5 =	simm.s32 $0x4E20;
	s16 =	rddreg [dreg:$0x5];
	[sflag:s26] =	ssyncadd.s32 $0xFFFFB1E0  }
0x48: {  	[tilespmem:s5], [sflag:$0x3] =	stream.linear.gather [hbm4b:s16+s3], $0x4E20, $0x38;
	[tilespmem:$0x16440] =	vst v63  }
0x49: {  	_ =	swait.ge [sflag:s26], $0x4E20  }
0x4a: {  	[sflag:s26] =	ssyncset.done $0x0  }
0x4b: {  	[sflag:s26] =	ssyncadd.s32 $0xFFFFB1E0  }
0x4c: {  	[tilespmem:s25], [sflag:$0x1] =	stream.indirect.gather [hbm4b:s4+s29], $0x40, s3, s29, $0xb8;
	[tilespmem:$0x16440] =	vst v63  }
0x4d: {  	s5 =	simm.s32 $0x50  }
0x4e: {  	[tilespmem:s30], [sflag:$0x2] =	stream.indirect.gather [hbm4b:s4+s29], $0x40, s5, s29, $0xb8;
	[tilespmem:$0x16440] =	vst v63  }
0x4f: {  	_ =	swait.ge [sflag:s31], $0x1400  }
0x50: {  	[sflag:s31] =	ssyncset.done $0x0  }
0x51: {  	s14 =	simm.s32 $0x4E20;
	[sflag:s31] =	ssyncadd.s32 $0xFFFFEC00  }
0x52: {  	[spmem:s2] =	stream.indirect.scatter.add.bf16 [tilespmem:s25], [sflag:$0x3], $0x40, s14, s29, $0xb8;
	[tilespmem:$0x16440] =	vst v63  }
0x53: {  	_ =	swait.ge [sflag:s26], $0x1400  }
0x54: {  	[sflag:s26] =	ssyncset.done $0x0  }
0x55: {  	s15 =	simm.s32 $0xA0;
	[sflag:s26] =	ssyncadd.s32 $0xFFFFEC00  }
0x56: {  	[tilespmem:s25], [sflag:$0x1] =	stream.indirect.gather [hbm4b:s4+s29], $0x40, s15, s29, $0xb8;
	[tilespmem:$0x16440] =	vst v63  }
0x57: {  	_ =	swait.ge [sflag:s1], $0x1400  }
0x58: {  	[sflag:s1] =	ssyncset.done $0x0  }
0x59: {  	s16 =	simm.s32 $0x4E70;
	[sflag:s1] =	ssyncadd.s32 $0xFFFFEC00  }
0x5a: {  	[spmem:s2] =	stream.indirect.scatter.add.bf16 [tilespmem:s30], [sflag:$0x3], $0x40, s16, s29, $0xb8;
	[tilespmem:$0x16440] =	vst v63  }
0x5b: {  	_ =	swait.ge [sflag:s26], $0x1400  }
0x5c: {  	s0 =	simm.s32 $0xA0;
	s5 =	simm.s32 $0x500;
	[sflag:s26] =	ssyncset.done $0x0  }
.LBB2_2:
0x5d: {  	s14 =	sadd.s32 $0x50, s0  }
0x5e: {  	[sflag:s26] =	ssyncadd.s32 $0xFFFFEC00;
	s15 =	smov.u32 s5;
	s16 =	sadd.s32 $0x280, s5  }
0x5f: {  	[tilespmem:s30], [sflag:$0x2] =	stream.indirect.gather [hbm4b:s4+s29], $0x40, s14, s29, $0xb8;
	[tilespmem:$0x16440] =	vst v63  }
0x60: {  	p0 =	sne.s32 s5, $0x13380;
	_ =	swait.ge [sflag:s31], $0x1400  }
0x61: {  	[sflag:s31] =	ssyncset.done $0x0  }
0x62: {  	s5 =	sadd.s32 $0x4E20, s0;
	[sflag:s31] =	ssyncadd.s32 $0xFFFFEC00  }
0x63: {  	[spmem:s2] =	stream.indirect.scatter.add.bf16 [tilespmem:s25], [sflag:$0x3], $0x40, s5, s29, $0xb8;
	[tilespmem:$0x16440] =	vst v63  }
0x64: {  	_ =	swait.ge [sflag:s26], $0x1400  }
0x65: {  	[sflag:s26] =	ssyncset.done $0x0  }
0x66: {  	s5 =	sadd.s32 $0xA0, s0;
	[sflag:s26] =	ssyncadd.s32 $0xFFFFEC00  }
0x67: {  	[tilespmem:s25], [sflag:$0x1] =	stream.indirect.gather [hbm4b:s4+s29], $0x40, s5, s29, $0xb8;
	[tilespmem:$0x16440] =	vst v63  }
0x68: {  	_ =	swait.ge [sflag:s1], $0x1400  }
.Ltmp0:
0x69: {  	[sflag:s1] =	ssyncset.done $0x0;
	(pc) =	sbr.rel @p0 .LBB2_2-.Ltmp0, $4  }
0x6a: {  	s0 =	sadd.s32 $0x4E70, s0;
	[sflag:s1] =	ssyncadd.s32 $0xFFFFEC00  }
0x6b: {  	[spmem:s2] =	stream.indirect.scatter.add.bf16 [tilespmem:s30], [sflag:$0x3], $0x40, s0, s29, $0xb8;
	[tilespmem:$0x16440] =	vst v63  }
0x6c: {  	_ =	swait.ge [sflag:s26], $0x1400  }
0x6d: {  	s5 =	smov.u32 s16;
	s0 =	sshra.s32 s15, $0x2;
	[sflag:s26] =	ssyncset.done $0x0  }
0x6e: {  	s5 =	sadd.s32 $0x50, s0;
	[sflag:s26] =	ssyncadd.s32 $0xFFFFEC00  }
0x6f: {  	[tilespmem:s30], [sflag:$0x2] =	stream.indirect.gather [hbm4b:s4+s29], $0x40, s5, s29, $0xb8;
	[tilespmem:$0x16440] =	vst v63  }
0x70: {  	_ =	swait.ge [sflag:s31], $0x1400  }
0x71: {  	[sflag:s31] =	ssyncset.done $0x0  }
0x72: {  	s14 =	sadd.s32 $0x4E20, s0;
	[sflag:s31] =	ssyncadd.s32 $0xFFFFEC00  }
0x73: {  	[spmem:s2] =	stream.indirect.scatter.add.bf16 [tilespmem:s25], [sflag:$0x3], $0x40, s14, s29, $0xb8;
	[tilespmem:$0x16440] =	vst v63  }
0x74: {  	_ =	swait.ge [sflag:s26], $0x1400  }
0x75: {  	[sflag:s26] =	ssyncset.done $0x0  }
0x76: {  	s15 =	sadd.s32 $0xA0, s0;
	[sflag:s26] =	ssyncadd.s32 $0xFFFFEC00  }
0x77: {  	[tilespmem:s25], [sflag:$0x1] =	stream.indirect.gather [hbm4b:s4+s29], $0x40, s15, s29, $0xb8;
	[tilespmem:$0x16440] =	vst v63  }
0x78: {  	_ =	swait.ge [sflag:s1], $0x1400  }
0x79: {  	[sflag:s1] =	ssyncset.done $0x0  }
0x7a: {  	s16 =	sadd.s32 $0x4E70, s0;
	[sflag:s1] =	ssyncadd.s32 $0xFFFFEC00  }
0x7b: {  	[spmem:s2] =	stream.indirect.scatter.add.bf16 [tilespmem:s30], [sflag:$0x3], $0x40, s16, s29, $0xb8;
	[tilespmem:$0x16440] =	vst v63  }
0x7c: {  	_ =	swait.ge [sflag:s26], $0x1400  }
0x7d: {  	[sflag:s26] =	ssyncset.done $0x0  }
0x7e: {  	s5 =	simm.s32 $0x4DD0;
	[sflag:s26] =	ssyncadd.s32 $0xFFFFEC00  }
0x7f: {  	[tilespmem:s30], [sflag:$0x2] =	stream.indirect.gather [hbm4b:s4+s29], $0x40, s5, s29, $0xb8;
	[tilespmem:$0x16440] =	vst v63  }
0x80: {  	_ =	swait.ge [sflag:s31], $0x1400  }
0x81: {  	[sflag:s31] =	ssyncset.done $0x0  }
0x82: {  	s14 =	simm.s32 $0x9BA0;
	[sflag:s31] =	ssyncadd.s32 $0xFFFFEC00  }
0x83: {  	[spmem:s2] =	stream.indirect.scatter.add.bf16 [tilespmem:s25], [sflag:$0x3], $0x40, s14, s29, $0xb8;
	[tilespmem:$0x16440] =	vst v63  }
0x84: {  	_ =	swait.ge [sflag:s26], $0x1400  }
0x85: {  	[sflag:s26] =	ssyncset.done $0x0  }
0x86: {  	[sflag:s26] =	ssyncadd.s32 $0xFFFFEC00  }
0x87: {  	_ =	swait.ge [sflag:s1], $0x1400  }
0x88: {  	[sflag:s1] =	ssyncset.done $0x0  }
0x89: {  	s15 =	simm.s32 $0x9BF0;
	[sflag:s1] =	ssyncadd.s32 $0xFFFFEC00  }
0x8a: {  	[spmem:s2] =	stream.indirect.scatter.add.bf16 [tilespmem:s30], [sflag:$0x3], $0x40, s15, s29, $0xb8;
	[tilespmem:$0x16440] =	vst v63  }
0x8b: {  	_ =	swait.ge [sflag:s26], $0x1400  }
0x8c: {  	[sflag:s26] =	ssyncset.done $0x0  }
0x8d: {  	[sflag:s26] =	ssyncadd.s32 $0xFFFFEC00  }
0x8e: {  	[bflag:$0x0] =	sbarrier.arrive $0xFFFF  }
0x8f: {  	[tilespmem:s25], [sflag:$0x3] =	stream.linear.gather [spmem:s6], $0x1400, $0x38;
	[tilespmem:$0x16440] =	vst v63  }
0x90: {  	_ =	swait.ge [sflag:s26], $0x1400  }
0x91: {  	[sflag:s26] =	ssyncset.done $0x0  }
0x92: {  	s16 =	rddreg [dreg:$0x6];
	[sflag:s26] =	ssyncadd.s32 $0xFFFFEC00  }
0x93: {  	[hbm4b:s16+s3] =	stream.linear.scatter [tilespmem:s25], [sflag:$0x3], $0x1400, $0x38;
	[tilespmem:$0x16440] =	vst v63  }
0x94: {  	_ =	swait.ge [sflag:s26], $0x1400  }
0x95: {  	[sflag:s26] =	ssyncset.done $0x0  }
0x96: {  	[sflag:s26] =	ssyncadd.s32 $0xFFFFEC00  }
0x97: {  	[tilespmem:s25], [sflag:$0x3] =	stream.linear.gather [spmem:s7], $0x1400, $0x38;
	[tilespmem:$0x16440] =	vst v63  }
0x98: {  	_ =	swait.ge [sflag:s26], $0x1400  }
0x99: {  	[sflag:s26] =	ssyncset.done $0x0  }
0x9a: {  	[sflag:s26] =	ssyncadd.s32 $0xFFFFEC00  }
0x9b: {  	[hbm4b:s17+s3] =	stream.linear.scatter [tilespmem:s25], [sflag:$0x3], $0x1400, $0x38;
	[tilespmem:$0x16440] =	vst v63  }
0x9c: {  	_ =	swait.ge [sflag:s26], $0x1400  }
0x9d: {  	[sflag:s26] =	ssyncset.done $0x0  }
0x9e: {  	[sflag:s26] =	ssyncadd.s32 $0xFFFFEC00  }
0x9f: {  	[tilespmem:s25], [sflag:$0x3] =	stream.linear.gather [spmem:s8], $0x1400, $0x38;
	[tilespmem:$0x16440] =	vst v63  }
0xa0: {  	_ =	swait.ge [sflag:s26], $0x1400  }
0xa1: {  	[sflag:s26] =	ssyncset.done $0x0  }
0xa2: {  	[sflag:s26] =	ssyncadd.s32 $0xFFFFEC00  }
0xa3: {  	[hbm4b:s18+s3] =	stream.linear.scatter [tilespmem:s25], [sflag:$0x3], $0x1400, $0x38;
	[tilespmem:$0x16440] =	vst v63  }
0xa4: {  	_ =	swait.ge [sflag:s26], $0x1400  }
0xa5: {  	[sflag:s26] =	ssyncset.done $0x0  }
0xa6: {  	[sflag:s26] =	ssyncadd.s32 $0xFFFFEC00  }
0xa7: {  	[tilespmem:s25], [sflag:$0x3] =	stream.linear.gather [spmem:s9], $0x1400, $0x38;
	[tilespmem:$0x16440] =	vst v63  }
0xa8: {  	_ =	swait.ge [sflag:s26], $0x1400  }
0xa9: {  	[sflag:s26] =	ssyncset.done $0x0  }
0xaa: {  	[sflag:s26] =	ssyncadd.s32 $0xFFFFEC00  }
0xab: {  	[hbm4b:s19+s3] =	stream.linear.scatter [tilespmem:s25], [sflag:$0x3], $0x1400, $0x38;
	[tilespmem:$0x16440] =	vst v63  }
0xac: {  	_ =	swait.ge [sflag:s26], $0x1400  }
0xad: {  	[sflag:s26] =	ssyncset.done $0x0  }
0xae: {  	[sflag:s26] =	ssyncadd.s32 $0xFFFFEC00  }
0xaf: {  	[tilespmem:s25], [sflag:$0x3] =	stream.linear.gather [spmem:s10], $0x1400, $0x38;
	[tilespmem:$0x16440] =	vst v63  }
0xb0: {  	_ =	swait.ge [sflag:s26], $0x1400  }
0xb1: {  	[sflag:s26] =	ssyncset.done $0x0  }
0xb2: {  	[sflag:s26] =	ssyncadd.s32 $0xFFFFEC00  }
0xb3: {  	[hbm4b:s20+s3] =	stream.linear.scatter [tilespmem:s25], [sflag:$0x3], $0x1400, $0x38;
	[tilespmem:$0x16440] =	vst v63  }
0xb4: {  	_ =	swait.ge [sflag:s26], $0x1400  }
0xb5: {  	[sflag:s26] =	ssyncset.done $0x0  }
0xb6: {  	[sflag:s26] =	ssyncadd.s32 $0xFFFFEC00  }
0xb7: {  	[tilespmem:s25], [sflag:$0x3] =	stream.linear.gather [spmem:s11], $0x1400, $0x38;
	[tilespmem:$0x16440] =	vst v63  }
0xb8: {  	_ =	swait.ge [sflag:s26], $0x1400  }
0xb9: {  	[sflag:s26] =	ssyncset.done $0x0  }
0xba: {  	[sflag:s26] =	ssyncadd.s32 $0xFFFFEC00  }
0xbb: {  	[hbm4b:s21+s3] =	stream.linear.scatter [tilespmem:s25], [sflag:$0x3], $0x1400, $0x38;
	[tilespmem:$0x16440] =	vst v63  }
0xbc: {  	_ =	swait.ge [sflag:s26], $0x1400  }
0xbd: {  	[sflag:s26] =	ssyncset.done $0x0  }
0xbe: {  	[sflag:s26] =	ssyncadd.s32 $0xFFFFEC00  }
0xbf: {  	[tilespmem:s25], [sflag:$0x3] =	stream.linear.gather [spmem:s12], $0x1400, $0x38;
	[tilespmem:$0x16440] =	vst v63  }
0xc0: {  	_ =	swait.ge [sflag:s26], $0x1400  }
0xc1: {  	[sflag:s26] =	ssyncset.done $0x0  }
0xc2: {  	[sflag:s26] =	ssyncadd.s32 $0xFFFFEC00  }
0xc3: {  	[hbm4b:s22+s3] =	stream.linear.scatter [tilespmem:s25], [sflag:$0x3], $0x1400, $0x38;
	[tilespmem:$0x16440] =	vst v63  }
0xc4: {  	_ =	swait.ge [sflag:s26], $0x1400  }
0xc5: {  	[sflag:s26] =	ssyncset.done $0x0  }
0xc6: {  	[sflag:s26] =	ssyncadd.s32 $0xFFFFEC00  }
0xc7: {  	[tilespmem:s25], [sflag:$0x3] =	stream.linear.gather [spmem:s13], $0x1400, $0x38;
	[tilespmem:$0x16440] =	vst v63  }
0xc8: {  	s28 =	sadd.s32 $0x1, s28;
	_ =	swait.ge [sflag:s26], $0x1400  }
0xc9: {  	p0 =	sne.s32 s28, s24;
	[sflag:s26] =	ssyncset.done $0x0  }
.Ltmp1:
0xca: {  	[sflag:s26] =	ssyncadd.s32 $0xFFFFEC00;
	(pc) =	sbr.rel @p0 .LBB2_1-.Ltmp1, $4  }
0xcb: {  	[hbm4b:s23+s3] =	stream.linear.scatter [tilespmem:s25], [sflag:$0x3], $0x1400, $0x38;
	[tilespmem:$0x16440] =	vst v63  }
0xcc: {  	_ =	swait.ge [sflag:s26], $0x1400  }
0xcd: {  	[sflag:s26] =	ssyncset.done $0x0  }
0xce: {  	[sflag:s26] =	ssyncadd.s32 $0xFFFFEC00  }
0xcf: {  	_ =	sfence.sel $0x180000  }
0xd0: {  	[bflag:$0x0] =	sbarrier.arrive $0xFFFF  }
0xd1: {  	_ =	strace $0x9000004A  }
0xd2: {  	s0 =	stileid.u32;
	[bflag:$0x2] =	sbarrier.arrive $0xFFFF  }
0xd3: {  	p0 =	sne.s32 s0, $0x0;
	s0 =	rddreg [dreg:$0x2]  }
0xd4: {  	s0 =	sadd.s32 @!p0 $0x100000, s0  }
0xd5: {  	[sflag:s0] =	ssyncadd.tile.s32 @!p0 $0x1;
	_ =	shalt  }
.Lfunc_end2:
_tile_overlayer_lowered:
.L_overlay_start_2:
0xd6: {  	(tag) =	ssettag $0x2  }
0xd7: {  	s0 =	rddreg [dreg:$0x0];
	s2 =	stileid.u32  }
0xd8: {  	s1 =	rddreg [dreg:$0x1];
	p0 =	sne.s32 s2, $0x0  }
0xd9: {  	s3 =	rddreg [dreg:$0x2];
	[bflag:$0x3] =	sbarrier.arrive $0xFFFF;
	s2 =	simm.s32 @!p0 $0x1C03  }
0xda: {  	[timem:s3], [sflag:s2] =	dma.local @!p0 [hbm:s0], s1  }
0xdb: {  	s0 =	simm.s32 @!p0 $0x3  }
0xdc: {  	_ =	swait.ge @!p0 [sflag:s0], s1  }
0xdd: {  	s1 =	ssub.s32 @!p0 $0x0, s1;
	[sflag:s0] =	ssyncset.done @!p0 $0x0  }
0xde: {  	[sflag:s0] =	ssyncadd.s32 @!p0 s1  }
0xdf: {  	[bflag:$0x3] =	sbarrier.arrive $0xFFFF  }
0xe0: {  	_ =	shalt  }

</sc_bundles>
